<compile_context>
chip_gen: v7x
topology: tpu7x:2x2x1
jax: 0.10.2.dev20260603
libtpu: 0.0.44.dev20260713+nightly
codegen_flags: <defaults>
</compile_context>

<pallas_src>
import functools

import jax
import jax.numpy as jnp
from jax import lax
from jax.experimental import pallas as pl
from jax.experimental.pallas import tpu as pltpu
from jax.experimental.pallas import tpu_sc as plsc

N = 10000
E = 320000
D = 128

NC = 2
NS = 16
NW = NC * NS
EPW = E // NW
BATCH = 80
CHUNKS = EPW // BATCH
NBUF = 3
STAGES = 5
NP = 10112
RPT = NP // NS

_SC_PARAMS = pltpu.CompilerParams(needs_layout_passes=False)


def _sc_counts(dst_flat):
  mesh = plsc.VectorSubcoreMesh(core_axis_name="c", subcore_axis_name="s")

  @functools.partial(
      pl.kernel,
      out_type=jax.ShapeDtypeStruct((NW, 1, N), jnp.float32),
      mesh=mesh,
      compiler_params=_SC_PARAMS,
      scratch_types=[
          pltpu.VMEM((EPW,), jnp.int32),
          pltpu.VMEM((N,), jnp.float32),
      ],
  )
  def body(dstf_hbm, cnt_hbm, dstf_v, cnt_v):
    c = lax.axis_index("c").astype(jnp.int32)
    s = lax.axis_index("s").astype(jnp.int32)
    wid = s * jnp.int32(NC) + c

    pltpu.sync_copy(dstf_hbm.at[wid, jnp.int32(0)], dstf_v)

    zeros16 = jnp.zeros((16,), jnp.float32)
    ones16 = jnp.ones((16,), jnp.float32)

    @pl.loop(jnp.int32(0), jnp.int32(N // 16))
    def _zero(i):
      cnt_v[pl.ds(i * jnp.int32(16), 16)] = zeros16

    @pl.loop(jnp.int32(0), jnp.int32(EPW // 16))
    def _count(i):
      idx = dstf_v[pl.ds(i * jnp.int32(16), 16)]
      plsc.addupdate_scatter(cnt_v, [idx], ones16)

    pltpu.sync_copy(cnt_v, cnt_hbm.at[wid, jnp.int32(0)])

  return body(dst_flat)


HC = CHUNKS // STAGES


def _sc_accumulate(x, src_idx, dst_idx, zeros):
  mesh = plsc.VectorSubcoreMesh(core_axis_name="c", subcore_axis_name="s")

  @functools.partial(
      pl.kernel,
      out_type=jax.ShapeDtypeStruct((NC, NP, D), jnp.float32),
      mesh=mesh,
      compiler_params=_SC_PARAMS,
      scratch_types=[
          pltpu.VMEM((HC, BATCH), jnp.int32),
          pltpu.VMEM((HC, BATCH), jnp.int32),
          pltpu.VMEM((NBUF, BATCH, D), jnp.float32),
          pltpu.VMEM_SHARED((NP, D), jnp.float32),
          pltpu.SemaphoreType.DMA((NBUF,)),
          pltpu.SemaphoreType.DMA((NBUF,)),
      ],
  )
  def body(x_hbm, srci_hbm, dsti_hbm, zeros_hbm, part_hbm,
           srci_v, dsti_v, rows_v, acc_sh, gsem, ssem):
    c = lax.axis_index("c").astype(jnp.int32)
    s = lax.axis_index("s").astype(jnp.int32)
    wid = s * jnp.int32(NC) + c

    row0 = pl.multiple_of(s * jnp.int32(RPT), RPT)
    pltpu.sync_copy(zeros_hbm.at[pl.ds(row0, RPT)],
                    acc_sh.at[pl.ds(row0, RPT)])

    plsc.subcore_barrier()

    def gather_start(g, b):
      pltpu.async_copy(x_hbm.at[srci_v.at[g]], rows_v.at[b], gsem.at[b])

    def gather_wait(g, b):
      pltpu.make_async_copy(
          x_hbm.at[srci_v.at[g]], rows_v.at[b], gsem.at[b]).wait()

    def scatter_start(g, b):
      pltpu.async_copy(rows_v.at[b], acc_sh.at[dsti_v.at[g]], ssem.at[b],
                       add=True)

    def scatter_wait(g, b):
      pltpu.make_async_copy(
          rows_v.at[b], acc_sh.at[dsti_v.at[g]], ssem.at[b]).wait()

    for st in range(STAGES):
      pltpu.sync_copy(srci_hbm.at[wid, jnp.int32(st)], srci_v)
      pltpu.sync_copy(dsti_hbm.at[wid, jnp.int32(st)], dsti_v)

      gather_start(jnp.int32(0), jnp.int32(0))

      @pl.loop(jnp.int32(0), jnp.int32(HC))
      def _chunk(g):
        b = lax.rem(g, jnp.int32(NBUF))

        @pl.when(g >= jnp.int32(NBUF - 1))
        def _():
          gp = g - jnp.int32(NBUF - 1)
          scatter_wait(gp, lax.rem(gp, jnp.int32(NBUF)))

        @pl.when(g + jnp.int32(1) < jnp.int32(HC))
        def _():
          gather_start(g + jnp.int32(1),
                       lax.rem(g + jnp.int32(1), jnp.int32(NBUF)))

        gather_wait(g, b)
        scatter_start(g, b)

      for p in range(NBUF - 1, 0, -1):
        scatter_wait(jnp.int32(HC - p), jnp.int32((HC - p) % NBUF))

    plsc.subcore_barrier()

    pltpu.sync_copy(acc_sh.at[pl.ds(row0, RPT)],
                    part_hbm.at[c].at[pl.ds(row0, RPT)])

  return body(x, src_idx, dst_idx, zeros)


def _tc_combine(partials, counts):

  def body(p_ref, c_ref, o_ref):
    summed = p_ref[0, :N, :] + p_ref[1, :N, :]
    cnt = jnp.sum(c_ref[:, 0, :], axis=0)
    cnt = jnp.maximum(cnt, 1.0)
    o_ref[...] = summed / cnt[:, None]

  return pl.pallas_call(
      body,
      out_shape=jax.ShapeDtypeStruct((N, D), jnp.float32),
  )(partials, counts)


@jax.jit
def kernel(x, edge_index):
  src = edge_index[0].astype(jnp.int32).reshape(NW, STAGES, HC, BATCH)
  dst = edge_index[1].astype(jnp.int32)
  dst_rows = dst.reshape(NW, STAGES, HC, BATCH)
  dst_flat = dst.reshape(NW, 1, EPW)
  zeros = jnp.zeros((NP, D), jnp.float32)
  x = x.astype(jnp.float32)
  counts = _sc_counts(dst_flat)
  partials = _sc_accumulate(x, src, dst_rows, zeros)
  return _tc_combine(partials, counts)

# --- scband reference (transcript-rebuilt; emitter-appended) ---
"""Pipeline reference for scband-gnn-classifier-1-layer-42047729828416 (READ-ONLY COPY).

The authoritative reference and input builder live on the scoring server;
editing this copy changes nothing except your own understanding.
"""

import jax
jax.config.update("jax_enable_x64", True)
import jax.numpy as jnp
import numpy as np

N = 10000
E = 320000
D = 128


def setup_inputs(seed: int = 0) -> dict:
    key = jax.random.key(seed)
    k1, k2 = jax.random.split(key)
    x = jax.random.normal(k1, (N, D), dtype=jnp.float32)
    edge_index = jax.random.randint(k2, (2, E), 0, N, dtype=jnp.int64)
    return {"x": x, "edge_index": edge_index}


def reference(x, edge_index):
    # SimpleConv with aggr='mean', no edge_weight, combine_root=None:
    # out[i] = mean_{j -> i} x[j]
    src = edge_index[0]
    dst = edge_index[1]
    msgs = jnp.take(x, src, axis=0)  # gather source node features per edge
    summed = jax.ops.segment_sum(msgs, dst, num_segments=N)
    cnt = jax.ops.segment_sum(jnp.ones((E,), dtype=x.dtype), dst, num_segments=N)
    cnt = jnp.maximum(cnt, 1.0)  # PyG mean aggregation clamps count to >= 1
    out = summed / cnt[:, None]
    return out

if __name__ == "__main__":
    import jax
    _d = setup_inputs()
    print(jax.jit(kernel)(*tuple(_d.values())))

</pallas_src>

<mosaic_0001>
#map = affine_map<(d0, d1) -> (0, 0)>
#map1 = affine_map<(d0, d1) -> (0, 0, 0, 0)>
#map2 = affine_map<(d0, d1) -> (0, 0, 0)>
module attributes {stable_mosaic.version = 14 : i64} {
  func.func @body(%arg0: i32, %arg1: i32, %arg2: memref<10000x128xf32, #tpu.memory_space<hbm>>, %arg3: memref<32x5x25x80xi32, #tpu.memory_space<hbm>>, %arg4: memref<32x5x25x80xi32, #tpu.memory_space<hbm>>, %arg5: memref<10112x128xf32, #tpu.memory_space<hbm>>, %arg6: memref<2x10112x128xf32, #tpu.memory_space<hbm>>, %arg7: memref<25x80xi32, #tpu.memory_space<vmem>>, %arg8: memref<25x80xi32, #tpu.memory_space<vmem>>, %arg9: memref<3x80x128xf32, #tpu.memory_space<vmem>>, %arg10: memref<10112x128xf32, #tpu.memory_space<vmem_shared>>, %arg11: memref<3x!tpu.dma_semaphore, #tpu.memory_space<semaphore_mem>>, %arg12: memref<3x!tpu.dma_semaphore, #tpu.memory_space<semaphore_mem>>) attributes {dimension_semantics = [#tpu.dimension_semantics<core_parallel>, #tpu.dimension_semantics<subcore_parallel>], iteration_bounds = array<i64: 2, 16>, scalar_prefetch = 0 : i64, scratch_operands = 6 : i64, tpu.core_type = #tpu.core_type<sc_vector_subcore>, window_params = [{transform_indices = #map}, {transform_indices = #map1}, {transform_indices = #map1}, {transform_indices = #map}, {transform_indices = #map2}]} {
    %mul3A = arith.constant 2 : i32
    %mul3A_0 = arith.muli %arg1, %mul3A : i32
    %add3A = arith.addi %mul3A_0, %arg0 : i32
    %mul3A_1 = arith.constant 632 : i32
    %mul3A_2 = arith.muli %arg1, %mul3A_1 : i32
    %multiple_of3A = tpu.assume_multiple %mul3A_2, 632 : i32
    "tpu.region"() ({
      %run_scoped3A_333 = tpu.sem_alloc : memref<!tpu.dma_semaphore, #tpu.memory_space<semaphore_mem>>
      %dma_start3A_334 = arith.constant 0 : i32
      %dma_start3A_335 = tpu.memref_slice %arg10[%multiple_of3A, %dma_start3A_334] : memref<10112x128xf32, #tpu.memory_space<vmem_shared>> -> memref<632x128xf32, #tpu.memory_space<vmem_shared>>
      %dma_start3A_336 = arith.constant 0 : i32
      %dma_start3A_337 = tpu.memref_slice %arg5[%multiple_of3A, %dma_start3A_336] : memref<10112x128xf32, #tpu.memory_space<hbm>> -> memref<632x128xf32, #tpu.memory_space<hbm>>
      tpu.enqueue_dma source(%dma_start3A_337 : memref<632x128xf32, #tpu.memory_space<hbm>>) target(%dma_start3A_335 : memref<632x128xf32, #tpu.memory_space<vmem_shared>>) target_semaphore(%run_scoped3A_333 : memref<!tpu.dma_semaphore, #tpu.memory_space<semaphore_mem>>)
      %dma_wait3A_338 = arith.constant 0 : i32
      %dma_wait3A_339 = tpu.memref_slice %arg10[%multiple_of3A, %dma_wait3A_338] : memref<10112x128xf32, #tpu.memory_space<vmem_shared>> -> memref<632x128xf32, #tpu.memory_space<vmem_shared>>
      %dma_wait3A_340 = arith.constant 0 : i32
      %dma_wait3A_341 = tpu.memref_slice %arg5[%multiple_of3A, %dma_wait3A_340] : memref<10112x128xf32, #tpu.memory_space<hbm>> -> memref<632x128xf32, #tpu.memory_space<hbm>>
      tpu.wait_dma2 semaphore(%run_scoped3A_333 : memref<!tpu.dma_semaphore, #tpu.memory_space<semaphore_mem>>) src(%dma_wait3A_341 : memref<632x128xf32, #tpu.memory_space<hbm>>) dst(%dma_wait3A_339 : memref<632x128xf32, #tpu.memory_space<vmem_shared>>)
      tpu.yield
    }) : () -> ()
    %barrier3A = arith.constant 0 : index
    tpu.barrier barrier_id(%barrier3A)
    %run_scoped3A = arith.constant 0 : i32
    "tpu.region"() ({
      %run_scoped3A_333 = tpu.sem_alloc : memref<!tpu.dma_semaphore, #tpu.memory_space<semaphore_mem>>
      %dma_start3A_334 = arith.constant 0 : i32
      %dma_start3A_335 = arith.constant 0 : i32
      %dma_start3A_336 = tpu.memref_slice %arg3[%add3A, %run_scoped3A, %dma_start3A_334, %dma_start3A_335] : memref<32x5x25x80xi32, #tpu.memory_space<hbm>> -> memref<1x1x25x80xi32, #tpu.memory_space<hbm>>
      %dma_start3A_337 = tpu.memref_squeeze %dma_start3A_336 : memref<1x1x25x80xi32, #tpu.memory_space<hbm>> -> memref<25x80xi32, #tpu.memory_space<hbm>>
      %dma_start3A_338 = arith.constant 0 : i32
      %dma_start3A_339 = arith.constant 0 : i32
      %dma_start3A_340 = tpu.memref_slice %arg3[%add3A, %run_scoped3A, %dma_start3A_338, %dma_start3A_339] : memref<32x5x25x80xi32, #tpu.memory_space<hbm>> -> memref<1x1x25x80xi32, #tpu.memory_space<hbm>>
      %dma_start3A_341 = tpu.memref_squeeze %dma_start3A_340 : memref<1x1x25x80xi32, #tpu.memory_space<hbm>> -> memref<25x80xi32, #tpu.memory_space<hbm>>
      tpu.enqueue_dma source(%dma_start3A_341 : memref<25x80xi32, #tpu.memory_space<hbm>>) target(%arg7 : memref<25x80xi32, #tpu.memory_space<vmem>>) target_semaphore(%run_scoped3A_333 : memref<!tpu.dma_semaphore, #tpu.memory_space<semaphore_mem>>)
      %dma_wait3A_342 = arith.constant 0 : i32
      %dma_wait3A_343 = arith.constant 0 : i32
      %dma_wait3A_344 = tpu.memref_slice %arg3[%add3A, %run_scoped3A, %dma_wait3A_342, %dma_wait3A_343] : memref<32x5x25x80xi32, #tpu.memory_space<hbm>> -> memref<1x1x25x80xi32, #tpu.memory_space<hbm>>
      %dma_wait3A_345 = tpu.memref_squeeze %dma_wait3A_344 : memref<1x1x25x80xi32, #tpu.memory_space<hbm>> -> memref<25x80xi32, #tpu.memory_space<hbm>>
      %dma_wait3A_346 = arith.constant 0 : i32
      %dma_wait3A_347 = arith.constant 0 : i32
      %dma_wait3A_348 = tpu.memref_slice %arg3[%add3A, %run_scoped3A, %dma_wait3A_346, %dma_wait3A_347] : memref<32x5x25x80xi32, #tpu.memory_space<hbm>> -> memref<1x1x25x80xi32, #tpu.memory_space<hbm>>
      %dma_wait3A_349 = tpu.memref_squeeze %dma_wait3A_348 : memref<1x1x25x80xi32, #tpu.memory_space<hbm>> -> memref<25x80xi32, #tpu.memory_space<hbm>>
      tpu.wait_dma2 semaphore(%run_scoped3A_333 : memref<!tpu.dma_semaphore, #tpu.memory_space<semaphore_mem>>) src(%dma_wait3A_349 : memref<25x80xi32, #tpu.memory_space<hbm>>) dst(%arg7 : memref<25x80xi32, #tpu.memory_space<vmem>>)
      tpu.yield
    }) : () -> ()
    %run_scoped3A_3 = arith.constant 0 : i32
    "tpu.region"() ({
      %run_scoped3A_333 = tpu.sem_alloc : memref<!tpu.dma_semaphore, #tpu.memory_space<semaphore_mem>>
      %dma_start3A_334 = arith.constant 0 : i32
      %dma_start3A_335 = arith.constant 0 : i32
      %dma_start3A_336 = tpu.memref_slice %arg4[%add3A, %run_scoped3A_3, %dma_start3A_334, %dma_start3A_335] : memref<32x5x25x80xi32, #tpu.memory_space<hbm>> -> memref<1x1x25x80xi32, #tpu.memory_space<hbm>>
      %dma_start3A_337 = tpu.memref_squeeze %dma_start3A_336 : memref<1x1x25x80xi32, #tpu.memory_space<hbm>> -> memref<25x80xi32, #tpu.memory_space<hbm>>
      %dma_start3A_338 = arith.constant 0 : i32
      %dma_start3A_339 = arith.constant 0 : i32
      %dma_start3A_340 = tpu.memref_slice %arg4[%add3A, %run_scoped3A_3, %dma_start3A_338, %dma_start3A_339] : memref<32x5x25x80xi32, #tpu.memory_space<hbm>> -> memref<1x1x25x80xi32, #tpu.memory_space<hbm>>
      %dma_start3A_341 = tpu.memref_squeeze %dma_start3A_340 : memref<1x1x25x80xi32, #tpu.memory_space<hbm>> -> memref<25x80xi32, #tpu.memory_space<hbm>>
      tpu.enqueue_dma source(%dma_start3A_341 : memref<25x80xi32, #tpu.memory_space<hbm>>) target(%arg8 : memref<25x80xi32, #tpu.memory_space<vmem>>) target_semaphore(%run_scoped3A_333 : memref<!tpu.dma_semaphore, #tpu.memory_space<semaphore_mem>>)
      %dma_wait3A_342 = arith.constant 0 : i32
      %dma_wait3A_343 = arith.constant 0 : i32
      %dma_wait3A_344 = tpu.memref_slice %arg4[%add3A, %run_scoped3A_3, %dma_wait3A_342, %dma_wait3A_343] : memref<32x5x25x80xi32, #tpu.memory_space<hbm>> -> memref<1x1x25x80xi32, #tpu.memory_space<hbm>>
      %dma_wait3A_345 = tpu.memref_squeeze %dma_wait3A_344 : memref<1x1x25x80xi32, #tpu.memory_space<hbm>> -> memref<25x80xi32, #tpu.memory_space<hbm>>
      %dma_wait3A_346 = arith.constant 0 : i32
      %dma_wait3A_347 = arith.constant 0 : i32
      %dma_wait3A_348 = tpu.memref_slice %arg4[%add3A, %run_scoped3A_3, %dma_wait3A_346, %dma_wait3A_347] : memref<32x5x25x80xi32, #tpu.memory_space<hbm>> -> memref<1x1x25x80xi32, #tpu.memory_space<hbm>>
      %dma_wait3A_349 = tpu.memref_squeeze %dma_wait3A_348 : memref<1x1x25x80xi32, #tpu.memory_space<hbm>> -> memref<25x80xi32, #tpu.memory_space<hbm>>
      tpu.wait_dma2 semaphore(%run_scoped3A_333 : memref<!tpu.dma_semaphore, #tpu.memory_space<semaphore_mem>>) src(%dma_wait3A_349 : memref<25x80xi32, #tpu.memory_space<hbm>>) dst(%arg8 : memref<25x80xi32, #tpu.memory_space<vmem>>)
      tpu.yield
    }) : () -> ()
    %dma_start3A = arith.constant 0 : i32
    %dma_start3A_4 = arith.constant 0 : i32
    %dma_start3A_5 = arith.constant 0 : i32
    %dma_start3A_6 = arith.constant 0 : i32
    %dma_start3A_7 = arith.constant 0 : i32
    %dma_start3A_8 = tpu.memref_slice %arg9[%dma_start3A_4, %dma_start3A_6, %dma_start3A_7] : memref<3x80x128xf32, #tpu.memory_space<vmem>> -> memref<1x80x128xf32, #tpu.memory_space<vmem>>
    %dma_start3A_9 = tpu.memref_squeeze %dma_start3A_8 : memref<1x80x128xf32, #tpu.memory_space<vmem>> -> memref<80x128xf32, #tpu.memory_space<vmem>>
    %dma_start3A_10 = arith.constant 0 : i32
    %dma_start3A_11 = tpu.memref_slice %arg7[%dma_start3A, %dma_start3A_10] : memref<25x80xi32, #tpu.memory_space<vmem>> -> memref<1x80xi32, #tpu.memory_space<vmem>>
    %dma_start3A_12 = tpu.memref_squeeze %dma_start3A_11 : memref<1x80xi32, #tpu.memory_space<vmem>> -> memref<80xi32, #tpu.memory_space<vmem>>
    %dma_start3A_13 = arith.constant 0 : i32
    %dma_start3A_14 = arith.constant 0 : i32
    %dma_start3A_15 = tpu.memref_slice %arg2[%dma_start3A_13, %dma_start3A_14] : memref<10000x128xf32, #tpu.memory_space<hbm>> -> memref<10000x128xf32, #tpu.memory_space<hbm>>
    %dma_start3A_16 = tpu.memref_slice %arg11[%dma_start3A_5] : memref<3x!tpu.dma_semaphore, #tpu.memory_space<semaphore_mem>> -> memref<1x!tpu.dma_semaphore, #tpu.memory_space<semaphore_mem>>
    %dma_start3A_17 = tpu.memref_squeeze %dma_start3A_16 : memref<1x!tpu.dma_semaphore, #tpu.memory_space<semaphore_mem>> -> memref<!tpu.dma_semaphore, #tpu.memory_space<semaphore_mem>>
    tpu.enqueue_indirect_dma source(%dma_start3A_15 : memref<10000x128xf32, #tpu.memory_space<hbm>>) target(%dma_start3A_9 : memref<80x128xf32, #tpu.memory_space<vmem>>) offsets(%dma_start3A_12 : memref<80xi32, #tpu.memory_space<vmem>>) semaphore(%dma_start3A_17 : memref<!tpu.dma_semaphore, #tpu.memory_space<semaphore_mem>>)
    %sub3A = arith.constant 25 : i32
    %sub3A_18 = arith.constant 0 : i32
    %sub3A_19 = arith.subi %sub3A, %sub3A_18 : i32
    %sub3A_20 = arith.constant 1 : i32
    %sub3A_21 = arith.constant 1 : i32
    %sub3A_22 = arith.subi %sub3A_20, %sub3A_21 : i32
    %add3A_23 = arith.addi %sub3A_19, %sub3A_22 : i32
    %div3A = arith.constant 1 : i32
    %div3A_24 = arith.divsi %add3A_23, %div3A : i32
    %while3A = arith.constant 1 : i32
    %while3A_25 = arith.constant 0 : i32
    %while3A_26 = arith.constant 0 : i32
    %while3A_27 = arith.subi %div3A_24, %while3A_26 : i32
    %while3A_28 = arith.addi %while3A_26, %while3A_27 : i32
    %while3A_29 = arith.constant 1 : i32
    %while3A_30 = arith.divsi %while3A_27, %while3A_29 : i32
    %while3A_31 = arith.muli %while3A_30, %while3A_29 : i32
    %while3A_32 = arith.addi %while3A_26, %while3A_31 : i32
    %while3A_33 = arith.constant 1 : i32
    scf.for %while3A_333 = %while3A_26 to %while3A_32 step %while3A_33  : i32 {
      %mul3A_334 = arith.muli %while3A_333, %while3A : i32
      %add3A_335 = arith.addi %while3A_25, %mul3A_334 : i32
      %rem3A = arith.constant 3 : i32
      %rem3A_336 = arith.remsi %add3A_335, %rem3A : i32
      %ge3A = arith.constant 2 : i32
      %ge3A_337 = arith.cmpi sge, %add3A_335, %ge3A : i32
      %convert_element_type3A = arith.extui %ge3A_337 : i1 to i32
      %cond3A = arith.constant 0 : i32
      %cond3A_338 = arith.cmpi ne, %convert_element_type3A, %cond3A : i32
      scf.if %cond3A_338 {
        %sub3A_369 = arith.constant 2 : i32
        %sub3A_370 = arith.subi %add3A_335, %sub3A_369 : i32
        %rem3A_371 = arith.constant 3 : i32
        %rem3A_372 = arith.remsi %sub3A_370, %rem3A_371 : i32
        %dma_wait3A_373 = arith.constant 0 : i32
        %dma_wait3A_374 = arith.constant 0 : i32
        %dma_wait3A_375 = tpu.memref_slice %arg9[%rem3A_372, %dma_wait3A_373, %dma_wait3A_374] : memref<3x80x128xf32, #tpu.memory_space<vmem>> -> memref<1x80x128xf32, #tpu.memory_space<vmem>>
        %dma_wait3A_376 = tpu.memref_squeeze %dma_wait3A_375 : memref<1x80x128xf32, #tpu.memory_space<vmem>> -> memref<80x128xf32, #tpu.memory_space<vmem>>
        %dma_wait3A_377 = arith.constant 0 : i32
        %dma_wait3A_378 = tpu.memref_slice %arg8[%sub3A_370, %dma_wait3A_377] : memref<25x80xi32, #tpu.memory_space<vmem>> -> memref<1x80xi32, #tpu.memory_space<vmem>>
        %dma_wait3A_379 = tpu.memref_squeeze %dma_wait3A_378 : memref<1x80xi32, #tpu.memory_space<vmem>> -> memref<80xi32, #tpu.memory_space<vmem>>
        %dma_wait3A_380 = arith.constant 0 : i32
        %dma_wait3A_381 = arith.constant 0 : i32
        %dma_wait3A_382 = tpu.memref_slice %arg10[%dma_wait3A_380, %dma_wait3A_381] : memref<10112x128xf32, #tpu.memory_space<vmem_shared>> -> memref<10112x128xf32, #tpu.memory_space<vmem_shared>>
        %dma_wait3A_383 = tpu.memref_slice %arg12[%rem3A_372] : memref<3x!tpu.dma_semaphore, #tpu.memory_space<semaphore_mem>> -> memref<1x!tpu.dma_semaphore, #tpu.memory_space<semaphore_mem>>
        %dma_wait3A_384 = tpu.memref_squeeze %dma_wait3A_383 : memref<1x!tpu.dma_semaphore, #tpu.memory_space<semaphore_mem>> -> memref<!tpu.dma_semaphore, #tpu.memory_space<semaphore_mem>>
        tpu.wait_indirect_dma semaphore(%dma_wait3A_384 : memref<!tpu.dma_semaphore, #tpu.memory_space<semaphore_mem>>) src(%dma_wait3A_376 : memref<80x128xf32, #tpu.memory_space<vmem>>) dst(%dma_wait3A_382 : memref<10112x128xf32, #tpu.memory_space<vmem_shared>>)
      } else {
      }
      %add3A_339 = arith.constant 1 : i32
      %add3A_340 = arith.addi %add3A_335, %add3A_339 : i32
      %lt3A = arith.constant 25 : i32
      %lt3A_341 = arith.cmpi slt, %add3A_340, %lt3A : i32
      %convert_element_type3A_342 = arith.extui %lt3A_341 : i1 to i32
      %cond3A_343 = arith.constant 0 : i32
      %cond3A_344 = arith.cmpi ne, %convert_element_type3A_342, %cond3A_343 : i32
      scf.if %cond3A_344 {
        %add3A_369 = arith.constant 1 : i32
        %add3A_370 = arith.addi %add3A_335, %add3A_369 : i32
        %add3A_371 = arith.constant 1 : i32
        %add3A_372 = arith.addi %add3A_335, %add3A_371 : i32
        %rem3A_373 = arith.constant 3 : i32
        %rem3A_374 = arith.remsi %add3A_372, %rem3A_373 : i32
        %dma_start3A_375 = arith.constant 0 : i32
        %dma_start3A_376 = arith.constant 0 : i32
        %dma_start3A_377 = tpu.memref_slice %arg9[%rem3A_374, %dma_start3A_375, %dma_start3A_376] : memref<3x80x128xf32, #tpu.memory_space<vmem>> -> memref<1x80x128xf32, #tpu.memory_space<vmem>>
        %dma_start3A_378 = tpu.memref_squeeze %dma_start3A_377 : memref<1x80x128xf32, #tpu.memory_space<vmem>> -> memref<80x128xf32, #tpu.memory_space<vmem>>
        %dma_start3A_379 = arith.constant 0 : i32
        %dma_start3A_380 = tpu.memref_slice %arg7[%add3A_370, %dma_start3A_379] : memref<25x80xi32, #tpu.memory_space<vmem>> -> memref<1x80xi32, #tpu.memory_space<vmem>>
        %dma_start3A_381 = tpu.memref_squeeze %dma_start3A_380 : memref<1x80xi32, #tpu.memory_space<vmem>> -> memref<80xi32, #tpu.memory_space<vmem>>
        %dma_start3A_382 = arith.constant 0 : i32
        %dma_start3A_383 = arith.constant 0 : i32
        %dma_start3A_384 = tpu.memref_slice %arg2[%dma_start3A_382, %dma_start3A_383] : memref<10000x128xf32, #tpu.memory_space<hbm>> -> memref<10000x128xf32, #tpu.memory_space<hbm>>
        %dma_start3A_385 = tpu.memref_slice %arg11[%rem3A_374] : memref<3x!tpu.dma_semaphore, #tpu.memory_space<semaphore_mem>> -> memref<1x!tpu.dma_semaphore, #tpu.memory_space<semaphore_mem>>
        %dma_start3A_386 = tpu.memref_squeeze %dma_start3A_385 : memref<1x!tpu.dma_semaphore, #tpu.memory_space<semaphore_mem>> -> memref<!tpu.dma_semaphore, #tpu.memory_space<semaphore_mem>>
        tpu.enqueue_indirect_dma source(%dma_start3A_384 : memref<10000x128xf32, #tpu.memory_space<hbm>>) target(%dma_start3A_378 : memref<80x128xf32, #tpu.memory_space<vmem>>) offsets(%dma_start3A_381 : memref<80xi32, #tpu.memory_space<vmem>>) semaphore(%dma_start3A_386 : memref<!tpu.dma_semaphore, #tpu.memory_space<semaphore_mem>>)
      } else {
      }
      %dma_wait3A_345 = arith.constant 0 : i32
      %dma_wait3A_346 = arith.constant 0 : i32
      %dma_wait3A_347 = tpu.memref_slice %arg9[%rem3A_336, %dma_wait3A_345, %dma_wait3A_346] : memref<3x80x128xf32, #tpu.memory_space<vmem>> -> memref<1x80x128xf32, #tpu.memory_space<vmem>>
      %dma_wait3A_348 = tpu.memref_squeeze %dma_wait3A_347 : memref<1x80x128xf32, #tpu.memory_space<vmem>> -> memref<80x128xf32, #tpu.memory_space<vmem>>
      %dma_wait3A_349 = arith.constant 0 : i32
      %dma_wait3A_350 = tpu.memref_slice %arg7[%add3A_335, %dma_wait3A_349] : memref<25x80xi32, #tpu.memory_space<vmem>> -> memref<1x80xi32, #tpu.memory_space<vmem>>
      %dma_wait3A_351 = tpu.memref_squeeze %dma_wait3A_350 : memref<1x80xi32, #tpu.memory_space<vmem>> -> memref<80xi32, #tpu.memory_space<vmem>>
      %dma_wait3A_352 = arith.constant 0 : i32
      %dma_wait3A_353 = arith.constant 0 : i32
      %dma_wait3A_354 = tpu.memref_slice %arg2[%dma_wait3A_352, %dma_wait3A_353] : memref<10000x128xf32, #tpu.memory_space<hbm>> -> memref<10000x128xf32, #tpu.memory_space<hbm>>
      %dma_wait3A_355 = tpu.memref_slice %arg11[%rem3A_336] : memref<3x!tpu.dma_semaphore, #tpu.memory_space<semaphore_mem>> -> memref<1x!tpu.dma_semaphore, #tpu.memory_space<semaphore_mem>>
      %dma_wait3A_356 = tpu.memref_squeeze %dma_wait3A_355 : memref<1x!tpu.dma_semaphore, #tpu.memory_space<semaphore_mem>> -> memref<!tpu.dma_semaphore, #tpu.memory_space<semaphore_mem>>
      tpu.wait_indirect_dma semaphore(%dma_wait3A_356 : memref<!tpu.dma_semaphore, #tpu.memory_space<semaphore_mem>>) src(%dma_wait3A_354 : memref<10000x128xf32, #tpu.memory_space<hbm>>) dst(%dma_wait3A_348 : memref<80x128xf32, #tpu.memory_space<vmem>>)
      %dma_start3A_357 = arith.constant 0 : i32
      %dma_start3A_358 = arith.constant 0 : i32
      %dma_start3A_359 = tpu.memref_slice %arg9[%rem3A_336, %dma_start3A_357, %dma_start3A_358] : memref<3x80x128xf32, #tpu.memory_space<vmem>> -> memref<1x80x128xf32, #tpu.memory_space<vmem>>
      %dma_start3A_360 = tpu.memref_squeeze %dma_start3A_359 : memref<1x80x128xf32, #tpu.memory_space<vmem>> -> memref<80x128xf32, #tpu.memory_space<vmem>>
      %dma_start3A_361 = arith.constant 0 : i32
      %dma_start3A_362 = tpu.memref_slice %arg8[%add3A_335, %dma_start3A_361] : memref<25x80xi32, #tpu.memory_space<vmem>> -> memref<1x80xi32, #tpu.memory_space<vmem>>
      %dma_start3A_363 = tpu.memref_squeeze %dma_start3A_362 : memref<1x80xi32, #tpu.memory_space<vmem>> -> memref<80xi32, #tpu.memory_space<vmem>>
      %dma_start3A_364 = arith.constant 0 : i32
      %dma_start3A_365 = arith.constant 0 : i32
      %dma_start3A_366 = tpu.memref_slice %arg10[%dma_start3A_364, %dma_start3A_365] : memref<10112x128xf32, #tpu.memory_space<vmem_shared>> -> memref<10112x128xf32, #tpu.memory_space<vmem_shared>>
      %dma_start3A_367 = tpu.memref_slice %arg12[%rem3A_336] : memref<3x!tpu.dma_semaphore, #tpu.memory_space<semaphore_mem>> -> memref<1x!tpu.dma_semaphore, #tpu.memory_space<semaphore_mem>>
      %dma_start3A_368 = tpu.memref_squeeze %dma_start3A_367 : memref<1x!tpu.dma_semaphore, #tpu.memory_space<semaphore_mem>> -> memref<!tpu.dma_semaphore, #tpu.memory_space<semaphore_mem>>
      tpu.enqueue_indirect_dma source(%dma_start3A_360 : memref<80x128xf32, #tpu.memory_space<vmem>>) target(%dma_start3A_366 : memref<10112x128xf32, #tpu.memory_space<vmem_shared>>) offsets(%dma_start3A_363 : memref<80xi32, #tpu.memory_space<vmem>>) semaphore(%dma_start3A_368 : memref<!tpu.dma_semaphore, #tpu.memory_space<semaphore_mem>>) {add = true}
    }
    %while3A_34 = arith.constant 1 : i32
    scf.for %while3A_333 = %while3A_32 to %while3A_28 step %while3A_34  : i32 {
      %mul3A_334 = arith.muli %while3A_333, %while3A : i32
      %add3A_335 = arith.addi %while3A_25, %mul3A_334 : i32
      %rem3A = arith.constant 3 : i32
      %rem3A_336 = arith.remsi %add3A_335, %rem3A : i32
      %ge3A = arith.constant 2 : i32
      %ge3A_337 = arith.cmpi sge, %add3A_335, %ge3A : i32
      %convert_element_type3A = arith.extui %ge3A_337 : i1 to i32
      %cond3A = arith.constant 0 : i32
      %cond3A_338 = arith.cmpi ne, %convert_element_type3A, %cond3A : i32
      scf.if %cond3A_338 {
        %sub3A_369 = arith.constant 2 : i32
        %sub3A_370 = arith.subi %add3A_335, %sub3A_369 : i32
        %rem3A_371 = arith.constant 3 : i32
        %rem3A_372 = arith.remsi %sub3A_370, %rem3A_371 : i32
        %dma_wait3A_373 = arith.constant 0 : i32
        %dma_wait3A_374 = arith.constant 0 : i32
        %dma_wait3A_375 = tpu.memref_slice %arg9[%rem3A_372, %dma_wait3A_373, %dma_wait3A_374] : memref<3x80x128xf32, #tpu.memory_space<vmem>> -> memref<1x80x128xf32, #tpu.memory_space<vmem>>
        %dma_wait3A_376 = tpu.memref_squeeze %dma_wait3A_375 : memref<1x80x128xf32, #tpu.memory_space<vmem>> -> memref<80x128xf32, #tpu.memory_space<vmem>>
        %dma_wait3A_377 = arith.constant 0 : i32
        %dma_wait3A_378 = tpu.memref_slice %arg8[%sub3A_370, %dma_wait3A_377] : memref<25x80xi32, #tpu.memory_space<vmem>> -> memref<1x80xi32, #tpu.memory_space<vmem>>
        %dma_wait3A_379 = tpu.memref_squeeze %dma_wait3A_378 : memref<1x80xi32, #tpu.memory_space<vmem>> -> memref<80xi32, #tpu.memory_space<vmem>>
        %dma_wait3A_380 = arith.constant 0 : i32
        %dma_wait3A_381 = arith.constant 0 : i32
        %dma_wait3A_382 = tpu.memref_slice %arg10[%dma_wait3A_380, %dma_wait3A_381] : memref<10112x128xf32, #tpu.memory_space<vmem_shared>> -> memref<10112x128xf32, #tpu.memory_space<vmem_shared>>
        %dma_wait3A_383 = tpu.memref_slice %arg12[%rem3A_372] : memref<3x!tpu.dma_semaphore, #tpu.memory_space<semaphore_mem>> -> memref<1x!tpu.dma_semaphore, #tpu.memory_space<semaphore_mem>>
        %dma_wait3A_384 = tpu.memref_squeeze %dma_wait3A_383 : memref<1x!tpu.dma_semaphore, #tpu.memory_space<semaphore_mem>> -> memref<!tpu.dma_semaphore, #tpu.memory_space<semaphore_mem>>
        tpu.wait_indirect_dma semaphore(%dma_wait3A_384 : memref<!tpu.dma_semaphore, #tpu.memory_space<semaphore_mem>>) src(%dma_wait3A_376 : memref<80x128xf32, #tpu.memory_space<vmem>>) dst(%dma_wait3A_382 : memref<10112x128xf32, #tpu.memory_space<vmem_shared>>)
      } else {
      }
      %add3A_339 = arith.constant 1 : i32
      %add3A_340 = arith.addi %add3A_335, %add3A_339 : i32
      %lt3A = arith.constant 25 : i32
      %lt3A_341 = arith.cmpi slt, %add3A_340, %lt3A : i32
      %convert_element_type3A_342 = arith.extui %lt3A_341 : i1 to i32
      %cond3A_343 = arith.constant 0 : i32
      %cond3A_344 = arith.cmpi ne, %convert_element_type3A_342, %cond3A_343 : i32
      scf.if %cond3A_344 {
        %add3A_369 = arith.constant 1 : i32
        %add3A_370 = arith.addi %add3A_335, %add3A_369 : i32
        %add3A_371 = arith.constant 1 : i32
        %add3A_372 = arith.addi %add3A_335, %add3A_371 : i32
        %rem3A_373 = arith.constant 3 : i32
        %rem3A_374 = arith.remsi %add3A_372, %rem3A_373 : i32
        %dma_start3A_375 = arith.constant 0 : i32
        %dma_start3A_376 = arith.constant 0 : i32
        %dma_start3A_377 = tpu.memref_slice %arg9[%rem3A_374, %dma_start3A_375, %dma_start3A_376] : memref<3x80x128xf32, #tpu.memory_space<vmem>> -> memref<1x80x128xf32, #tpu.memory_space<vmem>>
        %dma_start3A_378 = tpu.memref_squeeze %dma_start3A_377 : memref<1x80x128xf32, #tpu.memory_space<vmem>> -> memref<80x128xf32, #tpu.memory_space<vmem>>
        %dma_start3A_379 = arith.constant 0 : i32
        %dma_start3A_380 = tpu.memref_slice %arg7[%add3A_370, %dma_start3A_379] : memref<25x80xi32, #tpu.memory_space<vmem>> -> memref<1x80xi32, #tpu.memory_space<vmem>>
        %dma_start3A_381 = tpu.memref_squeeze %dma_start3A_380 : memref<1x80xi32, #tpu.memory_space<vmem>> -> memref<80xi32, #tpu.memory_space<vmem>>
        %dma_start3A_382 = arith.constant 0 : i32
        %dma_start3A_383 = arith.constant 0 : i32
        %dma_start3A_384 = tpu.memref_slice %arg2[%dma_start3A_382, %dma_start3A_383] : memref<10000x128xf32, #tpu.memory_space<hbm>> -> memref<10000x128xf32, #tpu.memory_space<hbm>>
        %dma_start3A_385 = tpu.memref_slice %arg11[%rem3A_374] : memref<3x!tpu.dma_semaphore, #tpu.memory_space<semaphore_mem>> -> memref<1x!tpu.dma_semaphore, #tpu.memory_space<semaphore_mem>>
        %dma_start3A_386 = tpu.memref_squeeze %dma_start3A_385 : memref<1x!tpu.dma_semaphore, #tpu.memory_space<semaphore_mem>> -> memref<!tpu.dma_semaphore, #tpu.memory_space<semaphore_mem>>
        tpu.enqueue_indirect_dma source(%dma_start3A_384 : memref<10000x128xf32, #tpu.memory_space<hbm>>) target(%dma_start3A_378 : memref<80x128xf32, #tpu.memory_space<vmem>>) offsets(%dma_start3A_381 : memref<80xi32, #tpu.memory_space<vmem>>) semaphore(%dma_start3A_386 : memref<!tpu.dma_semaphore, #tpu.memory_space<semaphore_mem>>)
      } else {
      }
      %dma_wait3A_345 = arith.constant 0 : i32
      %dma_wait3A_346 = arith.constant 0 : i32
      %dma_wait3A_347 = tpu.memref_slice %arg9[%rem3A_336, %dma_wait3A_345, %dma_wait3A_346] : memref<3x80x128xf32, #tpu.memory_space<vmem>> -> memref<1x80x128xf32, #tpu.memory_space<vmem>>
      %dma_wait3A_348 = tpu.memref_squeeze %dma_wait3A_347 : memref<1x80x128xf32, #tpu.memory_space<vmem>> -> memref<80x128xf32, #tpu.memory_space<vmem>>
      %dma_wait3A_349 = arith.constant 0 : i32
      %dma_wait3A_350 = tpu.memref_slice %arg7[%add3A_335, %dma_wait3A_349] : memref<25x80xi32, #tpu.memory_space<vmem>> -> memref<1x80xi32, #tpu.memory_space<vmem>>
      %dma_wait3A_351 = tpu.memref_squeeze %dma_wait3A_350 : memref<1x80xi32, #tpu.memory_space<vmem>> -> memref<80xi32, #tpu.memory_space<vmem>>
      %dma_wait3A_352 = arith.constant 0 : i32
      %dma_wait3A_353 = arith.constant 0 : i32
      %dma_wait3A_354 = tpu.memref_slice %arg2[%dma_wait3A_352, %dma_wait3A_353] : memref<10000x128xf32, #tpu.memory_space<hbm>> -> memref<10000x128xf32, #tpu.memory_space<hbm>>
      %dma_wait3A_355 = tpu.memref_slice %arg11[%rem3A_336] : memref<3x!tpu.dma_semaphore, #tpu.memory_space<semaphore_mem>> -> memref<1x!tpu.dma_semaphore, #tpu.memory_space<semaphore_mem>>
      %dma_wait3A_356 = tpu.memref_squeeze %dma_wait3A_355 : memref<1x!tpu.dma_semaphore, #tpu.memory_space<semaphore_mem>> -> memref<!tpu.dma_semaphore, #tpu.memory_space<semaphore_mem>>
      tpu.wait_indirect_dma semaphore(%dma_wait3A_356 : memref<!tpu.dma_semaphore, #tpu.memory_space<semaphore_mem>>) src(%dma_wait3A_354 : memref<10000x128xf32, #tpu.memory_space<hbm>>) dst(%dma_wait3A_348 : memref<80x128xf32, #tpu.memory_space<vmem>>)
      %dma_start3A_357 = arith.constant 0 : i32
      %dma_start3A_358 = arith.constant 0 : i32
      %dma_start3A_359 = tpu.memref_slice %arg9[%rem3A_336, %dma_start3A_357, %dma_start3A_358] : memref<3x80x128xf32, #tpu.memory_space<vmem>> -> memref<1x80x128xf32, #tpu.memory_space<vmem>>
      %dma_start3A_360 = tpu.memref_squeeze %dma_start3A_359 : memref<1x80x128xf32, #tpu.memory_space<vmem>> -> memref<80x128xf32, #tpu.memory_space<vmem>>
      %dma_start3A_361 = arith.constant 0 : i32
      %dma_start3A_362 = tpu.memref_slice %arg8[%add3A_335, %dma_start3A_361] : memref<25x80xi32, #tpu.memory_space<vmem>> -> memref<1x80xi32, #tpu.memory_space<vmem>>
      %dma_start3A_363 = tpu.memref_squeeze %dma_start3A_362 : memref<1x80xi32, #tpu.memory_space<vmem>> -> memref<80xi32, #tpu.memory_space<vmem>>
      %dma_start3A_364 = arith.constant 0 : i32
      %dma_start3A_365 = arith.constant 0 : i32
      %dma_start3A_366 = tpu.memref_slice %arg10[%dma_start3A_364, %dma_start3A_365] : memref<10112x128xf32, #tpu.memory_space<vmem_shared>> -> memref<10112x128xf32, #tpu.memory_space<vmem_shared>>
      %dma_start3A_367 = tpu.memref_slice %arg12[%rem3A_336] : memref<3x!tpu.dma_semaphore, #tpu.memory_space<semaphore_mem>> -> memref<1x!tpu.dma_semaphore, #tpu.memory_space<semaphore_mem>>
      %dma_start3A_368 = tpu.memref_squeeze %dma_start3A_367 : memref<1x!tpu.dma_semaphore, #tpu.memory_space<semaphore_mem>> -> memref<!tpu.dma_semaphore, #tpu.memory_space<semaphore_mem>>
      tpu.enqueue_indirect_dma source(%dma_start3A_360 : memref<80x128xf32, #tpu.memory_space<vmem>>) target(%dma_start3A_366 : memref<10112x128xf32, #tpu.memory_space<vmem_shared>>) offsets(%dma_start3A_363 : memref<80xi32, #tpu.memory_space<vmem>>) semaphore(%dma_start3A_368 : memref<!tpu.dma_semaphore, #tpu.memory_space<semaphore_mem>>) {add = true}
    }
    %dma_wait3A = arith.constant 2 : i32
    %dma_wait3A_35 = arith.constant 23 : i32
    %dma_wait3A_36 = arith.constant 2 : i32
    %dma_wait3A_37 = arith.constant 0 : i32
    %dma_wait3A_38 = arith.constant 0 : i32
    %dma_wait3A_39 = tpu.memref_slice %arg9[%dma_wait3A, %dma_wait3A_37, %dma_wait3A_38] : memref<3x80x128xf32, #tpu.memory_space<vmem>> -> memref<1x80x128xf32, #tpu.memory_space<vmem>>
    %dma_wait3A_40 = tpu.memref_squeeze %dma_wait3A_39 : memref<1x80x128xf32, #tpu.memory_space<vmem>> -> memref<80x128xf32, #tpu.memory_space<vmem>>
    %dma_wait3A_41 = arith.constant 0 : i32
    %dma_wait3A_42 = tpu.memref_slice %arg8[%dma_wait3A_35, %dma_wait3A_41] : memref<25x80xi32, #tpu.memory_space<vmem>> -> memref<1x80xi32, #tpu.memory_space<vmem>>
    %dma_wait3A_43 = tpu.memref_squeeze %dma_wait3A_42 : memref<1x80xi32, #tpu.memory_space<vmem>> -> memref<80xi32, #tpu.memory_space<vmem>>
    %dma_wait3A_44 = arith.constant 0 : i32
    %dma_wait3A_45 = arith.constant 0 : i32
    %dma_wait3A_46 = tpu.memref_slice %arg10[%dma_wait3A_44, %dma_wait3A_45] : memref<10112x128xf32, #tpu.memory_space<vmem_shared>> -> memref<10112x128xf32, #tpu.memory_space<vmem_shared>>
    %dma_wait3A_47 = tpu.memref_slice %arg12[%dma_wait3A_36] : memref<3x!tpu.dma_semaphore, #tpu.memory_space<semaphore_mem>> -> memref<1x!tpu.dma_semaphore, #tpu.memory_space<semaphore_mem>>
    %dma_wait3A_48 = tpu.memref_squeeze %dma_wait3A_47 : memref<1x!tpu.dma_semaphore, #tpu.memory_space<semaphore_mem>> -> memref<!tpu.dma_semaphore, #tpu.memory_space<semaphore_mem>>
    tpu.wait_indirect_dma semaphore(%dma_wait3A_48 : memref<!tpu.dma_semaphore, #tpu.memory_space<semaphore_mem>>) src(%dma_wait3A_40 : memref<80x128xf32, #tpu.memory_space<vmem>>) dst(%dma_wait3A_46 : memref<10112x128xf32, #tpu.memory_space<vmem_shared>>)
    %dma_wait3A_49 = arith.constant 0 : i32
    %dma_wait3A_50 = arith.constant 24 : i32
    %dma_wait3A_51 = arith.constant 0 : i32
    %dma_wait3A_52 = arith.constant 0 : i32
    %dma_wait3A_53 = arith.constant 0 : i32
    %dma_wait3A_54 = tpu.memref_slice %arg9[%dma_wait3A_49, %dma_wait3A_52, %dma_wait3A_53] : memref<3x80x128xf32, #tpu.memory_space<vmem>> -> memref<1x80x128xf32, #tpu.memory_space<vmem>>
    %dma_wait3A_55 = tpu.memref_squeeze %dma_wait3A_54 : memref<1x80x128xf32, #tpu.memory_space<vmem>> -> memref<80x128xf32, #tpu.memory_space<vmem>>
    %dma_wait3A_56 = arith.constant 0 : i32
    %dma_wait3A_57 = tpu.memref_slice %arg8[%dma_wait3A_50, %dma_wait3A_56] : memref<25x80xi32, #tpu.memory_space<vmem>> -> memref<1x80xi32, #tpu.memory_space<vmem>>
    %dma_wait3A_58 = tpu.memref_squeeze %dma_wait3A_57 : memref<1x80xi32, #tpu.memory_space<vmem>> -> memref<80xi32, #tpu.memory_space<vmem>>
    %dma_wait3A_59 = arith.constant 0 : i32
    %dma_wait3A_60 = arith.constant 0 : i32
    %dma_wait3A_61 = tpu.memref_slice %arg10[%dma_wait3A_59, %dma_wait3A_60] : memref<10112x128xf32, #tpu.memory_space<vmem_shared>> -> memref<10112x128xf32, #tpu.memory_space<vmem_shared>>
    %dma_wait3A_62 = tpu.memref_slice %arg12[%dma_wait3A_51] : memref<3x!tpu.dma_semaphore, #tpu.memory_space<semaphore_mem>> -> memref<1x!tpu.dma_semaphore, #tpu.memory_space<semaphore_mem>>
    %dma_wait3A_63 = tpu.memref_squeeze %dma_wait3A_62 : memref<1x!tpu.dma_semaphore, #tpu.memory_space<semaphore_mem>> -> memref<!tpu.dma_semaphore, #tpu.memory_space<semaphore_mem>>
    tpu.wait_indirect_dma semaphore(%dma_wait3A_63 : memref<!tpu.dma_semaphore, #tpu.memory_space<semaphore_mem>>) src(%dma_wait3A_55 : memref<80x128xf32, #tpu.memory_space<vmem>>) dst(%dma_wait3A_61 : memref<10112x128xf32, #tpu.memory_space<vmem_shared>>)
    %run_scoped3A_64 = arith.constant 1 : i32
    "tpu.region"() ({
      %run_scoped3A_333 = tpu.sem_alloc : memref<!tpu.dma_semaphore, #tpu.memory_space<semaphore_mem>>
      %dma_start3A_334 = arith.constant 0 : i32
      %dma_start3A_335 = arith.constant 0 : i32
      %dma_start3A_336 = tpu.memref_slice %arg3[%add3A, %run_scoped3A_64, %dma_start3A_334, %dma_start3A_335] : memref<32x5x25x80xi32, #tpu.memory_space<hbm>> -> memref<1x1x25x80xi32, #tpu.memory_space<hbm>>
      %dma_start3A_337 = tpu.memref_squeeze %dma_start3A_336 : memref<1x1x25x80xi32, #tpu.memory_space<hbm>> -> memref<25x80xi32, #tpu.memory_space<hbm>>
      %dma_start3A_338 = arith.constant 0 : i32
      %dma_start3A_339 = arith.constant 0 : i32
      %dma_start3A_340 = tpu.memref_slice %arg3[%add3A, %run_scoped3A_64, %dma_start3A_338, %dma_start3A_339] : memref<32x5x25x80xi32, #tpu.memory_space<hbm>> -> memref<1x1x25x80xi32, #tpu.memory_space<hbm>>
      %dma_start3A_341 = tpu.memref_squeeze %dma_start3A_340 : memref<1x1x25x80xi32, #tpu.memory_space<hbm>> -> memref<25x80xi32, #tpu.memory_space<hbm>>
      tpu.enqueue_dma source(%dma_start3A_341 : memref<25x80xi32, #tpu.memory_space<hbm>>) target(%arg7 : memref<25x80xi32, #tpu.memory_space<vmem>>) target_semaphore(%run_scoped3A_333 : memref<!tpu.dma_semaphore, #tpu.memory_space<semaphore_mem>>)
      %dma_wait3A_342 = arith.constant 0 : i32
      %dma_wait3A_343 = arith.constant 0 : i32
      %dma_wait3A_344 = tpu.memref_slice %arg3[%add3A, %run_scoped3A_64, %dma_wait3A_342, %dma_wait3A_343] : memref<32x5x25x80xi32, #tpu.memory_space<hbm>> -> memref<1x1x25x80xi32, #tpu.memory_space<hbm>>
      %dma_wait3A_345 = tpu.memref_squeeze %dma_wait3A_344 : memref<1x1x25x80xi32, #tpu.memory_space<hbm>> -> memref<25x80xi32, #tpu.memory_space<hbm>>
      %dma_wait3A_346 = arith.constant 0 : i32
      %dma_wait3A_347 = arith.constant 0 : i32
      %dma_wait3A_348 = tpu.memref_slice %arg3[%add3A, %run_scoped3A_64, %dma_wait3A_346, %dma_wait3A_347] : memref<32x5x25x80xi32, #tpu.memory_space<hbm>> -> memref<1x1x25x80xi32, #tpu.memory_space<hbm>>
      %dma_wait3A_349 = tpu.memref_squeeze %dma_wait3A_348 : memref<1x1x25x80xi32, #tpu.memory_space<hbm>> -> memref<25x80xi32, #tpu.memory_space<hbm>>
      tpu.wait_dma2 semaphore(%run_scoped3A_333 : memref<!tpu.dma_semaphore, #tpu.memory_space<semaphore_mem>>) src(%dma_wait3A_349 : memref<25x80xi32, #tpu.memory_space<hbm>>) dst(%arg7 : memref<25x80xi32, #tpu.memory_space<vmem>>)
      tpu.yield
    }) : () -> ()
    %run_scoped3A_65 = arith.constant 1 : i32
    "tpu.region"() ({
      %run_scoped3A_333 = tpu.sem_alloc : memref<!tpu.dma_semaphore, #tpu.memory_space<semaphore_mem>>
      %dma_start3A_334 = arith.constant 0 : i32
      %dma_start3A_335 = arith.constant 0 : i32
      %dma_start3A_336 = tpu.memref_slice %arg4[%add3A, %run_scoped3A_65, %dma_start3A_334, %dma_start3A_335] : memref<32x5x25x80xi32, #tpu.memory_space<hbm>> -> memref<1x1x25x80xi32, #tpu.memory_space<hbm>>
      %dma_start3A_337 = tpu.memref_squeeze %dma_start3A_336 : memref<1x1x25x80xi32, #tpu.memory_space<hbm>> -> memref<25x80xi32, #tpu.memory_space<hbm>>
      %dma_start3A_338 = arith.constant 0 : i32
      %dma_start3A_339 = arith.constant 0 : i32
      %dma_start3A_340 = tpu.memref_slice %arg4[%add3A, %run_scoped3A_65, %dma_start3A_338, %dma_start3A_339] : memref<32x5x25x80xi32, #tpu.memory_space<hbm>> -> memref<1x1x25x80xi32, #tpu.memory_space<hbm>>
      %dma_start3A_341 = tpu.memref_squeeze %dma_start3A_340 : memref<1x1x25x80xi32, #tpu.memory_space<hbm>> -> memref<25x80xi32, #tpu.memory_space<hbm>>
      tpu.enqueue_dma source(%dma_start3A_341 : memref<25x80xi32, #tpu.memory_space<hbm>>) target(%arg8 : memref<25x80xi32, #tpu.memory_space<vmem>>) target_semaphore(%run_scoped3A_333 : memref<!tpu.dma_semaphore, #tpu.memory_space<semaphore_mem>>)
      %dma_wait3A_342 = arith.constant 0 : i32
      %dma_wait3A_343 = arith.constant 0 : i32
      %dma_wait3A_344 = tpu.memref_slice %arg4[%add3A, %run_scoped3A_65, %dma_wait3A_342, %dma_wait3A_343] : memref<32x5x25x80xi32, #tpu.memory_space<hbm>> -> memref<1x1x25x80xi32, #tpu.memory_space<hbm>>
      %dma_wait3A_345 = tpu.memref_squeeze %dma_wait3A_344 : memref<1x1x25x80xi32, #tpu.memory_space<hbm>> -> memref<25x80xi32, #tpu.memory_space<hbm>>
      %dma_wait3A_346 = arith.constant 0 : i32
      %dma_wait3A_347 = arith.constant 0 : i32
      %dma_wait3A_348 = tpu.memref_slice %arg4[%add3A, %run_scoped3A_65, %dma_wait3A_346, %dma_wait3A_347] : memref<32x5x25x80xi32, #tpu.memory_space<hbm>> -> memref<1x1x25x80xi32, #tpu.memory_space<hbm>>
      %dma_wait3A_349 = tpu.memref_squeeze %dma_wait3A_348 : memref<1x1x25x80xi32, #tpu.memory_space<hbm>> -> memref<25x80xi32, #tpu.memory_space<hbm>>
      tpu.wait_dma2 semaphore(%run_scoped3A_333 : memref<!tpu.dma_semaphore, #tpu.memory_space<semaphore_mem>>) src(%dma_wait3A_349 : memref<25x80xi32, #tpu.memory_space<hbm>>) dst(%arg8 : memref<25x80xi32, #tpu.memory_space<vmem>>)
      tpu.yield
    }) : () -> ()
    %dma_start3A_66 = arith.constant 0 : i32
    %dma_start3A_67 = arith.constant 0 : i32
    %dma_start3A_68 = arith.constant 0 : i32
    %dma_start3A_69 = arith.constant 0 : i32
    %dma_start3A_70 = arith.constant 0 : i32
    %dma_start3A_71 = tpu.memref_slice %arg9[%dma_start3A_67, %dma_start3A_69, %dma_start3A_70] : memref<3x80x128xf32, #tpu.memory_space<vmem>> -> memref<1x80x128xf32, #tpu.memory_space<vmem>>
    %dma_start3A_72 = tpu.memref_squeeze %dma_start3A_71 : memref<1x80x128xf32, #tpu.memory_space<vmem>> -> memref<80x128xf32, #tpu.memory_space<vmem>>
    %dma_start3A_73 = arith.constant 0 : i32
    %dma_start3A_74 = tpu.memref_slice %arg7[%dma_start3A_66, %dma_start3A_73] : memref<25x80xi32, #tpu.memory_space<vmem>> -> memref<1x80xi32, #tpu.memory_space<vmem>>
    %dma_start3A_75 = tpu.memref_squeeze %dma_start3A_74 : memref<1x80xi32, #tpu.memory_space<vmem>> -> memref<80xi32, #tpu.memory_space<vmem>>
    %dma_start3A_76 = arith.constant 0 : i32
    %dma_start3A_77 = arith.constant 0 : i32
    %dma_start3A_78 = tpu.memref_slice %arg2[%dma_start3A_76, %dma_start3A_77] : memref<10000x128xf32, #tpu.memory_space<hbm>> -> memref<10000x128xf32, #tpu.memory_space<hbm>>
    %dma_start3A_79 = tpu.memref_slice %arg11[%dma_start3A_68] : memref<3x!tpu.dma_semaphore, #tpu.memory_space<semaphore_mem>> -> memref<1x!tpu.dma_semaphore, #tpu.memory_space<semaphore_mem>>
    %dma_start3A_80 = tpu.memref_squeeze %dma_start3A_79 : memref<1x!tpu.dma_semaphore, #tpu.memory_space<semaphore_mem>> -> memref<!tpu.dma_semaphore, #tpu.memory_space<semaphore_mem>>
    tpu.enqueue_indirect_dma source(%dma_start3A_78 : memref<10000x128xf32, #tpu.memory_space<hbm>>) target(%dma_start3A_72 : memref<80x128xf32, #tpu.memory_space<vmem>>) offsets(%dma_start3A_75 : memref<80xi32, #tpu.memory_space<vmem>>) semaphore(%dma_start3A_80 : memref<!tpu.dma_semaphore, #tpu.memory_space<semaphore_mem>>)
    %sub3A_81 = arith.constant 25 : i32
    %sub3A_82 = arith.constant 0 : i32
    %sub3A_83 = arith.subi %sub3A_81, %sub3A_82 : i32
    %sub3A_84 = arith.constant 1 : i32
    %sub3A_85 = arith.constant 1 : i32
    %sub3A_86 = arith.subi %sub3A_84, %sub3A_85 : i32
    %add3A_87 = arith.addi %sub3A_83, %sub3A_86 : i32
    %div3A_88 = arith.constant 1 : i32
    %div3A_89 = arith.divsi %add3A_87, %div3A_88 : i32
    %while3A_90 = arith.constant 1 : i32
    %while3A_91 = arith.constant 0 : i32
    %while3A_92 = arith.constant 0 : i32
    %while3A_93 = arith.subi %div3A_89, %while3A_92 : i32
    %while3A_94 = arith.addi %while3A_92, %while3A_93 : i32
    %while3A_95 = arith.constant 1 : i32
    %while3A_96 = arith.divsi %while3A_93, %while3A_95 : i32
    %while3A_97 = arith.muli %while3A_96, %while3A_95 : i32
    %while3A_98 = arith.addi %while3A_92, %while3A_97 : i32
    %while3A_99 = arith.constant 1 : i32
    scf.for %while3A_333 = %while3A_92 to %while3A_98 step %while3A_99  : i32 {
      %mul3A_334 = arith.muli %while3A_333, %while3A_90 : i32
      %add3A_335 = arith.addi %while3A_91, %mul3A_334 : i32
      %rem3A = arith.constant 3 : i32
      %rem3A_336 = arith.remsi %add3A_335, %rem3A : i32
      %ge3A = arith.constant 2 : i32
      %ge3A_337 = arith.cmpi sge, %add3A_335, %ge3A : i32
      %convert_element_type3A = arith.extui %ge3A_337 : i1 to i32
      %cond3A = arith.constant 0 : i32
      %cond3A_338 = arith.cmpi ne, %convert_element_type3A, %cond3A : i32
      scf.if %cond3A_338 {
        %sub3A_369 = arith.constant 2 : i32
        %sub3A_370 = arith.subi %add3A_335, %sub3A_369 : i32
        %rem3A_371 = arith.constant 3 : i32
        %rem3A_372 = arith.remsi %sub3A_370, %rem3A_371 : i32
        %dma_wait3A_373 = arith.constant 0 : i32
        %dma_wait3A_374 = arith.constant 0 : i32
        %dma_wait3A_375 = tpu.memref_slice %arg9[%rem3A_372, %dma_wait3A_373, %dma_wait3A_374] : memref<3x80x128xf32, #tpu.memory_space<vmem>> -> memref<1x80x128xf32, #tpu.memory_space<vmem>>
        %dma_wait3A_376 = tpu.memref_squeeze %dma_wait3A_375 : memref<1x80x128xf32, #tpu.memory_space<vmem>> -> memref<80x128xf32, #tpu.memory_space<vmem>>
        %dma_wait3A_377 = arith.constant 0 : i32
        %dma_wait3A_378 = tpu.memref_slice %arg8[%sub3A_370, %dma_wait3A_377] : memref<25x80xi32, #tpu.memory_space<vmem>> -> memref<1x80xi32, #tpu.memory_space<vmem>>
        %dma_wait3A_379 = tpu.memref_squeeze %dma_wait3A_378 : memref<1x80xi32, #tpu.memory_space<vmem>> -> memref<80xi32, #tpu.memory_space<vmem>>
        %dma_wait3A_380 = arith.constant 0 : i32
        %dma_wait3A_381 = arith.constant 0 : i32
        %dma_wait3A_382 = tpu.memref_slice %arg10[%dma_wait3A_380, %dma_wait3A_381] : memref<10112x128xf32, #tpu.memory_space<vmem_shared>> -> memref<10112x128xf32, #tpu.memory_space<vmem_shared>>
        %dma_wait3A_383 = tpu.memref_slice %arg12[%rem3A_372] : memref<3x!tpu.dma_semaphore, #tpu.memory_space<semaphore_mem>> -> memref<1x!tpu.dma_semaphore, #tpu.memory_space<semaphore_mem>>
        %dma_wait3A_384 = tpu.memref_squeeze %dma_wait3A_383 : memref<1x!tpu.dma_semaphore, #tpu.memory_space<semaphore_mem>> -> memref<!tpu.dma_semaphore, #tpu.memory_space<semaphore_mem>>
        tpu.wait_indirect_dma semaphore(%dma_wait3A_384 : memref<!tpu.dma_semaphore, #tpu.memory_space<semaphore_mem>>) src(%dma_wait3A_376 : memref<80x128xf32, #tpu.memory_space<vmem>>) dst(%dma_wait3A_382 : memref<10112x128xf32, #tpu.memory_space<vmem_shared>>)
      } else {
      }
      %add3A_339 = arith.constant 1 : i32
      %add3A_340 = arith.addi %add3A_335, %add3A_339 : i32
      %lt3A = arith.constant 25 : i32
      %lt3A_341 = arith.cmpi slt, %add3A_340, %lt3A : i32
      %convert_element_type3A_342 = arith.extui %lt3A_341 : i1 to i32
      %cond3A_343 = arith.constant 0 : i32
      %cond3A_344 = arith.cmpi ne, %convert_element_type3A_342, %cond3A_343 : i32
      scf.if %cond3A_344 {
        %add3A_369 = arith.constant 1 : i32
        %add3A_370 = arith.addi %add3A_335, %add3A_369 : i32
        %add3A_371 = arith.constant 1 : i32
        %add3A_372 = arith.addi %add3A_335, %add3A_371 : i32
        %rem3A_373 = arith.constant 3 : i32
        %rem3A_374 = arith.remsi %add3A_372, %rem3A_373 : i32
        %dma_start3A_375 = arith.constant 0 : i32
        %dma_start3A_376 = arith.constant 0 : i32
        %dma_start3A_377 = tpu.memref_slice %arg9[%rem3A_374, %dma_start3A_375, %dma_start3A_376] : memref<3x80x128xf32, #tpu.memory_space<vmem>> -> memref<1x80x128xf32, #tpu.memory_space<vmem>>
        %dma_start3A_378 = tpu.memref_squeeze %dma_start3A_377 : memref<1x80x128xf32, #tpu.memory_space<vmem>> -> memref<80x128xf32, #tpu.memory_space<vmem>>
        %dma_start3A_379 = arith.constant 0 : i32
        %dma_start3A_380 = tpu.memref_slice %arg7[%add3A_370, %dma_start3A_379] : memref<25x80xi32, #tpu.memory_space<vmem>> -> memref<1x80xi32, #tpu.memory_space<vmem>>
        %dma_start3A_381 = tpu.memref_squeeze %dma_start3A_380 : memref<1x80xi32, #tpu.memory_space<vmem>> -> memref<80xi32, #tpu.memory_space<vmem>>
        %dma_start3A_382 = arith.constant 0 : i32
        %dma_start3A_383 = arith.constant 0 : i32
        %dma_start3A_384 = tpu.memref_slice %arg2[%dma_start3A_382, %dma_start3A_383] : memref<10000x128xf32, #tpu.memory_space<hbm>> -> memref<10000x128xf32, #tpu.memory_space<hbm>>
        %dma_start3A_385 = tpu.memref_slice %arg11[%rem3A_374] : memref<3x!tpu.dma_semaphore, #tpu.memory_space<semaphore_mem>> -> memref<1x!tpu.dma_semaphore, #tpu.memory_space<semaphore_mem>>
        %dma_start3A_386 = tpu.memref_squeeze %dma_start3A_385 : memref<1x!tpu.dma_semaphore, #tpu.memory_space<semaphore_mem>> -> memref<!tpu.dma_semaphore, #tpu.memory_space<semaphore_mem>>
        tpu.enqueue_indirect_dma source(%dma_start3A_384 : memref<10000x128xf32, #tpu.memory_space<hbm>>) target(%dma_start3A_378 : memref<80x128xf32, #tpu.memory_space<vmem>>) offsets(%dma_start3A_381 : memref<80xi32, #tpu.memory_space<vmem>>) semaphore(%dma_start3A_386 : memref<!tpu.dma_semaphore, #tpu.memory_space<semaphore_mem>>)
      } else {
      }
      %dma_wait3A_345 = arith.constant 0 : i32
      %dma_wait3A_346 = arith.constant 0 : i32
      %dma_wait3A_347 = tpu.memref_slice %arg9[%rem3A_336, %dma_wait3A_345, %dma_wait3A_346] : memref<3x80x128xf32, #tpu.memory_space<vmem>> -> memref<1x80x128xf32, #tpu.memory_space<vmem>>
      %dma_wait3A_348 = tpu.memref_squeeze %dma_wait3A_347 : memref<1x80x128xf32, #tpu.memory_space<vmem>> -> memref<80x128xf32, #tpu.memory_space<vmem>>
      %dma_wait3A_349 = arith.constant 0 : i32
      %dma_wait3A_350 = tpu.memref_slice %arg7[%add3A_335, %dma_wait3A_349] : memref<25x80xi32, #tpu.memory_space<vmem>> -> memref<1x80xi32, #tpu.memory_space<vmem>>
      %dma_wait3A_351 = tpu.memref_squeeze %dma_wait3A_350 : memref<1x80xi32, #tpu.memory_space<vmem>> -> memref<80xi32, #tpu.memory_space<vmem>>
      %dma_wait3A_352 = arith.constant 0 : i32
      %dma_wait3A_353 = arith.constant 0 : i32
      %dma_wait3A_354 = tpu.memref_slice %arg2[%dma_wait3A_352, %dma_wait3A_353] : memref<10000x128xf32, #tpu.memory_space<hbm>> -> memref<10000x128xf32, #tpu.memory_space<hbm>>
      %dma_wait3A_355 = tpu.memref_slice %arg11[%rem3A_336] : memref<3x!tpu.dma_semaphore, #tpu.memory_space<semaphore_mem>> -> memref<1x!tpu.dma_semaphore, #tpu.memory_space<semaphore_mem>>
      %dma_wait3A_356 = tpu.memref_squeeze %dma_wait3A_355 : memref<1x!tpu.dma_semaphore, #tpu.memory_space<semaphore_mem>> -> memref<!tpu.dma_semaphore, #tpu.memory_space<semaphore_mem>>
      tpu.wait_indirect_dma semaphore(%dma_wait3A_356 : memref<!tpu.dma_semaphore, #tpu.memory_space<semaphore_mem>>) src(%dma_wait3A_354 : memref<10000x128xf32, #tpu.memory_space<hbm>>) dst(%dma_wait3A_348 : memref<80x128xf32, #tpu.memory_space<vmem>>)
      %dma_start3A_357 = arith.constant 0 : i32
      %dma_start3A_358 = arith.constant 0 : i32
      %dma_start3A_359 = tpu.memref_slice %arg9[%rem3A_336, %dma_start3A_357, %dma_start3A_358] : memref<3x80x128xf32, #tpu.memory_space<vmem>> -> memref<1x80x128xf32, #tpu.memory_space<vmem>>
      %dma_start3A_360 = tpu.memref_squeeze %dma_start3A_359 : memref<1x80x128xf32, #tpu.memory_space<vmem>> -> memref<80x128xf32, #tpu.memory_space<vmem>>
      %dma_start3A_361 = arith.constant 0 : i32
      %dma_start3A_362 = tpu.memref_slice %arg8[%add3A_335, %dma_start3A_361] : memref<25x80xi32, #tpu.memory_space<vmem>> -> memref<1x80xi32, #tpu.memory_space<vmem>>
      %dma_start3A_363 = tpu.memref_squeeze %dma_start3A_362 : memref<1x80xi32, #tpu.memory_space<vmem>> -> memref<80xi32, #tpu.memory_space<vmem>>
      %dma_start3A_364 = arith.constant 0 : i32
      %dma_start3A_365 = arith.constant 0 : i32
      %dma_start3A_366 = tpu.memref_slice %arg10[%dma_start3A_364, %dma_start3A_365] : memref<10112x128xf32, #tpu.memory_space<vmem_shared>> -> memref<10112x128xf32, #tpu.memory_space<vmem_shared>>
      %dma_start3A_367 = tpu.memref_slice %arg12[%rem3A_336] : memref<3x!tpu.dma_semaphore, #tpu.memory_space<semaphore_mem>> -> memref<1x!tpu.dma_semaphore, #tpu.memory_space<semaphore_mem>>
      %dma_start3A_368 = tpu.memref_squeeze %dma_start3A_367 : memref<1x!tpu.dma_semaphore, #tpu.memory_space<semaphore_mem>> -> memref<!tpu.dma_semaphore, #tpu.memory_space<semaphore_mem>>
      tpu.enqueue_indirect_dma source(%dma_start3A_360 : memref<80x128xf32, #tpu.memory_space<vmem>>) target(%dma_start3A_366 : memref<10112x128xf32, #tpu.memory_space<vmem_shared>>) offsets(%dma_start3A_363 : memref<80xi32, #tpu.memory_space<vmem>>) semaphore(%dma_start3A_368 : memref<!tpu.dma_semaphore, #tpu.memory_space<semaphore_mem>>) {add = true}
    }
    %while3A_100 = arith.constant 1 : i32
    scf.for %while3A_333 = %while3A_98 to %while3A_94 step %while3A_100  : i32 {
      %mul3A_334 = arith.muli %while3A_333, %while3A_90 : i32
      %add3A_335 = arith.addi %while3A_91, %mul3A_334 : i32
      %rem3A = arith.constant 3 : i32
      %rem3A_336 = arith.remsi %add3A_335, %rem3A : i32
      %ge3A = arith.constant 2 : i32
      %ge3A_337 = arith.cmpi sge, %add3A_335, %ge3A : i32
      %convert_element_type3A = arith.extui %ge3A_337 : i1 to i32
      %cond3A = arith.constant 0 : i32
      %cond3A_338 = arith.cmpi ne, %convert_element_type3A, %cond3A : i32
      scf.if %cond3A_338 {
        %sub3A_369 = arith.constant 2 : i32
        %sub3A_370 = arith.subi %add3A_335, %sub3A_369 : i32
        %rem3A_371 = arith.constant 3 : i32
        %rem3A_372 = arith.remsi %sub3A_370, %rem3A_371 : i32
        %dma_wait3A_373 = arith.constant 0 : i32
        %dma_wait3A_374 = arith.constant 0 : i32
        %dma_wait3A_375 = tpu.memref_slice %arg9[%rem3A_372, %dma_wait3A_373, %dma_wait3A_374] : memref<3x80x128xf32, #tpu.memory_space<vmem>> -> memref<1x80x128xf32, #tpu.memory_space<vmem>>
        %dma_wait3A_376 = tpu.memref_squeeze %dma_wait3A_375 : memref<1x80x128xf32, #tpu.memory_space<vmem>> -> memref<80x128xf32, #tpu.memory_space<vmem>>
        %dma_wait3A_377 = arith.constant 0 : i32
        %dma_wait3A_378 = tpu.memref_slice %arg8[%sub3A_370, %dma_wait3A_377] : memref<25x80xi32, #tpu.memory_space<vmem>> -> memref<1x80xi32, #tpu.memory_space<vmem>>
        %dma_wait3A_379 = tpu.memref_squeeze %dma_wait3A_378 : memref<1x80xi32, #tpu.memory_space<vmem>> -> memref<80xi32, #tpu.memory_space<vmem>>
        %dma_wait3A_380 = arith.constant 0 : i32
        %dma_wait3A_381 = arith.constant 0 : i32
        %dma_wait3A_382 = tpu.memref_slice %arg10[%dma_wait3A_380, %dma_wait3A_381] : memref<10112x128xf32, #tpu.memory_space<vmem_shared>> -> memref<10112x128xf32, #tpu.memory_space<vmem_shared>>
        %dma_wait3A_383 = tpu.memref_slice %arg12[%rem3A_372] : memref<3x!tpu.dma_semaphore, #tpu.memory_space<semaphore_mem>> -> memref<1x!tpu.dma_semaphore, #tpu.memory_space<semaphore_mem>>
        %dma_wait3A_384 = tpu.memref_squeeze %dma_wait3A_383 : memref<1x!tpu.dma_semaphore, #tpu.memory_space<semaphore_mem>> -> memref<!tpu.dma_semaphore, #tpu.memory_space<semaphore_mem>>
        tpu.wait_indirect_dma semaphore(%dma_wait3A_384 : memref<!tpu.dma_semaphore, #tpu.memory_space<semaphore_mem>>) src(%dma_wait3A_376 : memref<80x128xf32, #tpu.memory_space<vmem>>) dst(%dma_wait3A_382 : memref<10112x128xf32, #tpu.memory_space<vmem_shared>>)
      } else {
      }
      %add3A_339 = arith.constant 1 : i32
      %add3A_340 = arith.addi %add3A_335, %add3A_339 : i32
      %lt3A = arith.constant 25 : i32
      %lt3A_341 = arith.cmpi slt, %add3A_340, %lt3A : i32
      %convert_element_type3A_342 = arith.extui %lt3A_341 : i1 to i32
      %cond3A_343 = arith.constant 0 : i32
      %cond3A_344 = arith.cmpi ne, %convert_element_type3A_342, %cond3A_343 : i32
      scf.if %cond3A_344 {
        %add3A_369 = arith.constant 1 : i32
        %add3A_370 = arith.addi %add3A_335, %add3A_369 : i32
        %add3A_371 = arith.constant 1 : i32
        %add3A_372 = arith.addi %add3A_335, %add3A_371 : i32
        %rem3A_373 = arith.constant 3 : i32
        %rem3A_374 = arith.remsi %add3A_372, %rem3A_373 : i32
        %dma_start3A_375 = arith.constant 0 : i32
        %dma_start3A_376 = arith.constant 0 : i32
        %dma_start3A_377 = tpu.memref_slice %arg9[%rem3A_374, %dma_start3A_375, %dma_start3A_376] : memref<3x80x128xf32, #tpu.memory_space<vmem>> -> memref<1x80x128xf32, #tpu.memory_space<vmem>>
        %dma_start3A_378 = tpu.memref_squeeze %dma_start3A_377 : memref<1x80x128xf32, #tpu.memory_space<vmem>> -> memref<80x128xf32, #tpu.memory_space<vmem>>
        %dma_start3A_379 = arith.constant 0 : i32
        %dma_start3A_380 = tpu.memref_slice %arg7[%add3A_370, %dma_start3A_379] : memref<25x80xi32, #tpu.memory_space<vmem>> -> memref<1x80xi32, #tpu.memory_space<vmem>>
        %dma_start3A_381 = tpu.memref_squeeze %dma_start3A_380 : memref<1x80xi32, #tpu.memory_space<vmem>> -> memref<80xi32, #tpu.memory_space<vmem>>
        %dma_start3A_382 = arith.constant 0 : i32
        %dma_start3A_383 = arith.constant 0 : i32
        %dma_start3A_384 = tpu.memref_slice %arg2[%dma_start3A_382, %dma_start3A_383] : memref<10000x128xf32, #tpu.memory_space<hbm>> -> memref<10000x128xf32, #tpu.memory_space<hbm>>
        %dma_start3A_385 = tpu.memref_slice %arg11[%rem3A_374] : memref<3x!tpu.dma_semaphore, #tpu.memory_space<semaphore_mem>> -> memref<1x!tpu.dma_semaphore, #tpu.memory_space<semaphore_mem>>
        %dma_start3A_386 = tpu.memref_squeeze %dma_start3A_385 : memref<1x!tpu.dma_semaphore, #tpu.memory_space<semaphore_mem>> -> memref<!tpu.dma_semaphore, #tpu.memory_space<semaphore_mem>>
        tpu.enqueue_indirect_dma source(%dma_start3A_384 : memref<10000x128xf32, #tpu.memory_space<hbm>>) target(%dma_start3A_378 : memref<80x128xf32, #tpu.memory_space<vmem>>) offsets(%dma_start3A_381 : memref<80xi32, #tpu.memory_space<vmem>>) semaphore(%dma_start3A_386 : memref<!tpu.dma_semaphore, #tpu.memory_space<semaphore_mem>>)
      } else {
      }
      %dma_wait3A_345 = arith.constant 0 : i32
      %dma_wait3A_346 = arith.constant 0 : i32
      %dma_wait3A_347 = tpu.memref_slice %arg9[%rem3A_336, %dma_wait3A_345, %dma_wait3A_346] : memref<3x80x128xf32, #tpu.memory_space<vmem>> -> memref<1x80x128xf32, #tpu.memory_space<vmem>>
      %dma_wait3A_348 = tpu.memref_squeeze %dma_wait3A_347 : memref<1x80x128xf32, #tpu.memory_space<vmem>> -> memref<80x128xf32, #tpu.memory_space<vmem>>
      %dma_wait3A_349 = arith.constant 0 : i32
      %dma_wait3A_350 = tpu.memref_slice %arg7[%add3A_335, %dma_wait3A_349] : memref<25x80xi32, #tpu.memory_space<vmem>> -> memref<1x80xi32, #tpu.memory_space<vmem>>
      %dma_wait3A_351 = tpu.memref_squeeze %dma_wait3A_350 : memref<1x80xi32, #tpu.memory_space<vmem>> -> memref<80xi32, #tpu.memory_space<vmem>>
      %dma_wait3A_352 = arith.constant 0 : i32
      %dma_wait3A_353 = arith.constant 0 : i32
      %dma_wait3A_354 = tpu.memref_slice %arg2[%dma_wait3A_352, %dma_wait3A_353] : memref<10000x128xf32, #tpu.memory_space<hbm>> -> memref<10000x128xf32, #tpu.memory_space<hbm>>
      %dma_wait3A_355 = tpu.memref_slice %arg11[%rem3A_336] : memref<3x!tpu.dma_semaphore, #tpu.memory_space<semaphore_mem>> -> memref<1x!tpu.dma_semaphore, #tpu.memory_space<semaphore_mem>>
      %dma_wait3A_356 = tpu.memref_squeeze %dma_wait3A_355 : memref<1x!tpu.dma_semaphore, #tpu.memory_space<semaphore_mem>> -> memref<!tpu.dma_semaphore, #tpu.memory_space<semaphore_mem>>
      tpu.wait_indirect_dma semaphore(%dma_wait3A_356 : memref<!tpu.dma_semaphore, #tpu.memory_space<semaphore_mem>>) src(%dma_wait3A_354 : memref<10000x128xf32, #tpu.memory_space<hbm>>) dst(%dma_wait3A_348 : memref<80x128xf32, #tpu.memory_space<vmem>>)
      %dma_start3A_357 = arith.constant 0 : i32
      %dma_start3A_358 = arith.constant 0 : i32
      %dma_start3A_359 = tpu.memref_slice %arg9[%rem3A_336, %dma_start3A_357, %dma_start3A_358] : memref<3x80x128xf32, #tpu.memory_space<vmem>> -> memref<1x80x128xf32, #tpu.memory_space<vmem>>
      %dma_start3A_360 = tpu.memref_squeeze %dma_start3A_359 : memref<1x80x128xf32, #tpu.memory_space<vmem>> -> memref<80x128xf32, #tpu.memory_space<vmem>>
      %dma_start3A_361 = arith.constant 0 : i32
      %dma_start3A_362 = tpu.memref_slice %arg8[%add3A_335, %dma_start3A_361] : memref<25x80xi32, #tpu.memory_space<vmem>> -> memref<1x80xi32, #tpu.memory_space<vmem>>
      %dma_start3A_363 = tpu.memref_squeeze %dma_start3A_362 : memref<1x80xi32, #tpu.memory_space<vmem>> -> memref<80xi32, #tpu.memory_space<vmem>>
      %dma_start3A_364 = arith.constant 0 : i32
      %dma_start3A_365 = arith.constant 0 : i32
      %dma_start3A_366 = tpu.memref_slice %arg10[%dma_start3A_364, %dma_start3A_365] : memref<10112x128xf32, #tpu.memory_space<vmem_shared>> -> memref<10112x128xf32, #tpu.memory_space<vmem_shared>>
      %dma_start3A_367 = tpu.memref_slice %arg12[%rem3A_336] : memref<3x!tpu.dma_semaphore, #tpu.memory_space<semaphore_mem>> -> memref<1x!tpu.dma_semaphore, #tpu.memory_space<semaphore_mem>>
      %dma_start3A_368 = tpu.memref_squeeze %dma_start3A_367 : memref<1x!tpu.dma_semaphore, #tpu.memory_space<semaphore_mem>> -> memref<!tpu.dma_semaphore, #tpu.memory_space<semaphore_mem>>
      tpu.enqueue_indirect_dma source(%dma_start3A_360 : memref<80x128xf32, #tpu.memory_space<vmem>>) target(%dma_start3A_366 : memref<10112x128xf32, #tpu.memory_space<vmem_shared>>) offsets(%dma_start3A_363 : memref<80xi32, #tpu.memory_space<vmem>>) semaphore(%dma_start3A_368 : memref<!tpu.dma_semaphore, #tpu.memory_space<semaphore_mem>>) {add = true}
    }
    %dma_wait3A_101 = arith.constant 2 : i32
    %dma_wait3A_102 = arith.constant 23 : i32
    %dma_wait3A_103 = arith.constant 2 : i32
    %dma_wait3A_104 = arith.constant 0 : i32
    %dma_wait3A_105 = arith.constant 0 : i32
    %dma_wait3A_106 = tpu.memref_slice %arg9[%dma_wait3A_101, %dma_wait3A_104, %dma_wait3A_105] : memref<3x80x128xf32, #tpu.memory_space<vmem>> -> memref<1x80x128xf32, #tpu.memory_space<vmem>>
    %dma_wait3A_107 = tpu.memref_squeeze %dma_wait3A_106 : memref<1x80x128xf32, #tpu.memory_space<vmem>> -> memref<80x128xf32, #tpu.memory_space<vmem>>
    %dma_wait3A_108 = arith.constant 0 : i32
    %dma_wait3A_109 = tpu.memref_slice %arg8[%dma_wait3A_102, %dma_wait3A_108] : memref<25x80xi32, #tpu.memory_space<vmem>> -> memref<1x80xi32, #tpu.memory_space<vmem>>
    %dma_wait3A_110 = tpu.memref_squeeze %dma_wait3A_109 : memref<1x80xi32, #tpu.memory_space<vmem>> -> memref<80xi32, #tpu.memory_space<vmem>>
    %dma_wait3A_111 = arith.constant 0 : i32
    %dma_wait3A_112 = arith.constant 0 : i32
    %dma_wait3A_113 = tpu.memref_slice %arg10[%dma_wait3A_111, %dma_wait3A_112] : memref<10112x128xf32, #tpu.memory_space<vmem_shared>> -> memref<10112x128xf32, #tpu.memory_space<vmem_shared>>
    %dma_wait3A_114 = tpu.memref_slice %arg12[%dma_wait3A_103] : memref<3x!tpu.dma_semaphore, #tpu.memory_space<semaphore_mem>> -> memref<1x!tpu.dma_semaphore, #tpu.memory_space<semaphore_mem>>
    %dma_wait3A_115 = tpu.memref_squeeze %dma_wait3A_114 : memref<1x!tpu.dma_semaphore, #tpu.memory_space<semaphore_mem>> -> memref<!tpu.dma_semaphore, #tpu.memory_space<semaphore_mem>>
    tpu.wait_indirect_dma semaphore(%dma_wait3A_115 : memref<!tpu.dma_semaphore, #tpu.memory_space<semaphore_mem>>) src(%dma_wait3A_107 : memref<80x128xf32, #tpu.memory_space<vmem>>) dst(%dma_wait3A_113 : memref<10112x128xf32, #tpu.memory_space<vmem_shared>>)
    %dma_wait3A_116 = arith.constant 0 : i32
    %dma_wait3A_117 = arith.constant 24 : i32
    %dma_wait3A_118 = arith.constant 0 : i32
    %dma_wait3A_119 = arith.constant 0 : i32
    %dma_wait3A_120 = arith.constant 0 : i32
    %dma_wait3A_121 = tpu.memref_slice %arg9[%dma_wait3A_116, %dma_wait3A_119, %dma_wait3A_120] : memref<3x80x128xf32, #tpu.memory_space<vmem>> -> memref<1x80x128xf32, #tpu.memory_space<vmem>>
    %dma_wait3A_122 = tpu.memref_squeeze %dma_wait3A_121 : memref<1x80x128xf32, #tpu.memory_space<vmem>> -> memref<80x128xf32, #tpu.memory_space<vmem>>
    %dma_wait3A_123 = arith.constant 0 : i32
    %dma_wait3A_124 = tpu.memref_slice %arg8[%dma_wait3A_117, %dma_wait3A_123] : memref<25x80xi32, #tpu.memory_space<vmem>> -> memref<1x80xi32, #tpu.memory_space<vmem>>
    %dma_wait3A_125 = tpu.memref_squeeze %dma_wait3A_124 : memref<1x80xi32, #tpu.memory_space<vmem>> -> memref<80xi32, #tpu.memory_space<vmem>>
    %dma_wait3A_126 = arith.constant 0 : i32
    %dma_wait3A_127 = arith.constant 0 : i32
    %dma_wait3A_128 = tpu.memref_slice %arg10[%dma_wait3A_126, %dma_wait3A_127] : memref<10112x128xf32, #tpu.memory_space<vmem_shared>> -> memref<10112x128xf32, #tpu.memory_space<vmem_shared>>
    %dma_wait3A_129 = tpu.memref_slice %arg12[%dma_wait3A_118] : memref<3x!tpu.dma_semaphore, #tpu.memory_space<semaphore_mem>> -> memref<1x!tpu.dma_semaphore, #tpu.memory_space<semaphore_mem>>
    %dma_wait3A_130 = tpu.memref_squeeze %dma_wait3A_129 : memref<1x!tpu.dma_semaphore, #tpu.memory_space<semaphore_mem>> -> memref<!tpu.dma_semaphore, #tpu.memory_space<semaphore_mem>>
    tpu.wait_indirect_dma semaphore(%dma_wait3A_130 : memref<!tpu.dma_semaphore, #tpu.memory_space<semaphore_mem>>) src(%dma_wait3A_122 : memref<80x128xf32, #tpu.memory_space<vmem>>) dst(%dma_wait3A_128 : memref<10112x128xf32, #tpu.memory_space<vmem_shared>>)
    %run_scoped3A_131 = arith.constant 2 : i32
    "tpu.region"() ({
      %run_scoped3A_333 = tpu.sem_alloc : memref<!tpu.dma_semaphore, #tpu.memory_space<semaphore_mem>>
      %dma_start3A_334 = arith.constant 0 : i32
      %dma_start3A_335 = arith.constant 0 : i32
      %dma_start3A_336 = tpu.memref_slice %arg3[%add3A, %run_scoped3A_131, %dma_start3A_334, %dma_start3A_335] : memref<32x5x25x80xi32, #tpu.memory_space<hbm>> -> memref<1x1x25x80xi32, #tpu.memory_space<hbm>>
      %dma_start3A_337 = tpu.memref_squeeze %dma_start3A_336 : memref<1x1x25x80xi32, #tpu.memory_space<hbm>> -> memref<25x80xi32, #tpu.memory_space<hbm>>
      %dma_start3A_338 = arith.constant 0 : i32
      %dma_start3A_339 = arith.constant 0 : i32
      %dma_start3A_340 = tpu.memref_slice %arg3[%add3A, %run_scoped3A_131, %dma_start3A_338, %dma_start3A_339] : memref<32x5x25x80xi32, #tpu.memory_space<hbm>> -> memref<1x1x25x80xi32, #tpu.memory_space<hbm>>
      %dma_start3A_341 = tpu.memref_squeeze %dma_start3A_340 : memref<1x1x25x80xi32, #tpu.memory_space<hbm>> -> memref<25x80xi32, #tpu.memory_space<hbm>>
      tpu.enqueue_dma source(%dma_start3A_341 : memref<25x80xi32, #tpu.memory_space<hbm>>) target(%arg7 : memref<25x80xi32, #tpu.memory_space<vmem>>) target_semaphore(%run_scoped3A_333 : memref<!tpu.dma_semaphore, #tpu.memory_space<semaphore_mem>>)
      %dma_wait3A_342 = arith.constant 0 : i32
      %dma_wait3A_343 = arith.constant 0 : i32
      %dma_wait3A_344 = tpu.memref_slice %arg3[%add3A, %run_scoped3A_131, %dma_wait3A_342, %dma_wait3A_343] : memref<32x5x25x80xi32, #tpu.memory_space<hbm>> -> memref<1x1x25x80xi32, #tpu.memory_space<hbm>>
      %dma_wait3A_345 = tpu.memref_squeeze %dma_wait3A_344 : memref<1x1x25x80xi32, #tpu.memory_space<hbm>> -> memref<25x80xi32, #tpu.memory_space<hbm>>
      %dma_wait3A_346 = arith.constant 0 : i32
      %dma_wait3A_347 = arith.constant 0 : i32
      %dma_wait3A_348 = tpu.memref_slice %arg3[%add3A, %run_scoped3A_131, %dma_wait3A_346, %dma_wait3A_347] : memref<32x5x25x80xi32, #tpu.memory_space<hbm>> -> memref<1x1x25x80xi32, #tpu.memory_space<hbm>>
      %dma_wait3A_349 = tpu.memref_squeeze %dma_wait3A_348 : memref<1x1x25x80xi32, #tpu.memory_space<hbm>> -> memref<25x80xi32, #tpu.memory_space<hbm>>
      tpu.wait_dma2 semaphore(%run_scoped3A_333 : memref<!tpu.dma_semaphore, #tpu.memory_space<semaphore_mem>>) src(%dma_wait3A_349 : memref<25x80xi32, #tpu.memory_space<hbm>>) dst(%arg7 : memref<25x80xi32, #tpu.memory_space<vmem>>)
      tpu.yield
    }) : () -> ()
    %run_scoped3A_132 = arith.constant 2 : i32
    "tpu.region"() ({
      %run_scoped3A_333 = tpu.sem_alloc : memref<!tpu.dma_semaphore, #tpu.memory_space<semaphore_mem>>
      %dma_start3A_334 = arith.constant 0 : i32
      %dma_start3A_335 = arith.constant 0 : i32
      %dma_start3A_336 = tpu.memref_slice %arg4[%add3A, %run_scoped3A_132, %dma_start3A_334, %dma_start3A_335] : memref<32x5x25x80xi32, #tpu.memory_space<hbm>> -> memref<1x1x25x80xi32, #tpu.memory_space<hbm>>
      %dma_start3A_337 = tpu.memref_squeeze %dma_start3A_336 : memref<1x1x25x80xi32, #tpu.memory_space<hbm>> -> memref<25x80xi32, #tpu.memory_space<hbm>>
      %dma_start3A_338 = arith.constant 0 : i32
      %dma_start3A_339 = arith.constant 0 : i32
      %dma_start3A_340 = tpu.memref_slice %arg4[%add3A, %run_scoped3A_132, %dma_start3A_338, %dma_start3A_339] : memref<32x5x25x80xi32, #tpu.memory_space<hbm>> -> memref<1x1x25x80xi32, #tpu.memory_space<hbm>>
      %dma_start3A_341 = tpu.memref_squeeze %dma_start3A_340 : memref<1x1x25x80xi32, #tpu.memory_space<hbm>> -> memref<25x80xi32, #tpu.memory_space<hbm>>
      tpu.enqueue_dma source(%dma_start3A_341 : memref<25x80xi32, #tpu.memory_space<hbm>>) target(%arg8 : memref<25x80xi32, #tpu.memory_space<vmem>>) target_semaphore(%run_scoped3A_333 : memref<!tpu.dma_semaphore, #tpu.memory_space<semaphore_mem>>)
      %dma_wait3A_342 = arith.constant 0 : i32
      %dma_wait3A_343 = arith.constant 0 : i32
      %dma_wait3A_344 = tpu.memref_slice %arg4[%add3A, %run_scoped3A_132, %dma_wait3A_342, %dma_wait3A_343] : memref<32x5x25x80xi32, #tpu.memory_space<hbm>> -> memref<1x1x25x80xi32, #tpu.memory_space<hbm>>
      %dma_wait3A_345 = tpu.memref_squeeze %dma_wait3A_344 : memref<1x1x25x80xi32, #tpu.memory_space<hbm>> -> memref<25x80xi32, #tpu.memory_space<hbm>>
      %dma_wait3A_346 = arith.constant 0 : i32
      %dma_wait3A_347 = arith.constant 0 : i32
      %dma_wait3A_348 = tpu.memref_slice %arg4[%add3A, %run_scoped3A_132, %dma_wait3A_346, %dma_wait3A_347] : memref<32x5x25x80xi32, #tpu.memory_space<hbm>> -> memref<1x1x25x80xi32, #tpu.memory_space<hbm>>
      %dma_wait3A_349 = tpu.memref_squeeze %dma_wait3A_348 : memref<1x1x25x80xi32, #tpu.memory_space<hbm>> -> memref<25x80xi32, #tpu.memory_space<hbm>>
      tpu.wait_dma2 semaphore(%run_scoped3A_333 : memref<!tpu.dma_semaphore, #tpu.memory_space<semaphore_mem>>) src(%dma_wait3A_349 : memref<25x80xi32, #tpu.memory_space<hbm>>) dst(%arg8 : memref<25x80xi32, #tpu.memory_space<vmem>>)
      tpu.yield
    }) : () -> ()
    %dma_start3A_133 = arith.constant 0 : i32
    %dma_start3A_134 = arith.constant 0 : i32
    %dma_start3A_135 = arith.constant 0 : i32
    %dma_start3A_136 = arith.constant 0 : i32
    %dma_start3A_137 = arith.constant 0 : i32
    %dma_start3A_138 = tpu.memref_slice %arg9[%dma_start3A_134, %dma_start3A_136, %dma_start3A_137] : memref<3x80x128xf32, #tpu.memory_space<vmem>> -> memref<1x80x128xf32, #tpu.memory_space<vmem>>
    %dma_start3A_139 = tpu.memref_squeeze %dma_start3A_138 : memref<1x80x128xf32, #tpu.memory_space<vmem>> -> memref<80x128xf32, #tpu.memory_space<vmem>>
    %dma_start3A_140 = arith.constant 0 : i32
    %dma_start3A_141 = tpu.memref_slice %arg7[%dma_start3A_133, %dma_start3A_140] : memref<25x80xi32, #tpu.memory_space<vmem>> -> memref<1x80xi32, #tpu.memory_space<vmem>>
    %dma_start3A_142 = tpu.memref_squeeze %dma_start3A_141 : memref<1x80xi32, #tpu.memory_space<vmem>> -> memref<80xi32, #tpu.memory_space<vmem>>
    %dma_start3A_143 = arith.constant 0 : i32
    %dma_start3A_144 = arith.constant 0 : i32
    %dma_start3A_145 = tpu.memref_slice %arg2[%dma_start3A_143, %dma_start3A_144] : memref<10000x128xf32, #tpu.memory_space<hbm>> -> memref<10000x128xf32, #tpu.memory_space<hbm>>
    %dma_start3A_146 = tpu.memref_slice %arg11[%dma_start3A_135] : memref<3x!tpu.dma_semaphore, #tpu.memory_space<semaphore_mem>> -> memref<1x!tpu.dma_semaphore, #tpu.memory_space<semaphore_mem>>
    %dma_start3A_147 = tpu.memref_squeeze %dma_start3A_146 : memref<1x!tpu.dma_semaphore, #tpu.memory_space<semaphore_mem>> -> memref<!tpu.dma_semaphore, #tpu.memory_space<semaphore_mem>>
    tpu.enqueue_indirect_dma source(%dma_start3A_145 : memref<10000x128xf32, #tpu.memory_space<hbm>>) target(%dma_start3A_139 : memref<80x128xf32, #tpu.memory_space<vmem>>) offsets(%dma_start3A_142 : memref<80xi32, #tpu.memory_space<vmem>>) semaphore(%dma_start3A_147 : memref<!tpu.dma_semaphore, #tpu.memory_space<semaphore_mem>>)
    %sub3A_148 = arith.constant 25 : i32
    %sub3A_149 = arith.constant 0 : i32
    %sub3A_150 = arith.subi %sub3A_148, %sub3A_149 : i32
    %sub3A_151 = arith.constant 1 : i32
    %sub3A_152 = arith.constant 1 : i32
    %sub3A_153 = arith.subi %sub3A_151, %sub3A_152 : i32
    %add3A_154 = arith.addi %sub3A_150, %sub3A_153 : i32
    %div3A_155 = arith.constant 1 : i32
    %div3A_156 = arith.divsi %add3A_154, %div3A_155 : i32
    %while3A_157 = arith.constant 1 : i32
    %while3A_158 = arith.constant 0 : i32
    %while3A_159 = arith.constant 0 : i32
    %while3A_160 = arith.subi %div3A_156, %while3A_159 : i32
    %while3A_161 = arith.addi %while3A_159, %while3A_160 : i32
    %while3A_162 = arith.constant 1 : i32
    %while3A_163 = arith.divsi %while3A_160, %while3A_162 : i32
    %while3A_164 = arith.muli %while3A_163, %while3A_162 : i32
    %while3A_165 = arith.addi %while3A_159, %while3A_164 : i32
    %while3A_166 = arith.constant 1 : i32
    scf.for %while3A_333 = %while3A_159 to %while3A_165 step %while3A_166  : i32 {
      %mul3A_334 = arith.muli %while3A_333, %while3A_157 : i32
      %add3A_335 = arith.addi %while3A_158, %mul3A_334 : i32
      %rem3A = arith.constant 3 : i32
      %rem3A_336 = arith.remsi %add3A_335, %rem3A : i32
      %ge3A = arith.constant 2 : i32
      %ge3A_337 = arith.cmpi sge, %add3A_335, %ge3A : i32
      %convert_element_type3A = arith.extui %ge3A_337 : i1 to i32
      %cond3A = arith.constant 0 : i32
      %cond3A_338 = arith.cmpi ne, %convert_element_type3A, %cond3A : i32
      scf.if %cond3A_338 {
        %sub3A_369 = arith.constant 2 : i32
        %sub3A_370 = arith.subi %add3A_335, %sub3A_369 : i32
        %rem3A_371 = arith.constant 3 : i32
        %rem3A_372 = arith.remsi %sub3A_370, %rem3A_371 : i32
        %dma_wait3A_373 = arith.constant 0 : i32
        %dma_wait3A_374 = arith.constant 0 : i32
        %dma_wait3A_375 = tpu.memref_slice %arg9[%rem3A_372, %dma_wait3A_373, %dma_wait3A_374] : memref<3x80x128xf32, #tpu.memory_space<vmem>> -> memref<1x80x128xf32, #tpu.memory_space<vmem>>
        %dma_wait3A_376 = tpu.memref_squeeze %dma_wait3A_375 : memref<1x80x128xf32, #tpu.memory_space<vmem>> -> memref<80x128xf32, #tpu.memory_space<vmem>>
        %dma_wait3A_377 = arith.constant 0 : i32
        %dma_wait3A_378 = tpu.memref_slice %arg8[%sub3A_370, %dma_wait3A_377] : memref<25x80xi32, #tpu.memory_space<vmem>> -> memref<1x80xi32, #tpu.memory_space<vmem>>
        %dma_wait3A_379 = tpu.memref_squeeze %dma_wait3A_378 : memref<1x80xi32, #tpu.memory_space<vmem>> -> memref<80xi32, #tpu.memory_space<vmem>>
        %dma_wait3A_380 = arith.constant 0 : i32
        %dma_wait3A_381 = arith.constant 0 : i32
        %dma_wait3A_382 = tpu.memref_slice %arg10[%dma_wait3A_380, %dma_wait3A_381] : memref<10112x128xf32, #tpu.memory_space<vmem_shared>> -> memref<10112x128xf32, #tpu.memory_space<vmem_shared>>
        %dma_wait3A_383 = tpu.memref_slice %arg12[%rem3A_372] : memref<3x!tpu.dma_semaphore, #tpu.memory_space<semaphore_mem>> -> memref<1x!tpu.dma_semaphore, #tpu.memory_space<semaphore_mem>>
        %dma_wait3A_384 = tpu.memref_squeeze %dma_wait3A_383 : memref<1x!tpu.dma_semaphore, #tpu.memory_space<semaphore_mem>> -> memref<!tpu.dma_semaphore, #tpu.memory_space<semaphore_mem>>
        tpu.wait_indirect_dma semaphore(%dma_wait3A_384 : memref<!tpu.dma_semaphore, #tpu.memory_space<semaphore_mem>>) src(%dma_wait3A_376 : memref<80x128xf32, #tpu.memory_space<vmem>>) dst(%dma_wait3A_382 : memref<10112x128xf32, #tpu.memory_space<vmem_shared>>)
      } else {
      }
      %add3A_339 = arith.constant 1 : i32
      %add3A_340 = arith.addi %add3A_335, %add3A_339 : i32
      %lt3A = arith.constant 25 : i32
      %lt3A_341 = arith.cmpi slt, %add3A_340, %lt3A : i32
      %convert_element_type3A_342 = arith.extui %lt3A_341 : i1 to i32
      %cond3A_343 = arith.constant 0 : i32
      %cond3A_344 = arith.cmpi ne, %convert_element_type3A_342, %cond3A_343 : i32
      scf.if %cond3A_344 {
        %add3A_369 = arith.constant 1 : i32
        %add3A_370 = arith.addi %add3A_335, %add3A_369 : i32
        %add3A_371 = arith.constant 1 : i32
        %add3A_372 = arith.addi %add3A_335, %add3A_371 : i32
        %rem3A_373 = arith.constant 3 : i32
        %rem3A_374 = arith.remsi %add3A_372, %rem3A_373 : i32
        %dma_start3A_375 = arith.constant 0 : i32
        %dma_start3A_376 = arith.constant 0 : i32
        %dma_start3A_377 = tpu.memref_slice %arg9[%rem3A_374, %dma_start3A_375, %dma_start3A_376] : memref<3x80x128xf32, #tpu.memory_space<vmem>> -> memref<1x80x128xf32, #tpu.memory_space<vmem>>
        %dma_start3A_378 = tpu.memref_squeeze %dma_start3A_377 : memref<1x80x128xf32, #tpu.memory_space<vmem>> -> memref<80x128xf32, #tpu.memory_space<vmem>>
        %dma_start3A_379 = arith.constant 0 : i32
        %dma_start3A_380 = tpu.memref_slice %arg7[%add3A_370, %dma_start3A_379] : memref<25x80xi32, #tpu.memory_space<vmem>> -> memref<1x80xi32, #tpu.memory_space<vmem>>
        %dma_start3A_381 = tpu.memref_squeeze %dma_start3A_380 : memref<1x80xi32, #tpu.memory_space<vmem>> -> memref<80xi32, #tpu.memory_space<vmem>>
        %dma_start3A_382 = arith.constant 0 : i32
        %dma_start3A_383 = arith.constant 0 : i32
        %dma_start3A_384 = tpu.memref_slice %arg2[%dma_start3A_382, %dma_start3A_383] : memref<10000x128xf32, #tpu.memory_space<hbm>> -> memref<10000x128xf32, #tpu.memory_space<hbm>>
        %dma_start3A_385 = tpu.memref_slice %arg11[%rem3A_374] : memref<3x!tpu.dma_semaphore, #tpu.memory_space<semaphore_mem>> -> memref<1x!tpu.dma_semaphore, #tpu.memory_space<semaphore_mem>>
        %dma_start3A_386 = tpu.memref_squeeze %dma_start3A_385 : memref<1x!tpu.dma_semaphore, #tpu.memory_space<semaphore_mem>> -> memref<!tpu.dma_semaphore, #tpu.memory_space<semaphore_mem>>
        tpu.enqueue_indirect_dma source(%dma_start3A_384 : memref<10000x128xf32, #tpu.memory_space<hbm>>) target(%dma_start3A_378 : memref<80x128xf32, #tpu.memory_space<vmem>>) offsets(%dma_start3A_381 : memref<80xi32, #tpu.memory_space<vmem>>) semaphore(%dma_start3A_386 : memref<!tpu.dma_semaphore, #tpu.memory_space<semaphore_mem>>)
      } else {
      }
      %dma_wait3A_345 = arith.constant 0 : i32
      %dma_wait3A_346 = arith.constant 0 : i32
      %dma_wait3A_347 = tpu.memref_slice %arg9[%rem3A_336, %dma_wait3A_345, %dma_wait3A_346] : memref<3x80x128xf32, #tpu.memory_space<vmem>> -> memref<1x80x128xf32, #tpu.memory_space<vmem>>
      %dma_wait3A_348 = tpu.memref_squeeze %dma_wait3A_347 : memref<1x80x128xf32, #tpu.memory_space<vmem>> -> memref<80x128xf32, #tpu.memory_space<vmem>>
      %dma_wait3A_349 = arith.constant 0 : i32
      %dma_wait3A_350 = tpu.memref_slice %arg7[%add3A_335, %dma_wait3A_349] : memref<25x80xi32, #tpu.memory_space<vmem>> -> memref<1x80xi32, #tpu.memory_space<vmem>>
      %dma_wait3A_351 = tpu.memref_squeeze %dma_wait3A_350 : memref<1x80xi32, #tpu.memory_space<vmem>> -> memref<80xi32, #tpu.memory_space<vmem>>
      %dma_wait3A_352 = arith.constant 0 : i32
      %dma_wait3A_353 = arith.constant 0 : i32
      %dma_wait3A_354 = tpu.memref_slice %arg2[%dma_wait3A_352, %dma_wait3A_353] : memref<10000x128xf32, #tpu.memory_space<hbm>> -> memref<10000x128xf32, #tpu.memory_space<hbm>>
      %dma_wait3A_355 = tpu.memref_slice %arg11[%rem3A_336] : memref<3x!tpu.dma_semaphore, #tpu.memory_space<semaphore_mem>> -> memref<1x!tpu.dma_semaphore, #tpu.memory_space<semaphore_mem>>
      %dma_wait3A_356 = tpu.memref_squeeze %dma_wait3A_355 : memref<1x!tpu.dma_semaphore, #tpu.memory_space<semaphore_mem>> -> memref<!tpu.dma_semaphore, #tpu.memory_space<semaphore_mem>>
      tpu.wait_indirect_dma semaphore(%dma_wait3A_356 : memref<!tpu.dma_semaphore, #tpu.memory_space<semaphore_mem>>) src(%dma_wait3A_354 : memref<10000x128xf32, #tpu.memory_space<hbm>>) dst(%dma_wait3A_348 : memref<80x128xf32, #tpu.memory_space<vmem>>)
      %dma_start3A_357 = arith.constant 0 : i32
      %dma_start3A_358 = arith.constant 0 : i32
      %dma_start3A_359 = tpu.memref_slice %arg9[%rem3A_336, %dma_start3A_357, %dma_start3A_358] : memref<3x80x128xf32, #tpu.memory_space<vmem>> -> memref<1x80x128xf32, #tpu.memory_space<vmem>>
      %dma_start3A_360 = tpu.memref_squeeze %dma_start3A_359 : memref<1x80x128xf32, #tpu.memory_space<vmem>> -> memref<80x128xf32, #tpu.memory_space<vmem>>
      %dma_start3A_361 = arith.constant 0 : i32
      %dma_start3A_362 = tpu.memref_slice %arg8[%add3A_335, %dma_start3A_361] : memref<25x80xi32, #tpu.memory_space<vmem>> -> memref<1x80xi32, #tpu.memory_space<vmem>>
      %dma_start3A_363 = tpu.memref_squeeze %dma_start3A_362 : memref<1x80xi32, #tpu.memory_space<vmem>> -> memref<80xi32, #tpu.memory_space<vmem>>
      %dma_start3A_364 = arith.constant 0 : i32
      %dma_start3A_365 = arith.constant 0 : i32
      %dma_start3A_366 = tpu.memref_slice %arg10[%dma_start3A_364, %dma_start3A_365] : memref<10112x128xf32, #tpu.memory_space<vmem_shared>> -> memref<10112x128xf32, #tpu.memory_space<vmem_shared>>
      %dma_start3A_367 = tpu.memref_slice %arg12[%rem3A_336] : memref<3x!tpu.dma_semaphore, #tpu.memory_space<semaphore_mem>> -> memref<1x!tpu.dma_semaphore, #tpu.memory_space<semaphore_mem>>
      %dma_start3A_368 = tpu.memref_squeeze %dma_start3A_367 : memref<1x!tpu.dma_semaphore, #tpu.memory_space<semaphore_mem>> -> memref<!tpu.dma_semaphore, #tpu.memory_space<semaphore_mem>>
      tpu.enqueue_indirect_dma source(%dma_start3A_360 : memref<80x128xf32, #tpu.memory_space<vmem>>) target(%dma_start3A_366 : memref<10112x128xf32, #tpu.memory_space<vmem_shared>>) offsets(%dma_start3A_363 : memref<80xi32, #tpu.memory_space<vmem>>) semaphore(%dma_start3A_368 : memref<!tpu.dma_semaphore, #tpu.memory_space<semaphore_mem>>) {add = true}
    }
    %while3A_167 = arith.constant 1 : i32
    scf.for %while3A_333 = %while3A_165 to %while3A_161 step %while3A_167  : i32 {
      %mul3A_334 = arith.muli %while3A_333, %while3A_157 : i32
      %add3A_335 = arith.addi %while3A_158, %mul3A_334 : i32
      %rem3A = arith.constant 3 : i32
      %rem3A_336 = arith.remsi %add3A_335, %rem3A : i32
      %ge3A = arith.constant 2 : i32
      %ge3A_337 = arith.cmpi sge, %add3A_335, %ge3A : i32
      %convert_element_type3A = arith.extui %ge3A_337 : i1 to i32
      %cond3A = arith.constant 0 : i32
      %cond3A_338 = arith.cmpi ne, %convert_element_type3A, %cond3A : i32
      scf.if %cond3A_338 {
        %sub3A_369 = arith.constant 2 : i32
        %sub3A_370 = arith.subi %add3A_335, %sub3A_369 : i32
        %rem3A_371 = arith.constant 3 : i32
        %rem3A_372 = arith.remsi %sub3A_370, %rem3A_371 : i32
        %dma_wait3A_373 = arith.constant 0 : i32
        %dma_wait3A_374 = arith.constant 0 : i32
        %dma_wait3A_375 = tpu.memref_slice %arg9[%rem3A_372, %dma_wait3A_373, %dma_wait3A_374] : memref<3x80x128xf32, #tpu.memory_space<vmem>> -> memref<1x80x128xf32, #tpu.memory_space<vmem>>
        %dma_wait3A_376 = tpu.memref_squeeze %dma_wait3A_375 : memref<1x80x128xf32, #tpu.memory_space<vmem>> -> memref<80x128xf32, #tpu.memory_space<vmem>>
        %dma_wait3A_377 = arith.constant 0 : i32
        %dma_wait3A_378 = tpu.memref_slice %arg8[%sub3A_370, %dma_wait3A_377] : memref<25x80xi32, #tpu.memory_space<vmem>> -> memref<1x80xi32, #tpu.memory_space<vmem>>
        %dma_wait3A_379 = tpu.memref_squeeze %dma_wait3A_378 : memref<1x80xi32, #tpu.memory_space<vmem>> -> memref<80xi32, #tpu.memory_space<vmem>>
        %dma_wait3A_380 = arith.constant 0 : i32
        %dma_wait3A_381 = arith.constant 0 : i32
        %dma_wait3A_382 = tpu.memref_slice %arg10[%dma_wait3A_380, %dma_wait3A_381] : memref<10112x128xf32, #tpu.memory_space<vmem_shared>> -> memref<10112x128xf32, #tpu.memory_space<vmem_shared>>
        %dma_wait3A_383 = tpu.memref_slice %arg12[%rem3A_372] : memref<3x!tpu.dma_semaphore, #tpu.memory_space<semaphore_mem>> -> memref<1x!tpu.dma_semaphore, #tpu.memory_space<semaphore_mem>>
        %dma_wait3A_384 = tpu.memref_squeeze %dma_wait3A_383 : memref<1x!tpu.dma_semaphore, #tpu.memory_space<semaphore_mem>> -> memref<!tpu.dma_semaphore, #tpu.memory_space<semaphore_mem>>
        tpu.wait_indirect_dma semaphore(%dma_wait3A_384 : memref<!tpu.dma_semaphore, #tpu.memory_space<semaphore_mem>>) src(%dma_wait3A_376 : memref<80x128xf32, #tpu.memory_space<vmem>>) dst(%dma_wait3A_382 : memref<10112x128xf32, #tpu.memory_space<vmem_shared>>)
      } else {
      }
      %add3A_339 = arith.constant 1 : i32
      %add3A_340 = arith.addi %add3A_335, %add3A_339 : i32
      %lt3A = arith.constant 25 : i32
      %lt3A_341 = arith.cmpi slt, %add3A_340, %lt3A : i32
      %convert_element_type3A_342 = arith.extui %lt3A_341 : i1 to i32
      %cond3A_343 = arith.constant 0 : i32
      %cond3A_344 = arith.cmpi ne, %convert_element_type3A_342, %cond3A_343 : i32
      scf.if %cond3A_344 {
        %add3A_369 = arith.constant 1 : i32
        %add3A_370 = arith.addi %add3A_335, %add3A_369 : i32
        %add3A_371 = arith.constant 1 : i32
        %add3A_372 = arith.addi %add3A_335, %add3A_371 : i32
        %rem3A_373 = arith.constant 3 : i32
        %rem3A_374 = arith.remsi %add3A_372, %rem3A_373 : i32
        %dma_start3A_375 = arith.constant 0 : i32
        %dma_start3A_376 = arith.constant 0 : i32
        %dma_start3A_377 = tpu.memref_slice %arg9[%rem3A_374, %dma_start3A_375, %dma_start3A_376] : memref<3x80x128xf32, #tpu.memory_space<vmem>> -> memref<1x80x128xf32, #tpu.memory_space<vmem>>
        %dma_start3A_378 = tpu.memref_squeeze %dma_start3A_377 : memref<1x80x128xf32, #tpu.memory_space<vmem>> -> memref<80x128xf32, #tpu.memory_space<vmem>>
        %dma_start3A_379 = arith.constant 0 : i32
        %dma_start3A_380 = tpu.memref_slice %arg7[%add3A_370, %dma_start3A_379] : memref<25x80xi32, #tpu.memory_space<vmem>> -> memref<1x80xi32, #tpu.memory_space<vmem>>
        %dma_start3A_381 = tpu.memref_squeeze %dma_start3A_380 : memref<1x80xi32, #tpu.memory_space<vmem>> -> memref<80xi32, #tpu.memory_space<vmem>>
        %dma_start3A_382 = arith.constant 0 : i32
        %dma_start3A_383 = arith.constant 0 : i32
        %dma_start3A_384 = tpu.memref_slice %arg2[%dma_start3A_382, %dma_start3A_383] : memref<10000x128xf32, #tpu.memory_space<hbm>> -> memref<10000x128xf32, #tpu.memory_space<hbm>>
        %dma_start3A_385 = tpu.memref_slice %arg11[%rem3A_374] : memref<3x!tpu.dma_semaphore, #tpu.memory_space<semaphore_mem>> -> memref<1x!tpu.dma_semaphore, #tpu.memory_space<semaphore_mem>>
        %dma_start3A_386 = tpu.memref_squeeze %dma_start3A_385 : memref<1x!tpu.dma_semaphore, #tpu.memory_space<semaphore_mem>> -> memref<!tpu.dma_semaphore, #tpu.memory_space<semaphore_mem>>
        tpu.enqueue_indirect_dma source(%dma_start3A_384 : memref<10000x128xf32, #tpu.memory_space<hbm>>) target(%dma_start3A_378 : memref<80x128xf32, #tpu.memory_space<vmem>>) offsets(%dma_start3A_381 : memref<80xi32, #tpu.memory_space<vmem>>) semaphore(%dma_start3A_386 : memref<!tpu.dma_semaphore, #tpu.memory_space<semaphore_mem>>)
      } else {
      }
      %dma_wait3A_345 = arith.constant 0 : i32
      %dma_wait3A_346 = arith.constant 0 : i32
      %dma_wait3A_347 = tpu.memref_slice %arg9[%rem3A_336, %dma_wait3A_345, %dma_wait3A_346] : memref<3x80x128xf32, #tpu.memory_space<vmem>> -> memref<1x80x128xf32, #tpu.memory_space<vmem>>
      %dma_wait3A_348 = tpu.memref_squeeze %dma_wait3A_347 : memref<1x80x128xf32, #tpu.memory_space<vmem>> -> memref<80x128xf32, #tpu.memory_space<vmem>>
      %dma_wait3A_349 = arith.constant 0 : i32
      %dma_wait3A_350 = tpu.memref_slice %arg7[%add3A_335, %dma_wait3A_349] : memref<25x80xi32, #tpu.memory_space<vmem>> -> memref<1x80xi32, #tpu.memory_space<vmem>>
      %dma_wait3A_351 = tpu.memref_squeeze %dma_wait3A_350 : memref<1x80xi32, #tpu.memory_space<vmem>> -> memref<80xi32, #tpu.memory_space<vmem>>
      %dma_wait3A_352 = arith.constant 0 : i32
      %dma_wait3A_353 = arith.constant 0 : i32
      %dma_wait3A_354 = tpu.memref_slice %arg2[%dma_wait3A_352, %dma_wait3A_353] : memref<10000x128xf32, #tpu.memory_space<hbm>> -> memref<10000x128xf32, #tpu.memory_space<hbm>>
      %dma_wait3A_355 = tpu.memref_slice %arg11[%rem3A_336] : memref<3x!tpu.dma_semaphore, #tpu.memory_space<semaphore_mem>> -> memref<1x!tpu.dma_semaphore, #tpu.memory_space<semaphore_mem>>
      %dma_wait3A_356 = tpu.memref_squeeze %dma_wait3A_355 : memref<1x!tpu.dma_semaphore, #tpu.memory_space<semaphore_mem>> -> memref<!tpu.dma_semaphore, #tpu.memory_space<semaphore_mem>>
      tpu.wait_indirect_dma semaphore(%dma_wait3A_356 : memref<!tpu.dma_semaphore, #tpu.memory_space<semaphore_mem>>) src(%dma_wait3A_354 : memref<10000x128xf32, #tpu.memory_space<hbm>>) dst(%dma_wait3A_348 : memref<80x128xf32, #tpu.memory_space<vmem>>)
      %dma_start3A_357 = arith.constant 0 : i32
      %dma_start3A_358 = arith.constant 0 : i32
      %dma_start3A_359 = tpu.memref_slice %arg9[%rem3A_336, %dma_start3A_357, %dma_start3A_358] : memref<3x80x128xf32, #tpu.memory_space<vmem>> -> memref<1x80x128xf32, #tpu.memory_space<vmem>>
      %dma_start3A_360 = tpu.memref_squeeze %dma_start3A_359 : memref<1x80x128xf32, #tpu.memory_space<vmem>> -> memref<80x128xf32, #tpu.memory_space<vmem>>
      %dma_start3A_361 = arith.constant 0 : i32
      %dma_start3A_362 = tpu.memref_slice %arg8[%add3A_335, %dma_start3A_361] : memref<25x80xi32, #tpu.memory_space<vmem>> -> memref<1x80xi32, #tpu.memory_space<vmem>>
      %dma_start3A_363 = tpu.memref_squeeze %dma_start3A_362 : memref<1x80xi32, #tpu.memory_space<vmem>> -> memref<80xi32, #tpu.memory_space<vmem>>
      %dma_start3A_364 = arith.constant 0 : i32
      %dma_start3A_365 = arith.constant 0 : i32
      %dma_start3A_366 = tpu.memref_slice %arg10[%dma_start3A_364, %dma_start3A_365] : memref<10112x128xf32, #tpu.memory_space<vmem_shared>> -> memref<10112x128xf32, #tpu.memory_space<vmem_shared>>
      %dma_start3A_367 = tpu.memref_slice %arg12[%rem3A_336] : memref<3x!tpu.dma_semaphore, #tpu.memory_space<semaphore_mem>> -> memref<1x!tpu.dma_semaphore, #tpu.memory_space<semaphore_mem>>
      %dma_start3A_368 = tpu.memref_squeeze %dma_start3A_367 : memref<1x!tpu.dma_semaphore, #tpu.memory_space<semaphore_mem>> -> memref<!tpu.dma_semaphore, #tpu.memory_space<semaphore_mem>>
      tpu.enqueue_indirect_dma source(%dma_start3A_360 : memref<80x128xf32, #tpu.memory_space<vmem>>) target(%dma_start3A_366 : memref<10112x128xf32, #tpu.memory_space<vmem_shared>>) offsets(%dma_start3A_363 : memref<80xi32, #tpu.memory_space<vmem>>) semaphore(%dma_start3A_368 : memref<!tpu.dma_semaphore, #tpu.memory_space<semaphore_mem>>) {add = true}
    }
    %dma_wait3A_168 = arith.constant 2 : i32
    %dma_wait3A_169 = arith.constant 23 : i32
    %dma_wait3A_170 = arith.constant 2 : i32
    %dma_wait3A_171 = arith.constant 0 : i32
    %dma_wait3A_172 = arith.constant 0 : i32
    %dma_wait3A_173 = tpu.memref_slice %arg9[%dma_wait3A_168, %dma_wait3A_171, %dma_wait3A_172] : memref<3x80x128xf32, #tpu.memory_space<vmem>> -> memref<1x80x128xf32, #tpu.memory_space<vmem>>
    %dma_wait3A_174 = tpu.memref_squeeze %dma_wait3A_173 : memref<1x80x128xf32, #tpu.memory_space<vmem>> -> memref<80x128xf32, #tpu.memory_space<vmem>>
    %dma_wait3A_175 = arith.constant 0 : i32
    %dma_wait3A_176 = tpu.memref_slice %arg8[%dma_wait3A_169, %dma_wait3A_175] : memref<25x80xi32, #tpu.memory_space<vmem>> -> memref<1x80xi32, #tpu.memory_space<vmem>>
    %dma_wait3A_177 = tpu.memref_squeeze %dma_wait3A_176 : memref<1x80xi32, #tpu.memory_space<vmem>> -> memref<80xi32, #tpu.memory_space<vmem>>
    %dma_wait3A_178 = arith.constant 0 : i32
    %dma_wait3A_179 = arith.constant 0 : i32
    %dma_wait3A_180 = tpu.memref_slice %arg10[%dma_wait3A_178, %dma_wait3A_179] : memref<10112x128xf32, #tpu.memory_space<vmem_shared>> -> memref<10112x128xf32, #tpu.memory_space<vmem_shared>>
    %dma_wait3A_181 = tpu.memref_slice %arg12[%dma_wait3A_170] : memref<3x!tpu.dma_semaphore, #tpu.memory_space<semaphore_mem>> -> memref<1x!tpu.dma_semaphore, #tpu.memory_space<semaphore_mem>>
    %dma_wait3A_182 = tpu.memref_squeeze %dma_wait3A_181 : memref<1x!tpu.dma_semaphore, #tpu.memory_space<semaphore_mem>> -> memref<!tpu.dma_semaphore, #tpu.memory_space<semaphore_mem>>
    tpu.wait_indirect_dma semaphore(%dma_wait3A_182 : memref<!tpu.dma_semaphore, #tpu.memory_space<semaphore_mem>>) src(%dma_wait3A_174 : memref<80x128xf32, #tpu.memory_space<vmem>>) dst(%dma_wait3A_180 : memref<10112x128xf32, #tpu.memory_space<vmem_shared>>)
    %dma_wait3A_183 = arith.constant 0 : i32
    %dma_wait3A_184 = arith.constant 24 : i32
    %dma_wait3A_185 = arith.constant 0 : i32
    %dma_wait3A_186 = arith.constant 0 : i32
    %dma_wait3A_187 = arith.constant 0 : i32
    %dma_wait3A_188 = tpu.memref_slice %arg9[%dma_wait3A_183, %dma_wait3A_186, %dma_wait3A_187] : memref<3x80x128xf32, #tpu.memory_space<vmem>> -> memref<1x80x128xf32, #tpu.memory_space<vmem>>
    %dma_wait3A_189 = tpu.memref_squeeze %dma_wait3A_188 : memref<1x80x128xf32, #tpu.memory_space<vmem>> -> memref<80x128xf32, #tpu.memory_space<vmem>>
    %dma_wait3A_190 = arith.constant 0 : i32
    %dma_wait3A_191 = tpu.memref_slice %arg8[%dma_wait3A_184, %dma_wait3A_190] : memref<25x80xi32, #tpu.memory_space<vmem>> -> memref<1x80xi32, #tpu.memory_space<vmem>>
    %dma_wait3A_192 = tpu.memref_squeeze %dma_wait3A_191 : memref<1x80xi32, #tpu.memory_space<vmem>> -> memref<80xi32, #tpu.memory_space<vmem>>
    %dma_wait3A_193 = arith.constant 0 : i32
    %dma_wait3A_194 = arith.constant 0 : i32
    %dma_wait3A_195 = tpu.memref_slice %arg10[%dma_wait3A_193, %dma_wait3A_194] : memref<10112x128xf32, #tpu.memory_space<vmem_shared>> -> memref<10112x128xf32, #tpu.memory_space<vmem_shared>>
    %dma_wait3A_196 = tpu.memref_slice %arg12[%dma_wait3A_185] : memref<3x!tpu.dma_semaphore, #tpu.memory_space<semaphore_mem>> -> memref<1x!tpu.dma_semaphore, #tpu.memory_space<semaphore_mem>>
    %dma_wait3A_197 = tpu.memref_squeeze %dma_wait3A_196 : memref<1x!tpu.dma_semaphore, #tpu.memory_space<semaphore_mem>> -> memref<!tpu.dma_semaphore, #tpu.memory_space<semaphore_mem>>
    tpu.wait_indirect_dma semaphore(%dma_wait3A_197 : memref<!tpu.dma_semaphore, #tpu.memory_space<semaphore_mem>>) src(%dma_wait3A_189 : memref<80x128xf32, #tpu.memory_space<vmem>>) dst(%dma_wait3A_195 : memref<10112x128xf32, #tpu.memory_space<vmem_shared>>)
    %run_scoped3A_198 = arith.constant 3 : i32
    "tpu.region"() ({
      %run_scoped3A_333 = tpu.sem_alloc : memref<!tpu.dma_semaphore, #tpu.memory_space<semaphore_mem>>
      %dma_start3A_334 = arith.constant 0 : i32
      %dma_start3A_335 = arith.constant 0 : i32
      %dma_start3A_336 = tpu.memref_slice %arg3[%add3A, %run_scoped3A_198, %dma_start3A_334, %dma_start3A_335] : memref<32x5x25x80xi32, #tpu.memory_space<hbm>> -> memref<1x1x25x80xi32, #tpu.memory_space<hbm>>
      %dma_start3A_337 = tpu.memref_squeeze %dma_start3A_336 : memref<1x1x25x80xi32, #tpu.memory_space<hbm>> -> memref<25x80xi32, #tpu.memory_space<hbm>>
      %dma_start3A_338 = arith.constant 0 : i32
      %dma_start3A_339 = arith.constant 0 : i32
      %dma_start3A_340 = tpu.memref_slice %arg3[%add3A, %run_scoped3A_198, %dma_start3A_338, %dma_start3A_339] : memref<32x5x25x80xi32, #tpu.memory_space<hbm>> -> memref<1x1x25x80xi32, #tpu.memory_space<hbm>>
      %dma_start3A_341 = tpu.memref_squeeze %dma_start3A_340 : memref<1x1x25x80xi32, #tpu.memory_space<hbm>> -> memref<25x80xi32, #tpu.memory_space<hbm>>
      tpu.enqueue_dma source(%dma_start3A_341 : memref<25x80xi32, #tpu.memory_space<hbm>>) target(%arg7 : memref<25x80xi32, #tpu.memory_space<vmem>>) target_semaphore(%run_scoped3A_333 : memref<!tpu.dma_semaphore, #tpu.memory_space<semaphore_mem>>)
      %dma_wait3A_342 = arith.constant 0 : i32
      %dma_wait3A_343 = arith.constant 0 : i32
      %dma_wait3A_344 = tpu.memref_slice %arg3[%add3A, %run_scoped3A_198, %dma_wait3A_342, %dma_wait3A_343] : memref<32x5x25x80xi32, #tpu.memory_space<hbm>> -> memref<1x1x25x80xi32, #tpu.memory_space<hbm>>
      %dma_wait3A_345 = tpu.memref_squeeze %dma_wait3A_344 : memref<1x1x25x80xi32, #tpu.memory_space<hbm>> -> memref<25x80xi32, #tpu.memory_space<hbm>>
      %dma_wait3A_346 = arith.constant 0 : i32
      %dma_wait3A_347 = arith.constant 0 : i32
      %dma_wait3A_348 = tpu.memref_slice %arg3[%add3A, %run_scoped3A_198, %dma_wait3A_346, %dma_wait3A_347] : memref<32x5x25x80xi32, #tpu.memory_space<hbm>> -> memref<1x1x25x80xi32, #tpu.memory_space<hbm>>
      %dma_wait3A_349 = tpu.memref_squeeze %dma_wait3A_348 : memref<1x1x25x80xi32, #tpu.memory_space<hbm>> -> memref<25x80xi32, #tpu.memory_space<hbm>>
      tpu.wait_dma2 semaphore(%run_scoped3A_333 : memref<!tpu.dma_semaphore, #tpu.memory_space<semaphore_mem>>) src(%dma_wait3A_349 : memref<25x80xi32, #tpu.memory_space<hbm>>) dst(%arg7 : memref<25x80xi32, #tpu.memory_space<vmem>>)
      tpu.yield
    }) : () -> ()
    %run_scoped3A_199 = arith.constant 3 : i32
    "tpu.region"() ({
      %run_scoped3A_333 = tpu.sem_alloc : memref<!tpu.dma_semaphore, #tpu.memory_space<semaphore_mem>>
      %dma_start3A_334 = arith.constant 0 : i32
      %dma_start3A_335 = arith.constant 0 : i32
      %dma_start3A_336 = tpu.memref_slice %arg4[%add3A, %run_scoped3A_199, %dma_start3A_334, %dma_start3A_335] : memref<32x5x25x80xi32, #tpu.memory_space<hbm>> -> memref<1x1x25x80xi32, #tpu.memory_space<hbm>>
      %dma_start3A_337 = tpu.memref_squeeze %dma_start3A_336 : memref<1x1x25x80xi32, #tpu.memory_space<hbm>> -> memref<25x80xi32, #tpu.memory_space<hbm>>
      %dma_start3A_338 = arith.constant 0 : i32
      %dma_start3A_339 = arith.constant 0 : i32
      %dma_start3A_340 = tpu.memref_slice %arg4[%add3A, %run_scoped3A_199, %dma_start3A_338, %dma_start3A_339] : memref<32x5x25x80xi32, #tpu.memory_space<hbm>> -> memref<1x1x25x80xi32, #tpu.memory_space<hbm>>
      %dma_start3A_341 = tpu.memref_squeeze %dma_start3A_340 : memref<1x1x25x80xi32, #tpu.memory_space<hbm>> -> memref<25x80xi32, #tpu.memory_space<hbm>>
      tpu.enqueue_dma source(%dma_start3A_341 : memref<25x80xi32, #tpu.memory_space<hbm>>) target(%arg8 : memref<25x80xi32, #tpu.memory_space<vmem>>) target_semaphore(%run_scoped3A_333 : memref<!tpu.dma_semaphore, #tpu.memory_space<semaphore_mem>>)
      %dma_wait3A_342 = arith.constant 0 : i32
      %dma_wait3A_343 = arith.constant 0 : i32
      %dma_wait3A_344 = tpu.memref_slice %arg4[%add3A, %run_scoped3A_199, %dma_wait3A_342, %dma_wait3A_343] : memref<32x5x25x80xi32, #tpu.memory_space<hbm>> -> memref<1x1x25x80xi32, #tpu.memory_space<hbm>>
      %dma_wait3A_345 = tpu.memref_squeeze %dma_wait3A_344 : memref<1x1x25x80xi32, #tpu.memory_space<hbm>> -> memref<25x80xi32, #tpu.memory_space<hbm>>
      %dma_wait3A_346 = arith.constant 0 : i32
      %dma_wait3A_347 = arith.constant 0 : i32
      %dma_wait3A_348 = tpu.memref_slice %arg4[%add3A, %run_scoped3A_199, %dma_wait3A_346, %dma_wait3A_347] : memref<32x5x25x80xi32, #tpu.memory_space<hbm>> -> memref<1x1x25x80xi32, #tpu.memory_space<hbm>>
      %dma_wait3A_349 = tpu.memref_squeeze %dma_wait3A_348 : memref<1x1x25x80xi32, #tpu.memory_space<hbm>> -> memref<25x80xi32, #tpu.memory_space<hbm>>
      tpu.wait_dma2 semaphore(%run_scoped3A_333 : memref<!tpu.dma_semaphore, #tpu.memory_space<semaphore_mem>>) src(%dma_wait3A_349 : memref<25x80xi32, #tpu.memory_space<hbm>>) dst(%arg8 : memref<25x80xi32, #tpu.memory_space<vmem>>)
      tpu.yield
    }) : () -> ()
    %dma_start3A_200 = arith.constant 0 : i32
    %dma_start3A_201 = arith.constant 0 : i32
    %dma_start3A_202 = arith.constant 0 : i32
    %dma_start3A_203 = arith.constant 0 : i32
    %dma_start3A_204 = arith.constant 0 : i32
    %dma_start3A_205 = tpu.memref_slice %arg9[%dma_start3A_201, %dma_start3A_203, %dma_start3A_204] : memref<3x80x128xf32, #tpu.memory_space<vmem>> -> memref<1x80x128xf32, #tpu.memory_space<vmem>>
    %dma_start3A_206 = tpu.memref_squeeze %dma_start3A_205 : memref<1x80x128xf32, #tpu.memory_space<vmem>> -> memref<80x128xf32, #tpu.memory_space<vmem>>
    %dma_start3A_207 = arith.constant 0 : i32
    %dma_start3A_208 = tpu.memref_slice %arg7[%dma_start3A_200, %dma_start3A_207] : memref<25x80xi32, #tpu.memory_space<vmem>> -> memref<1x80xi32, #tpu.memory_space<vmem>>
    %dma_start3A_209 = tpu.memref_squeeze %dma_start3A_208 : memref<1x80xi32, #tpu.memory_space<vmem>> -> memref<80xi32, #tpu.memory_space<vmem>>
    %dma_start3A_210 = arith.constant 0 : i32
    %dma_start3A_211 = arith.constant 0 : i32
    %dma_start3A_212 = tpu.memref_slice %arg2[%dma_start3A_210, %dma_start3A_211] : memref<10000x128xf32, #tpu.memory_space<hbm>> -> memref<10000x128xf32, #tpu.memory_space<hbm>>
    %dma_start3A_213 = tpu.memref_slice %arg11[%dma_start3A_202] : memref<3x!tpu.dma_semaphore, #tpu.memory_space<semaphore_mem>> -> memref<1x!tpu.dma_semaphore, #tpu.memory_space<semaphore_mem>>
    %dma_start3A_214 = tpu.memref_squeeze %dma_start3A_213 : memref<1x!tpu.dma_semaphore, #tpu.memory_space<semaphore_mem>> -> memref<!tpu.dma_semaphore, #tpu.memory_space<semaphore_mem>>
    tpu.enqueue_indirect_dma source(%dma_start3A_212 : memref<10000x128xf32, #tpu.memory_space<hbm>>) target(%dma_start3A_206 : memref<80x128xf32, #tpu.memory_space<vmem>>) offsets(%dma_start3A_209 : memref<80xi32, #tpu.memory_space<vmem>>) semaphore(%dma_start3A_214 : memref<!tpu.dma_semaphore, #tpu.memory_space<semaphore_mem>>)
    %sub3A_215 = arith.constant 25 : i32
    %sub3A_216 = arith.constant 0 : i32
    %sub3A_217 = arith.subi %sub3A_215, %sub3A_216 : i32
    %sub3A_218 = arith.constant 1 : i32
    %sub3A_219 = arith.constant 1 : i32
    %sub3A_220 = arith.subi %sub3A_218, %sub3A_219 : i32
    %add3A_221 = arith.addi %sub3A_217, %sub3A_220 : i32
    %div3A_222 = arith.constant 1 : i32
    %div3A_223 = arith.divsi %add3A_221, %div3A_222 : i32
    %while3A_224 = arith.constant 1 : i32
    %while3A_225 = arith.constant 0 : i32
    %while3A_226 = arith.constant 0 : i32
    %while3A_227 = arith.subi %div3A_223, %while3A_226 : i32
    %while3A_228 = arith.addi %while3A_226, %while3A_227 : i32
    %while3A_229 = arith.constant 1 : i32
    %while3A_230 = arith.divsi %while3A_227, %while3A_229 : i32
    %while3A_231 = arith.muli %while3A_230, %while3A_229 : i32
    %while3A_232 = arith.addi %while3A_226, %while3A_231 : i32
    %while3A_233 = arith.constant 1 : i32
    scf.for %while3A_333 = %while3A_226 to %while3A_232 step %while3A_233  : i32 {
      %mul3A_334 = arith.muli %while3A_333, %while3A_224 : i32
      %add3A_335 = arith.addi %while3A_225, %mul3A_334 : i32
      %rem3A = arith.constant 3 : i32
      %rem3A_336 = arith.remsi %add3A_335, %rem3A : i32
      %ge3A = arith.constant 2 : i32
      %ge3A_337 = arith.cmpi sge, %add3A_335, %ge3A : i32
      %convert_element_type3A = arith.extui %ge3A_337 : i1 to i32
      %cond3A = arith.constant 0 : i32
      %cond3A_338 = arith.cmpi ne, %convert_element_type3A, %cond3A : i32
      scf.if %cond3A_338 {
        %sub3A_369 = arith.constant 2 : i32
        %sub3A_370 = arith.subi %add3A_335, %sub3A_369 : i32
        %rem3A_371 = arith.constant 3 : i32
        %rem3A_372 = arith.remsi %sub3A_370, %rem3A_371 : i32
        %dma_wait3A_373 = arith.constant 0 : i32
        %dma_wait3A_374 = arith.constant 0 : i32
        %dma_wait3A_375 = tpu.memref_slice %arg9[%rem3A_372, %dma_wait3A_373, %dma_wait3A_374] : memref<3x80x128xf32, #tpu.memory_space<vmem>> -> memref<1x80x128xf32, #tpu.memory_space<vmem>>
        %dma_wait3A_376 = tpu.memref_squeeze %dma_wait3A_375 : memref<1x80x128xf32, #tpu.memory_space<vmem>> -> memref<80x128xf32, #tpu.memory_space<vmem>>
        %dma_wait3A_377 = arith.constant 0 : i32
        %dma_wait3A_378 = tpu.memref_slice %arg8[%sub3A_370, %dma_wait3A_377] : memref<25x80xi32, #tpu.memory_space<vmem>> -> memref<1x80xi32, #tpu.memory_space<vmem>>
        %dma_wait3A_379 = tpu.memref_squeeze %dma_wait3A_378 : memref<1x80xi32, #tpu.memory_space<vmem>> -> memref<80xi32, #tpu.memory_space<vmem>>
        %dma_wait3A_380 = arith.constant 0 : i32
        %dma_wait3A_381 = arith.constant 0 : i32
        %dma_wait3A_382 = tpu.memref_slice %arg10[%dma_wait3A_380, %dma_wait3A_381] : memref<10112x128xf32, #tpu.memory_space<vmem_shared>> -> memref<10112x128xf32, #tpu.memory_space<vmem_shared>>
        %dma_wait3A_383 = tpu.memref_slice %arg12[%rem3A_372] : memref<3x!tpu.dma_semaphore, #tpu.memory_space<semaphore_mem>> -> memref<1x!tpu.dma_semaphore, #tpu.memory_space<semaphore_mem>>
        %dma_wait3A_384 = tpu.memref_squeeze %dma_wait3A_383 : memref<1x!tpu.dma_semaphore, #tpu.memory_space<semaphore_mem>> -> memref<!tpu.dma_semaphore, #tpu.memory_space<semaphore_mem>>
        tpu.wait_indirect_dma semaphore(%dma_wait3A_384 : memref<!tpu.dma_semaphore, #tpu.memory_space<semaphore_mem>>) src(%dma_wait3A_376 : memref<80x128xf32, #tpu.memory_space<vmem>>) dst(%dma_wait3A_382 : memref<10112x128xf32, #tpu.memory_space<vmem_shared>>)
      } else {
      }
      %add3A_339 = arith.constant 1 : i32
      %add3A_340 = arith.addi %add3A_335, %add3A_339 : i32
      %lt3A = arith.constant 25 : i32
      %lt3A_341 = arith.cmpi slt, %add3A_340, %lt3A : i32
      %convert_element_type3A_342 = arith.extui %lt3A_341 : i1 to i32
      %cond3A_343 = arith.constant 0 : i32
      %cond3A_344 = arith.cmpi ne, %convert_element_type3A_342, %cond3A_343 : i32
      scf.if %cond3A_344 {
        %add3A_369 = arith.constant 1 : i32
        %add3A_370 = arith.addi %add3A_335, %add3A_369 : i32
        %add3A_371 = arith.constant 1 : i32
        %add3A_372 = arith.addi %add3A_335, %add3A_371 : i32
        %rem3A_373 = arith.constant 3 : i32
        %rem3A_374 = arith.remsi %add3A_372, %rem3A_373 : i32
        %dma_start3A_375 = arith.constant 0 : i32
        %dma_start3A_376 = arith.constant 0 : i32
        %dma_start3A_377 = tpu.memref_slice %arg9[%rem3A_374, %dma_start3A_375, %dma_start3A_376] : memref<3x80x128xf32, #tpu.memory_space<vmem>> -> memref<1x80x128xf32, #tpu.memory_space<vmem>>
        %dma_start3A_378 = tpu.memref_squeeze %dma_start3A_377 : memref<1x80x128xf32, #tpu.memory_space<vmem>> -> memref<80x128xf32, #tpu.memory_space<vmem>>
        %dma_start3A_379 = arith.constant 0 : i32
        %dma_start3A_380 = tpu.memref_slice %arg7[%add3A_370, %dma_start3A_379] : memref<25x80xi32, #tpu.memory_space<vmem>> -> memref<1x80xi32, #tpu.memory_space<vmem>>
        %dma_start3A_381 = tpu.memref_squeeze %dma_start3A_380 : memref<1x80xi32, #tpu.memory_space<vmem>> -> memref<80xi32, #tpu.memory_space<vmem>>
        %dma_start3A_382 = arith.constant 0 : i32
        %dma_start3A_383 = arith.constant 0 : i32
        %dma_start3A_384 = tpu.memref_slice %arg2[%dma_start3A_382, %dma_start3A_383] : memref<10000x128xf32, #tpu.memory_space<hbm>> -> memref<10000x128xf32, #tpu.memory_space<hbm>>
        %dma_start3A_385 = tpu.memref_slice %arg11[%rem3A_374] : memref<3x!tpu.dma_semaphore, #tpu.memory_space<semaphore_mem>> -> memref<1x!tpu.dma_semaphore, #tpu.memory_space<semaphore_mem>>
        %dma_start3A_386 = tpu.memref_squeeze %dma_start3A_385 : memref<1x!tpu.dma_semaphore, #tpu.memory_space<semaphore_mem>> -> memref<!tpu.dma_semaphore, #tpu.memory_space<semaphore_mem>>
        tpu.enqueue_indirect_dma source(%dma_start3A_384 : memref<10000x128xf32, #tpu.memory_space<hbm>>) target(%dma_start3A_378 : memref<80x128xf32, #tpu.memory_space<vmem>>) offsets(%dma_start3A_381 : memref<80xi32, #tpu.memory_space<vmem>>) semaphore(%dma_start3A_386 : memref<!tpu.dma_semaphore, #tpu.memory_space<semaphore_mem>>)
      } else {
      }
      %dma_wait3A_345 = arith.constant 0 : i32
      %dma_wait3A_346 = arith.constant 0 : i32
      %dma_wait3A_347 = tpu.memref_slice %arg9[%rem3A_336, %dma_wait3A_345, %dma_wait3A_346] : memref<3x80x128xf32, #tpu.memory_space<vmem>> -> memref<1x80x128xf32, #tpu.memory_space<vmem>>
      %dma_wait3A_348 = tpu.memref_squeeze %dma_wait3A_347 : memref<1x80x128xf32, #tpu.memory_space<vmem>> -> memref<80x128xf32, #tpu.memory_space<vmem>>
      %dma_wait3A_349 = arith.constant 0 : i32
      %dma_wait3A_350 = tpu.memref_slice %arg7[%add3A_335, %dma_wait3A_349] : memref<25x80xi32, #tpu.memory_space<vmem>> -> memref<1x80xi32, #tpu.memory_space<vmem>>
      %dma_wait3A_351 = tpu.memref_squeeze %dma_wait3A_350 : memref<1x80xi32, #tpu.memory_space<vmem>> -> memref<80xi32, #tpu.memory_space<vmem>>
      %dma_wait3A_352 = arith.constant 0 : i32
      %dma_wait3A_353 = arith.constant 0 : i32
      %dma_wait3A_354 = tpu.memref_slice %arg2[%dma_wait3A_352, %dma_wait3A_353] : memref<10000x128xf32, #tpu.memory_space<hbm>> -> memref<10000x128xf32, #tpu.memory_space<hbm>>
      %dma_wait3A_355 = tpu.memref_slice %arg11[%rem3A_336] : memref<3x!tpu.dma_semaphore, #tpu.memory_space<semaphore_mem>> -> memref<1x!tpu.dma_semaphore, #tpu.memory_space<semaphore_mem>>
      %dma_wait3A_356 = tpu.memref_squeeze %dma_wait3A_355 : memref<1x!tpu.dma_semaphore, #tpu.memory_space<semaphore_mem>> -> memref<!tpu.dma_semaphore, #tpu.memory_space<semaphore_mem>>
      tpu.wait_indirect_dma semaphore(%dma_wait3A_356 : memref<!tpu.dma_semaphore, #tpu.memory_space<semaphore_mem>>) src(%dma_wait3A_354 : memref<10000x128xf32, #tpu.memory_space<hbm>>) dst(%dma_wait3A_348 : memref<80x128xf32, #tpu.memory_space<vmem>>)
      %dma_start3A_357 = arith.constant 0 : i32
      %dma_start3A_358 = arith.constant 0 : i32
      %dma_start3A_359 = tpu.memref_slice %arg9[%rem3A_336, %dma_start3A_357, %dma_start3A_358] : memref<3x80x128xf32, #tpu.memory_space<vmem>> -> memref<1x80x128xf32, #tpu.memory_space<vmem>>
      %dma_start3A_360 = tpu.memref_squeeze %dma_start3A_359 : memref<1x80x128xf32, #tpu.memory_space<vmem>> -> memref<80x128xf32, #tpu.memory_space<vmem>>
      %dma_start3A_361 = arith.constant 0 : i32
      %dma_start3A_362 = tpu.memref_slice %arg8[%add3A_335, %dma_start3A_361] : memref<25x80xi32, #tpu.memory_space<vmem>> -> memref<1x80xi32, #tpu.memory_space<vmem>>
      %dma_start3A_363 = tpu.memref_squeeze %dma_start3A_362 : memref<1x80xi32, #tpu.memory_space<vmem>> -> memref<80xi32, #tpu.memory_space<vmem>>
      %dma_start3A_364 = arith.constant 0 : i32
      %dma_start3A_365 = arith.constant 0 : i32
      %dma_start3A_366 = tpu.memref_slice %arg10[%dma_start3A_364, %dma_start3A_365] : memref<10112x128xf32, #tpu.memory_space<vmem_shared>> -> memref<10112x128xf32, #tpu.memory_space<vmem_shared>>
      %dma_start3A_367 = tpu.memref_slice %arg12[%rem3A_336] : memref<3x!tpu.dma_semaphore, #tpu.memory_space<semaphore_mem>> -> memref<1x!tpu.dma_semaphore, #tpu.memory_space<semaphore_mem>>
      %dma_start3A_368 = tpu.memref_squeeze %dma_start3A_367 : memref<1x!tpu.dma_semaphore, #tpu.memory_space<semaphore_mem>> -> memref<!tpu.dma_semaphore, #tpu.memory_space<semaphore_mem>>
      tpu.enqueue_indirect_dma source(%dma_start3A_360 : memref<80x128xf32, #tpu.memory_space<vmem>>) target(%dma_start3A_366 : memref<10112x128xf32, #tpu.memory_space<vmem_shared>>) offsets(%dma_start3A_363 : memref<80xi32, #tpu.memory_space<vmem>>) semaphore(%dma_start3A_368 : memref<!tpu.dma_semaphore, #tpu.memory_space<semaphore_mem>>) {add = true}
    }
    %while3A_234 = arith.constant 1 : i32
    scf.for %while3A_333 = %while3A_232 to %while3A_228 step %while3A_234  : i32 {
      %mul3A_334 = arith.muli %while3A_333, %while3A_224 : i32
      %add3A_335 = arith.addi %while3A_225, %mul3A_334 : i32
      %rem3A = arith.constant 3 : i32
      %rem3A_336 = arith.remsi %add3A_335, %rem3A : i32
      %ge3A = arith.constant 2 : i32
      %ge3A_337 = arith.cmpi sge, %add3A_335, %ge3A : i32
      %convert_element_type3A = arith.extui %ge3A_337 : i1 to i32
      %cond3A = arith.constant 0 : i32
      %cond3A_338 = arith.cmpi ne, %convert_element_type3A, %cond3A : i32
      scf.if %cond3A_338 {
        %sub3A_369 = arith.constant 2 : i32
        %sub3A_370 = arith.subi %add3A_335, %sub3A_369 : i32
        %rem3A_371 = arith.constant 3 : i32
        %rem3A_372 = arith.remsi %sub3A_370, %rem3A_371 : i32
        %dma_wait3A_373 = arith.constant 0 : i32
        %dma_wait3A_374 = arith.constant 0 : i32
        %dma_wait3A_375 = tpu.memref_slice %arg9[%rem3A_372, %dma_wait3A_373, %dma_wait3A_374] : memref<3x80x128xf32, #tpu.memory_space<vmem>> -> memref<1x80x128xf32, #tpu.memory_space<vmem>>
        %dma_wait3A_376 = tpu.memref_squeeze %dma_wait3A_375 : memref<1x80x128xf32, #tpu.memory_space<vmem>> -> memref<80x128xf32, #tpu.memory_space<vmem>>
        %dma_wait3A_377 = arith.constant 0 : i32
        %dma_wait3A_378 = tpu.memref_slice %arg8[%sub3A_370, %dma_wait3A_377] : memref<25x80xi32, #tpu.memory_space<vmem>> -> memref<1x80xi32, #tpu.memory_space<vmem>>
        %dma_wait3A_379 = tpu.memref_squeeze %dma_wait3A_378 : memref<1x80xi32, #tpu.memory_space<vmem>> -> memref<80xi32, #tpu.memory_space<vmem>>
        %dma_wait3A_380 = arith.constant 0 : i32
        %dma_wait3A_381 = arith.constant 0 : i32
        %dma_wait3A_382 = tpu.memref_slice %arg10[%dma_wait3A_380, %dma_wait3A_381] : memref<10112x128xf32, #tpu.memory_space<vmem_shared>> -> memref<10112x128xf32, #tpu.memory_space<vmem_shared>>
        %dma_wait3A_383 = tpu.memref_slice %arg12[%rem3A_372] : memref<3x!tpu.dma_semaphore, #tpu.memory_space<semaphore_mem>> -> memref<1x!tpu.dma_semaphore, #tpu.memory_space<semaphore_mem>>
        %dma_wait3A_384 = tpu.memref_squeeze %dma_wait3A_383 : memref<1x!tpu.dma_semaphore, #tpu.memory_space<semaphore_mem>> -> memref<!tpu.dma_semaphore, #tpu.memory_space<semaphore_mem>>
        tpu.wait_indirect_dma semaphore(%dma_wait3A_384 : memref<!tpu.dma_semaphore, #tpu.memory_space<semaphore_mem>>) src(%dma_wait3A_376 : memref<80x128xf32, #tpu.memory_space<vmem>>) dst(%dma_wait3A_382 : memref<10112x128xf32, #tpu.memory_space<vmem_shared>>)
      } else {
      }
      %add3A_339 = arith.constant 1 : i32
      %add3A_340 = arith.addi %add3A_335, %add3A_339 : i32
      %lt3A = arith.constant 25 : i32
      %lt3A_341 = arith.cmpi slt, %add3A_340, %lt3A : i32
      %convert_element_type3A_342 = arith.extui %lt3A_341 : i1 to i32
      %cond3A_343 = arith.constant 0 : i32
      %cond3A_344 = arith.cmpi ne, %convert_element_type3A_342, %cond3A_343 : i32
      scf.if %cond3A_344 {
        %add3A_369 = arith.constant 1 : i32
        %add3A_370 = arith.addi %add3A_335, %add3A_369 : i32
        %add3A_371 = arith.constant 1 : i32
        %add3A_372 = arith.addi %add3A_335, %add3A_371 : i32
        %rem3A_373 = arith.constant 3 : i32
        %rem3A_374 = arith.remsi %add3A_372, %rem3A_373 : i32
        %dma_start3A_375 = arith.constant 0 : i32
        %dma_start3A_376 = arith.constant 0 : i32
        %dma_start3A_377 = tpu.memref_slice %arg9[%rem3A_374, %dma_start3A_375, %dma_start3A_376] : memref<3x80x128xf32, #tpu.memory_space<vmem>> -> memref<1x80x128xf32, #tpu.memory_space<vmem>>
        %dma_start3A_378 = tpu.memref_squeeze %dma_start3A_377 : memref<1x80x128xf32, #tpu.memory_space<vmem>> -> memref<80x128xf32, #tpu.memory_space<vmem>>
        %dma_start3A_379 = arith.constant 0 : i32
        %dma_start3A_380 = tpu.memref_slice %arg7[%add3A_370, %dma_start3A_379] : memref<25x80xi32, #tpu.memory_space<vmem>> -> memref<1x80xi32, #tpu.memory_space<vmem>>
        %dma_start3A_381 = tpu.memref_squeeze %dma_start3A_380 : memref<1x80xi32, #tpu.memory_space<vmem>> -> memref<80xi32, #tpu.memory_space<vmem>>
        %dma_start3A_382 = arith.constant 0 : i32
        %dma_start3A_383 = arith.constant 0 : i32
        %dma_start3A_384 = tpu.memref_slice %arg2[%dma_start3A_382, %dma_start3A_383] : memref<10000x128xf32, #tpu.memory_space<hbm>> -> memref<10000x128xf32, #tpu.memory_space<hbm>>
        %dma_start3A_385 = tpu.memref_slice %arg11[%rem3A_374] : memref<3x!tpu.dma_semaphore, #tpu.memory_space<semaphore_mem>> -> memref<1x!tpu.dma_semaphore, #tpu.memory_space<semaphore_mem>>
        %dma_start3A_386 = tpu.memref_squeeze %dma_start3A_385 : memref<1x!tpu.dma_semaphore, #tpu.memory_space<semaphore_mem>> -> memref<!tpu.dma_semaphore, #tpu.memory_space<semaphore_mem>>
        tpu.enqueue_indirect_dma source(%dma_start3A_384 : memref<10000x128xf32, #tpu.memory_space<hbm>>) target(%dma_start3A_378 : memref<80x128xf32, #tpu.memory_space<vmem>>) offsets(%dma_start3A_381 : memref<80xi32, #tpu.memory_space<vmem>>) semaphore(%dma_start3A_386 : memref<!tpu.dma_semaphore, #tpu.memory_space<semaphore_mem>>)
      } else {
      }
      %dma_wait3A_345 = arith.constant 0 : i32
      %dma_wait3A_346 = arith.constant 0 : i32
      %dma_wait3A_347 = tpu.memref_slice %arg9[%rem3A_336, %dma_wait3A_345, %dma_wait3A_346] : memref<3x80x128xf32, #tpu.memory_space<vmem>> -> memref<1x80x128xf32, #tpu.memory_space<vmem>>
      %dma_wait3A_348 = tpu.memref_squeeze %dma_wait3A_347 : memref<1x80x128xf32, #tpu.memory_space<vmem>> -> memref<80x128xf32, #tpu.memory_space<vmem>>
      %dma_wait3A_349 = arith.constant 0 : i32
      %dma_wait3A_350 = tpu.memref_slice %arg7[%add3A_335, %dma_wait3A_349] : memref<25x80xi32, #tpu.memory_space<vmem>> -> memref<1x80xi32, #tpu.memory_space<vmem>>
      %dma_wait3A_351 = tpu.memref_squeeze %dma_wait3A_350 : memref<1x80xi32, #tpu.memory_space<vmem>> -> memref<80xi32, #tpu.memory_space<vmem>>
      %dma_wait3A_352 = arith.constant 0 : i32
      %dma_wait3A_353 = arith.constant 0 : i32
      %dma_wait3A_354 = tpu.memref_slice %arg2[%dma_wait3A_352, %dma_wait3A_353] : memref<10000x128xf32, #tpu.memory_space<hbm>> -> memref<10000x128xf32, #tpu.memory_space<hbm>>
      %dma_wait3A_355 = tpu.memref_slice %arg11[%rem3A_336] : memref<3x!tpu.dma_semaphore, #tpu.memory_space<semaphore_mem>> -> memref<1x!tpu.dma_semaphore, #tpu.memory_space<semaphore_mem>>
      %dma_wait3A_356 = tpu.memref_squeeze %dma_wait3A_355 : memref<1x!tpu.dma_semaphore, #tpu.memory_space<semaphore_mem>> -> memref<!tpu.dma_semaphore, #tpu.memory_space<semaphore_mem>>
      tpu.wait_indirect_dma semaphore(%dma_wait3A_356 : memref<!tpu.dma_semaphore, #tpu.memory_space<semaphore_mem>>) src(%dma_wait3A_354 : memref<10000x128xf32, #tpu.memory_space<hbm>>) dst(%dma_wait3A_348 : memref<80x128xf32, #tpu.memory_space<vmem>>)
      %dma_start3A_357 = arith.constant 0 : i32
      %dma_start3A_358 = arith.constant 0 : i32
      %dma_start3A_359 = tpu.memref_slice %arg9[%rem3A_336, %dma_start3A_357, %dma_start3A_358] : memref<3x80x128xf32, #tpu.memory_space<vmem>> -> memref<1x80x128xf32, #tpu.memory_space<vmem>>
      %dma_start3A_360 = tpu.memref_squeeze %dma_start3A_359 : memref<1x80x128xf32, #tpu.memory_space<vmem>> -> memref<80x128xf32, #tpu.memory_space<vmem>>
      %dma_start3A_361 = arith.constant 0 : i32
      %dma_start3A_362 = tpu.memref_slice %arg8[%add3A_335, %dma_start3A_361] : memref<25x80xi32, #tpu.memory_space<vmem>> -> memref<1x80xi32, #tpu.memory_space<vmem>>
      %dma_start3A_363 = tpu.memref_squeeze %dma_start3A_362 : memref<1x80xi32, #tpu.memory_space<vmem>> -> memref<80xi32, #tpu.memory_space<vmem>>
      %dma_start3A_364 = arith.constant 0 : i32
      %dma_start3A_365 = arith.constant 0 : i32
      %dma_start3A_366 = tpu.memref_slice %arg10[%dma_start3A_364, %dma_start3A_365] : memref<10112x128xf32, #tpu.memory_space<vmem_shared>> -> memref<10112x128xf32, #tpu.memory_space<vmem_shared>>
      %dma_start3A_367 = tpu.memref_slice %arg12[%rem3A_336] : memref<3x!tpu.dma_semaphore, #tpu.memory_space<semaphore_mem>> -> memref<1x!tpu.dma_semaphore, #tpu.memory_space<semaphore_mem>>
      %dma_start3A_368 = tpu.memref_squeeze %dma_start3A_367 : memref<1x!tpu.dma_semaphore, #tpu.memory_space<semaphore_mem>> -> memref<!tpu.dma_semaphore, #tpu.memory_space<semaphore_mem>>
      tpu.enqueue_indirect_dma source(%dma_start3A_360 : memref<80x128xf32, #tpu.memory_space<vmem>>) target(%dma_start3A_366 : memref<10112x128xf32, #tpu.memory_space<vmem_shared>>) offsets(%dma_start3A_363 : memref<80xi32, #tpu.memory_space<vmem>>) semaphore(%dma_start3A_368 : memref<!tpu.dma_semaphore, #tpu.memory_space<semaphore_mem>>) {add = true}
    }
    %dma_wait3A_235 = arith.constant 2 : i32
    %dma_wait3A_236 = arith.constant 23 : i32
    %dma_wait3A_237 = arith.constant 2 : i32
    %dma_wait3A_238 = arith.constant 0 : i32
    %dma_wait3A_239 = arith.constant 0 : i32
    %dma_wait3A_240 = tpu.memref_slice %arg9[%dma_wait3A_235, %dma_wait3A_238, %dma_wait3A_239] : memref<3x80x128xf32, #tpu.memory_space<vmem>> -> memref<1x80x128xf32, #tpu.memory_space<vmem>>
    %dma_wait3A_241 = tpu.memref_squeeze %dma_wait3A_240 : memref<1x80x128xf32, #tpu.memory_space<vmem>> -> memref<80x128xf32, #tpu.memory_space<vmem>>
    %dma_wait3A_242 = arith.constant 0 : i32
    %dma_wait3A_243 = tpu.memref_slice %arg8[%dma_wait3A_236, %dma_wait3A_242] : memref<25x80xi32, #tpu.memory_space<vmem>> -> memref<1x80xi32, #tpu.memory_space<vmem>>
    %dma_wait3A_244 = tpu.memref_squeeze %dma_wait3A_243 : memref<1x80xi32, #tpu.memory_space<vmem>> -> memref<80xi32, #tpu.memory_space<vmem>>
    %dma_wait3A_245 = arith.constant 0 : i32
    %dma_wait3A_246 = arith.constant 0 : i32
    %dma_wait3A_247 = tpu.memref_slice %arg10[%dma_wait3A_245, %dma_wait3A_246] : memref<10112x128xf32, #tpu.memory_space<vmem_shared>> -> memref<10112x128xf32, #tpu.memory_space<vmem_shared>>
    %dma_wait3A_248 = tpu.memref_slice %arg12[%dma_wait3A_237] : memref<3x!tpu.dma_semaphore, #tpu.memory_space<semaphore_mem>> -> memref<1x!tpu.dma_semaphore, #tpu.memory_space<semaphore_mem>>
    %dma_wait3A_249 = tpu.memref_squeeze %dma_wait3A_248 : memref<1x!tpu.dma_semaphore, #tpu.memory_space<semaphore_mem>> -> memref<!tpu.dma_semaphore, #tpu.memory_space<semaphore_mem>>
    tpu.wait_indirect_dma semaphore(%dma_wait3A_249 : memref<!tpu.dma_semaphore, #tpu.memory_space<semaphore_mem>>) src(%dma_wait3A_241 : memref<80x128xf32, #tpu.memory_space<vmem>>) dst(%dma_wait3A_247 : memref<10112x128xf32, #tpu.memory_space<vmem_shared>>)
    %dma_wait3A_250 = arith.constant 0 : i32
    %dma_wait3A_251 = arith.constant 24 : i32
    %dma_wait3A_252 = arith.constant 0 : i32
    %dma_wait3A_253 = arith.constant 0 : i32
    %dma_wait3A_254 = arith.constant 0 : i32
    %dma_wait3A_255 = tpu.memref_slice %arg9[%dma_wait3A_250, %dma_wait3A_253, %dma_wait3A_254] : memref<3x80x128xf32, #tpu.memory_space<vmem>> -> memref<1x80x128xf32, #tpu.memory_space<vmem>>
    %dma_wait3A_256 = tpu.memref_squeeze %dma_wait3A_255 : memref<1x80x128xf32, #tpu.memory_space<vmem>> -> memref<80x128xf32, #tpu.memory_space<vmem>>
    %dma_wait3A_257 = arith.constant 0 : i32
    %dma_wait3A_258 = tpu.memref_slice %arg8[%dma_wait3A_251, %dma_wait3A_257] : memref<25x80xi32, #tpu.memory_space<vmem>> -> memref<1x80xi32, #tpu.memory_space<vmem>>
    %dma_wait3A_259 = tpu.memref_squeeze %dma_wait3A_258 : memref<1x80xi32, #tpu.memory_space<vmem>> -> memref<80xi32, #tpu.memory_space<vmem>>
    %dma_wait3A_260 = arith.constant 0 : i32
    %dma_wait3A_261 = arith.constant 0 : i32
    %dma_wait3A_262 = tpu.memref_slice %arg10[%dma_wait3A_260, %dma_wait3A_261] : memref<10112x128xf32, #tpu.memory_space<vmem_shared>> -> memref<10112x128xf32, #tpu.memory_space<vmem_shared>>
    %dma_wait3A_263 = tpu.memref_slice %arg12[%dma_wait3A_252] : memref<3x!tpu.dma_semaphore, #tpu.memory_space<semaphore_mem>> -> memref<1x!tpu.dma_semaphore, #tpu.memory_space<semaphore_mem>>
    %dma_wait3A_264 = tpu.memref_squeeze %dma_wait3A_263 : memref<1x!tpu.dma_semaphore, #tpu.memory_space<semaphore_mem>> -> memref<!tpu.dma_semaphore, #tpu.memory_space<semaphore_mem>>
    tpu.wait_indirect_dma semaphore(%dma_wait3A_264 : memref<!tpu.dma_semaphore, #tpu.memory_space<semaphore_mem>>) src(%dma_wait3A_256 : memref<80x128xf32, #tpu.memory_space<vmem>>) dst(%dma_wait3A_262 : memref<10112x128xf32, #tpu.memory_space<vmem_shared>>)
    %run_scoped3A_265 = arith.constant 4 : i32
    "tpu.region"() ({
      %run_scoped3A_333 = tpu.sem_alloc : memref<!tpu.dma_semaphore, #tpu.memory_space<semaphore_mem>>
      %dma_start3A_334 = arith.constant 0 : i32
      %dma_start3A_335 = arith.constant 0 : i32
      %dma_start3A_336 = tpu.memref_slice %arg3[%add3A, %run_scoped3A_265, %dma_start3A_334, %dma_start3A_335] : memref<32x5x25x80xi32, #tpu.memory_space<hbm>> -> memref<1x1x25x80xi32, #tpu.memory_space<hbm>>
      %dma_start3A_337 = tpu.memref_squeeze %dma_start3A_336 : memref<1x1x25x80xi32, #tpu.memory_space<hbm>> -> memref<25x80xi32, #tpu.memory_space<hbm>>
      %dma_start3A_338 = arith.constant 0 : i32
      %dma_start3A_339 = arith.constant 0 : i32
      %dma_start3A_340 = tpu.memref_slice %arg3[%add3A, %run_scoped3A_265, %dma_start3A_338, %dma_start3A_339] : memref<32x5x25x80xi32, #tpu.memory_space<hbm>> -> memref<1x1x25x80xi32, #tpu.memory_space<hbm>>
      %dma_start3A_341 = tpu.memref_squeeze %dma_start3A_340 : memref<1x1x25x80xi32, #tpu.memory_space<hbm>> -> memref<25x80xi32, #tpu.memory_space<hbm>>
      tpu.enqueue_dma source(%dma_start3A_341 : memref<25x80xi32, #tpu.memory_space<hbm>>) target(%arg7 : memref<25x80xi32, #tpu.memory_space<vmem>>) target_semaphore(%run_scoped3A_333 : memref<!tpu.dma_semaphore, #tpu.memory_space<semaphore_mem>>)
      %dma_wait3A_342 = arith.constant 0 : i32
      %dma_wait3A_343 = arith.constant 0 : i32
      %dma_wait3A_344 = tpu.memref_slice %arg3[%add3A, %run_scoped3A_265, %dma_wait3A_342, %dma_wait3A_343] : memref<32x5x25x80xi32, #tpu.memory_space<hbm>> -> memref<1x1x25x80xi32, #tpu.memory_space<hbm>>
      %dma_wait3A_345 = tpu.memref_squeeze %dma_wait3A_344 : memref<1x1x25x80xi32, #tpu.memory_space<hbm>> -> memref<25x80xi32, #tpu.memory_space<hbm>>
      %dma_wait3A_346 = arith.constant 0 : i32
      %dma_wait3A_347 = arith.constant 0 : i32
      %dma_wait3A_348 = tpu.memref_slice %arg3[%add3A, %run_scoped3A_265, %dma_wait3A_346, %dma_wait3A_347] : memref<32x5x25x80xi32, #tpu.memory_space<hbm>> -> memref<1x1x25x80xi32, #tpu.memory_space<hbm>>
      %dma_wait3A_349 = tpu.memref_squeeze %dma_wait3A_348 : memref<1x1x25x80xi32, #tpu.memory_space<hbm>> -> memref<25x80xi32, #tpu.memory_space<hbm>>
      tpu.wait_dma2 semaphore(%run_scoped3A_333 : memref<!tpu.dma_semaphore, #tpu.memory_space<semaphore_mem>>) src(%dma_wait3A_349 : memref<25x80xi32, #tpu.memory_space<hbm>>) dst(%arg7 : memref<25x80xi32, #tpu.memory_space<vmem>>)
      tpu.yield
    }) : () -> ()
    %run_scoped3A_266 = arith.constant 4 : i32
    "tpu.region"() ({
      %run_scoped3A_333 = tpu.sem_alloc : memref<!tpu.dma_semaphore, #tpu.memory_space<semaphore_mem>>
      %dma_start3A_334 = arith.constant 0 : i32
      %dma_start3A_335 = arith.constant 0 : i32
      %dma_start3A_336 = tpu.memref_slice %arg4[%add3A, %run_scoped3A_266, %dma_start3A_334, %dma_start3A_335] : memref<32x5x25x80xi32, #tpu.memory_space<hbm>> -> memref<1x1x25x80xi32, #tpu.memory_space<hbm>>
      %dma_start3A_337 = tpu.memref_squeeze %dma_start3A_336 : memref<1x1x25x80xi32, #tpu.memory_space<hbm>> -> memref<25x80xi32, #tpu.memory_space<hbm>>
      %dma_start3A_338 = arith.constant 0 : i32
      %dma_start3A_339 = arith.constant 0 : i32
      %dma_start3A_340 = tpu.memref_slice %arg4[%add3A, %run_scoped3A_266, %dma_start3A_338, %dma_start3A_339] : memref<32x5x25x80xi32, #tpu.memory_space<hbm>> -> memref<1x1x25x80xi32, #tpu.memory_space<hbm>>
      %dma_start3A_341 = tpu.memref_squeeze %dma_start3A_340 : memref<1x1x25x80xi32, #tpu.memory_space<hbm>> -> memref<25x80xi32, #tpu.memory_space<hbm>>
      tpu.enqueue_dma source(%dma_start3A_341 : memref<25x80xi32, #tpu.memory_space<hbm>>) target(%arg8 : memref<25x80xi32, #tpu.memory_space<vmem>>) target_semaphore(%run_scoped3A_333 : memref<!tpu.dma_semaphore, #tpu.memory_space<semaphore_mem>>)
      %dma_wait3A_342 = arith.constant 0 : i32
      %dma_wait3A_343 = arith.constant 0 : i32
      %dma_wait3A_344 = tpu.memref_slice %arg4[%add3A, %run_scoped3A_266, %dma_wait3A_342, %dma_wait3A_343] : memref<32x5x25x80xi32, #tpu.memory_space<hbm>> -> memref<1x1x25x80xi32, #tpu.memory_space<hbm>>
      %dma_wait3A_345 = tpu.memref_squeeze %dma_wait3A_344 : memref<1x1x25x80xi32, #tpu.memory_space<hbm>> -> memref<25x80xi32, #tpu.memory_space<hbm>>
      %dma_wait3A_346 = arith.constant 0 : i32
      %dma_wait3A_347 = arith.constant 0 : i32
      %dma_wait3A_348 = tpu.memref_slice %arg4[%add3A, %run_scoped3A_266, %dma_wait3A_346, %dma_wait3A_347] : memref<32x5x25x80xi32, #tpu.memory_space<hbm>> -> memref<1x1x25x80xi32, #tpu.memory_space<hbm>>
      %dma_wait3A_349 = tpu.memref_squeeze %dma_wait3A_348 : memref<1x1x25x80xi32, #tpu.memory_space<hbm>> -> memref<25x80xi32, #tpu.memory_space<hbm>>
      tpu.wait_dma2 semaphore(%run_scoped3A_333 : memref<!tpu.dma_semaphore, #tpu.memory_space<semaphore_mem>>) src(%dma_wait3A_349 : memref<25x80xi32, #tpu.memory_space<hbm>>) dst(%arg8 : memref<25x80xi32, #tpu.memory_space<vmem>>)
      tpu.yield
    }) : () -> ()
    %dma_start3A_267 = arith.constant 0 : i32
    %dma_start3A_268 = arith.constant 0 : i32
    %dma_start3A_269 = arith.constant 0 : i32
    %dma_start3A_270 = arith.constant 0 : i32
    %dma_start3A_271 = arith.constant 0 : i32
    %dma_start3A_272 = tpu.memref_slice %arg9[%dma_start3A_268, %dma_start3A_270, %dma_start3A_271] : memref<3x80x128xf32, #tpu.memory_space<vmem>> -> memref<1x80x128xf32, #tpu.memory_space<vmem>>
    %dma_start3A_273 = tpu.memref_squeeze %dma_start3A_272 : memref<1x80x128xf32, #tpu.memory_space<vmem>> -> memref<80x128xf32, #tpu.memory_space<vmem>>
    %dma_start3A_274 = arith.constant 0 : i32
    %dma_start3A_275 = tpu.memref_slice %arg7[%dma_start3A_267, %dma_start3A_274] : memref<25x80xi32, #tpu.memory_space<vmem>> -> memref<1x80xi32, #tpu.memory_space<vmem>>
    %dma_start3A_276 = tpu.memref_squeeze %dma_start3A_275 : memref<1x80xi32, #tpu.memory_space<vmem>> -> memref<80xi32, #tpu.memory_space<vmem>>
    %dma_start3A_277 = arith.constant 0 : i32
    %dma_start3A_278 = arith.constant 0 : i32
    %dma_start3A_279 = tpu.memref_slice %arg2[%dma_start3A_277, %dma_start3A_278] : memref<10000x128xf32, #tpu.memory_space<hbm>> -> memref<10000x128xf32, #tpu.memory_space<hbm>>
    %dma_start3A_280 = tpu.memref_slice %arg11[%dma_start3A_269] : memref<3x!tpu.dma_semaphore, #tpu.memory_space<semaphore_mem>> -> memref<1x!tpu.dma_semaphore, #tpu.memory_space<semaphore_mem>>
    %dma_start3A_281 = tpu.memref_squeeze %dma_start3A_280 : memref<1x!tpu.dma_semaphore, #tpu.memory_space<semaphore_mem>> -> memref<!tpu.dma_semaphore, #tpu.memory_space<semaphore_mem>>
    tpu.enqueue_indirect_dma source(%dma_start3A_279 : memref<10000x128xf32, #tpu.memory_space<hbm>>) target(%dma_start3A_273 : memref<80x128xf32, #tpu.memory_space<vmem>>) offsets(%dma_start3A_276 : memref<80xi32, #tpu.memory_space<vmem>>) semaphore(%dma_start3A_281 : memref<!tpu.dma_semaphore, #tpu.memory_space<semaphore_mem>>)
    %sub3A_282 = arith.constant 25 : i32
    %sub3A_283 = arith.constant 0 : i32
    %sub3A_284 = arith.subi %sub3A_282, %sub3A_283 : i32
    %sub3A_285 = arith.constant 1 : i32
    %sub3A_286 = arith.constant 1 : i32
    %sub3A_287 = arith.subi %sub3A_285, %sub3A_286 : i32
    %add3A_288 = arith.addi %sub3A_284, %sub3A_287 : i32
    %div3A_289 = arith.constant 1 : i32
    %div3A_290 = arith.divsi %add3A_288, %div3A_289 : i32
    %while3A_291 = arith.constant 1 : i32
    %while3A_292 = arith.constant 0 : i32
    %while3A_293 = arith.constant 0 : i32
    %while3A_294 = arith.subi %div3A_290, %while3A_293 : i32
    %while3A_295 = arith.addi %while3A_293, %while3A_294 : i32
    %while3A_296 = arith.constant 1 : i32
    %while3A_297 = arith.divsi %while3A_294, %while3A_296 : i32
    %while3A_298 = arith.muli %while3A_297, %while3A_296 : i32
    %while3A_299 = arith.addi %while3A_293, %while3A_298 : i32
    %while3A_300 = arith.constant 1 : i32
    scf.for %while3A_333 = %while3A_293 to %while3A_299 step %while3A_300  : i32 {
      %mul3A_334 = arith.muli %while3A_333, %while3A_291 : i32
      %add3A_335 = arith.addi %while3A_292, %mul3A_334 : i32
      %rem3A = arith.constant 3 : i32
      %rem3A_336 = arith.remsi %add3A_335, %rem3A : i32
      %ge3A = arith.constant 2 : i32
      %ge3A_337 = arith.cmpi sge, %add3A_335, %ge3A : i32
      %convert_element_type3A = arith.extui %ge3A_337 : i1 to i32
      %cond3A = arith.constant 0 : i32
      %cond3A_338 = arith.cmpi ne, %convert_element_type3A, %cond3A : i32
      scf.if %cond3A_338 {
        %sub3A_369 = arith.constant 2 : i32
        %sub3A_370 = arith.subi %add3A_335, %sub3A_369 : i32
        %rem3A_371 = arith.constant 3 : i32
        %rem3A_372 = arith.remsi %sub3A_370, %rem3A_371 : i32
        %dma_wait3A_373 = arith.constant 0 : i32
        %dma_wait3A_374 = arith.constant 0 : i32
        %dma_wait3A_375 = tpu.memref_slice %arg9[%rem3A_372, %dma_wait3A_373, %dma_wait3A_374] : memref<3x80x128xf32, #tpu.memory_space<vmem>> -> memref<1x80x128xf32, #tpu.memory_space<vmem>>
        %dma_wait3A_376 = tpu.memref_squeeze %dma_wait3A_375 : memref<1x80x128xf32, #tpu.memory_space<vmem>> -> memref<80x128xf32, #tpu.memory_space<vmem>>
        %dma_wait3A_377 = arith.constant 0 : i32
        %dma_wait3A_378 = tpu.memref_slice %arg8[%sub3A_370, %dma_wait3A_377] : memref<25x80xi32, #tpu.memory_space<vmem>> -> memref<1x80xi32, #tpu.memory_space<vmem>>
        %dma_wait3A_379 = tpu.memref_squeeze %dma_wait3A_378 : memref<1x80xi32, #tpu.memory_space<vmem>> -> memref<80xi32, #tpu.memory_space<vmem>>
        %dma_wait3A_380 = arith.constant 0 : i32
        %dma_wait3A_381 = arith.constant 0 : i32
        %dma_wait3A_382 = tpu.memref_slice %arg10[%dma_wait3A_380, %dma_wait3A_381] : memref<10112x128xf32, #tpu.memory_space<vmem_shared>> -> memref<10112x128xf32, #tpu.memory_space<vmem_shared>>
        %dma_wait3A_383 = tpu.memref_slice %arg12[%rem3A_372] : memref<3x!tpu.dma_semaphore, #tpu.memory_space<semaphore_mem>> -> memref<1x!tpu.dma_semaphore, #tpu.memory_space<semaphore_mem>>
        %dma_wait3A_384 = tpu.memref_squeeze %dma_wait3A_383 : memref<1x!tpu.dma_semaphore, #tpu.memory_space<semaphore_mem>> -> memref<!tpu.dma_semaphore, #tpu.memory_space<semaphore_mem>>
        tpu.wait_indirect_dma semaphore(%dma_wait3A_384 : memref<!tpu.dma_semaphore, #tpu.memory_space<semaphore_mem>>) src(%dma_wait3A_376 : memref<80x128xf32, #tpu.memory_space<vmem>>) dst(%dma_wait3A_382 : memref<10112x128xf32, #tpu.memory_space<vmem_shared>>)
      } else {
      }
      %add3A_339 = arith.constant 1 : i32
      %add3A_340 = arith.addi %add3A_335, %add3A_339 : i32
      %lt3A = arith.constant 25 : i32
      %lt3A_341 = arith.cmpi slt, %add3A_340, %lt3A : i32
      %convert_element_type3A_342 = arith.extui %lt3A_341 : i1 to i32
      %cond3A_343 = arith.constant 0 : i32
      %cond3A_344 = arith.cmpi ne, %convert_element_type3A_342, %cond3A_343 : i32
      scf.if %cond3A_344 {
        %add3A_369 = arith.constant 1 : i32
        %add3A_370 = arith.addi %add3A_335, %add3A_369 : i32
        %add3A_371 = arith.constant 1 : i32
        %add3A_372 = arith.addi %add3A_335, %add3A_371 : i32
        %rem3A_373 = arith.constant 3 : i32
        %rem3A_374 = arith.remsi %add3A_372, %rem3A_373 : i32
        %dma_start3A_375 = arith.constant 0 : i32
        %dma_start3A_376 = arith.constant 0 : i32
        %dma_start3A_377 = tpu.memref_slice %arg9[%rem3A_374, %dma_start3A_375, %dma_start3A_376] : memref<3x80x128xf32, #tpu.memory_space<vmem>> -> memref<1x80x128xf32, #tpu.memory_space<vmem>>
        %dma_start3A_378 = tpu.memref_squeeze %dma_start3A_377 : memref<1x80x128xf32, #tpu.memory_space<vmem>> -> memref<80x128xf32, #tpu.memory_space<vmem>>
        %dma_start3A_379 = arith.constant 0 : i32
        %dma_start3A_380 = tpu.memref_slice %arg7[%add3A_370, %dma_start3A_379] : memref<25x80xi32, #tpu.memory_space<vmem>> -> memref<1x80xi32, #tpu.memory_space<vmem>>
        %dma_start3A_381 = tpu.memref_squeeze %dma_start3A_380 : memref<1x80xi32, #tpu.memory_space<vmem>> -> memref<80xi32, #tpu.memory_space<vmem>>
        %dma_start3A_382 = arith.constant 0 : i32
        %dma_start3A_383 = arith.constant 0 : i32
        %dma_start3A_384 = tpu.memref_slice %arg2[%dma_start3A_382, %dma_start3A_383] : memref<10000x128xf32, #tpu.memory_space<hbm>> -> memref<10000x128xf32, #tpu.memory_space<hbm>>
        %dma_start3A_385 = tpu.memref_slice %arg11[%rem3A_374] : memref<3x!tpu.dma_semaphore, #tpu.memory_space<semaphore_mem>> -> memref<1x!tpu.dma_semaphore, #tpu.memory_space<semaphore_mem>>
        %dma_start3A_386 = tpu.memref_squeeze %dma_start3A_385 : memref<1x!tpu.dma_semaphore, #tpu.memory_space<semaphore_mem>> -> memref<!tpu.dma_semaphore, #tpu.memory_space<semaphore_mem>>
        tpu.enqueue_indirect_dma source(%dma_start3A_384 : memref<10000x128xf32, #tpu.memory_space<hbm>>) target(%dma_start3A_378 : memref<80x128xf32, #tpu.memory_space<vmem>>) offsets(%dma_start3A_381 : memref<80xi32, #tpu.memory_space<vmem>>) semaphore(%dma_start3A_386 : memref<!tpu.dma_semaphore, #tpu.memory_space<semaphore_mem>>)
      } else {
      }
      %dma_wait3A_345 = arith.constant 0 : i32
      %dma_wait3A_346 = arith.constant 0 : i32
      %dma_wait3A_347 = tpu.memref_slice %arg9[%rem3A_336, %dma_wait3A_345, %dma_wait3A_346] : memref<3x80x128xf32, #tpu.memory_space<vmem>> -> memref<1x80x128xf32, #tpu.memory_space<vmem>>
      %dma_wait3A_348 = tpu.memref_squeeze %dma_wait3A_347 : memref<1x80x128xf32, #tpu.memory_space<vmem>> -> memref<80x128xf32, #tpu.memory_space<vmem>>
      %dma_wait3A_349 = arith.constant 0 : i32
      %dma_wait3A_350 = tpu.memref_slice %arg7[%add3A_335, %dma_wait3A_349] : memref<25x80xi32, #tpu.memory_space<vmem>> -> memref<1x80xi32, #tpu.memory_space<vmem>>
      %dma_wait3A_351 = tpu.memref_squeeze %dma_wait3A_350 : memref<1x80xi32, #tpu.memory_space<vmem>> -> memref<80xi32, #tpu.memory_space<vmem>>
      %dma_wait3A_352 = arith.constant 0 : i32
      %dma_wait3A_353 = arith.constant 0 : i32
      %dma_wait3A_354 = tpu.memref_slice %arg2[%dma_wait3A_352, %dma_wait3A_353] : memref<10000x128xf32, #tpu.memory_space<hbm>> -> memref<10000x128xf32, #tpu.memory_space<hbm>>
      %dma_wait3A_355 = tpu.memref_slice %arg11[%rem3A_336] : memref<3x!tpu.dma_semaphore, #tpu.memory_space<semaphore_mem>> -> memref<1x!tpu.dma_semaphore, #tpu.memory_space<semaphore_mem>>
      %dma_wait3A_356 = tpu.memref_squeeze %dma_wait3A_355 : memref<1x!tpu.dma_semaphore, #tpu.memory_space<semaphore_mem>> -> memref<!tpu.dma_semaphore, #tpu.memory_space<semaphore_mem>>
      tpu.wait_indirect_dma semaphore(%dma_wait3A_356 : memref<!tpu.dma_semaphore, #tpu.memory_space<semaphore_mem>>) src(%dma_wait3A_354 : memref<10000x128xf32, #tpu.memory_space<hbm>>) dst(%dma_wait3A_348 : memref<80x128xf32, #tpu.memory_space<vmem>>)
      %dma_start3A_357 = arith.constant 0 : i32
      %dma_start3A_358 = arith.constant 0 : i32
      %dma_start3A_359 = tpu.memref_slice %arg9[%rem3A_336, %dma_start3A_357, %dma_start3A_358] : memref<3x80x128xf32, #tpu.memory_space<vmem>> -> memref<1x80x128xf32, #tpu.memory_space<vmem>>
      %dma_start3A_360 = tpu.memref_squeeze %dma_start3A_359 : memref<1x80x128xf32, #tpu.memory_space<vmem>> -> memref<80x128xf32, #tpu.memory_space<vmem>>
      %dma_start3A_361 = arith.constant 0 : i32
      %dma_start3A_362 = tpu.memref_slice %arg8[%add3A_335, %dma_start3A_361] : memref<25x80xi32, #tpu.memory_space<vmem>> -> memref<1x80xi32, #tpu.memory_space<vmem>>
      %dma_start3A_363 = tpu.memref_squeeze %dma_start3A_362 : memref<1x80xi32, #tpu.memory_space<vmem>> -> memref<80xi32, #tpu.memory_space<vmem>>
      %dma_start3A_364 = arith.constant 0 : i32
      %dma_start3A_365 = arith.constant 0 : i32
      %dma_start3A_366 = tpu.memref_slice %arg10[%dma_start3A_364, %dma_start3A_365] : memref<10112x128xf32, #tpu.memory_space<vmem_shared>> -> memref<10112x128xf32, #tpu.memory_space<vmem_shared>>
      %dma_start3A_367 = tpu.memref_slice %arg12[%rem3A_336] : memref<3x!tpu.dma_semaphore, #tpu.memory_space<semaphore_mem>> -> memref<1x!tpu.dma_semaphore, #tpu.memory_space<semaphore_mem>>
      %dma_start3A_368 = tpu.memref_squeeze %dma_start3A_367 : memref<1x!tpu.dma_semaphore, #tpu.memory_space<semaphore_mem>> -> memref<!tpu.dma_semaphore, #tpu.memory_space<semaphore_mem>>
      tpu.enqueue_indirect_dma source(%dma_start3A_360 : memref<80x128xf32, #tpu.memory_space<vmem>>) target(%dma_start3A_366 : memref<10112x128xf32, #tpu.memory_space<vmem_shared>>) offsets(%dma_start3A_363 : memref<80xi32, #tpu.memory_space<vmem>>) semaphore(%dma_start3A_368 : memref<!tpu.dma_semaphore, #tpu.memory_space<semaphore_mem>>) {add = true}
    }
    %while3A_301 = arith.constant 1 : i32
    scf.for %while3A_333 = %while3A_299 to %while3A_295 step %while3A_301  : i32 {
      %mul3A_334 = arith.muli %while3A_333, %while3A_291 : i32
      %add3A_335 = arith.addi %while3A_292, %mul3A_334 : i32
      %rem3A = arith.constant 3 : i32
      %rem3A_336 = arith.remsi %add3A_335, %rem3A : i32
      %ge3A = arith.constant 2 : i32
      %ge3A_337 = arith.cmpi sge, %add3A_335, %ge3A : i32
      %convert_element_type3A = arith.extui %ge3A_337 : i1 to i32
      %cond3A = arith.constant 0 : i32
      %cond3A_338 = arith.cmpi ne, %convert_element_type3A, %cond3A : i32
      scf.if %cond3A_338 {
        %sub3A_369 = arith.constant 2 : i32
        %sub3A_370 = arith.subi %add3A_335, %sub3A_369 : i32
        %rem3A_371 = arith.constant 3 : i32
        %rem3A_372 = arith.remsi %sub3A_370, %rem3A_371 : i32
        %dma_wait3A_373 = arith.constant 0 : i32
        %dma_wait3A_374 = arith.constant 0 : i32
        %dma_wait3A_375 = tpu.memref_slice %arg9[%rem3A_372, %dma_wait3A_373, %dma_wait3A_374] : memref<3x80x128xf32, #tpu.memory_space<vmem>> -> memref<1x80x128xf32, #tpu.memory_space<vmem>>
        %dma_wait3A_376 = tpu.memref_squeeze %dma_wait3A_375 : memref<1x80x128xf32, #tpu.memory_space<vmem>> -> memref<80x128xf32, #tpu.memory_space<vmem>>
        %dma_wait3A_377 = arith.constant 0 : i32
        %dma_wait3A_378 = tpu.memref_slice %arg8[%sub3A_370, %dma_wait3A_377] : memref<25x80xi32, #tpu.memory_space<vmem>> -> memref<1x80xi32, #tpu.memory_space<vmem>>
        %dma_wait3A_379 = tpu.memref_squeeze %dma_wait3A_378 : memref<1x80xi32, #tpu.memory_space<vmem>> -> memref<80xi32, #tpu.memory_space<vmem>>
        %dma_wait3A_380 = arith.constant 0 : i32
        %dma_wait3A_381 = arith.constant 0 : i32
        %dma_wait3A_382 = tpu.memref_slice %arg10[%dma_wait3A_380, %dma_wait3A_381] : memref<10112x128xf32, #tpu.memory_space<vmem_shared>> -> memref<10112x128xf32, #tpu.memory_space<vmem_shared>>
        %dma_wait3A_383 = tpu.memref_slice %arg12[%rem3A_372] : memref<3x!tpu.dma_semaphore, #tpu.memory_space<semaphore_mem>> -> memref<1x!tpu.dma_semaphore, #tpu.memory_space<semaphore_mem>>
        %dma_wait3A_384 = tpu.memref_squeeze %dma_wait3A_383 : memref<1x!tpu.dma_semaphore, #tpu.memory_space<semaphore_mem>> -> memref<!tpu.dma_semaphore, #tpu.memory_space<semaphore_mem>>
        tpu.wait_indirect_dma semaphore(%dma_wait3A_384 : memref<!tpu.dma_semaphore, #tpu.memory_space<semaphore_mem>>) src(%dma_wait3A_376 : memref<80x128xf32, #tpu.memory_space<vmem>>) dst(%dma_wait3A_382 : memref<10112x128xf32, #tpu.memory_space<vmem_shared>>)
      } else {
      }
      %add3A_339 = arith.constant 1 : i32
      %add3A_340 = arith.addi %add3A_335, %add3A_339 : i32
      %lt3A = arith.constant 25 : i32
      %lt3A_341 = arith.cmpi slt, %add3A_340, %lt3A : i32
      %convert_element_type3A_342 = arith.extui %lt3A_341 : i1 to i32
      %cond3A_343 = arith.constant 0 : i32
      %cond3A_344 = arith.cmpi ne, %convert_element_type3A_342, %cond3A_343 : i32
      scf.if %cond3A_344 {
        %add3A_369 = arith.constant 1 : i32
        %add3A_370 = arith.addi %add3A_335, %add3A_369 : i32
        %add3A_371 = arith.constant 1 : i32
        %add3A_372 = arith.addi %add3A_335, %add3A_371 : i32
        %rem3A_373 = arith.constant 3 : i32
        %rem3A_374 = arith.remsi %add3A_372, %rem3A_373 : i32
        %dma_start3A_375 = arith.constant 0 : i32
        %dma_start3A_376 = arith.constant 0 : i32
        %dma_start3A_377 = tpu.memref_slice %arg9[%rem3A_374, %dma_start3A_375, %dma_start3A_376] : memref<3x80x128xf32, #tpu.memory_space<vmem>> -> memref<1x80x128xf32, #tpu.memory_space<vmem>>
        %dma_start3A_378 = tpu.memref_squeeze %dma_start3A_377 : memref<1x80x128xf32, #tpu.memory_space<vmem>> -> memref<80x128xf32, #tpu.memory_space<vmem>>
        %dma_start3A_379 = arith.constant 0 : i32
        %dma_start3A_380 = tpu.memref_slice %arg7[%add3A_370, %dma_start3A_379] : memref<25x80xi32, #tpu.memory_space<vmem>> -> memref<1x80xi32, #tpu.memory_space<vmem>>
        %dma_start3A_381 = tpu.memref_squeeze %dma_start3A_380 : memref<1x80xi32, #tpu.memory_space<vmem>> -> memref<80xi32, #tpu.memory_space<vmem>>
        %dma_start3A_382 = arith.constant 0 : i32
        %dma_start3A_383 = arith.constant 0 : i32
        %dma_start3A_384 = tpu.memref_slice %arg2[%dma_start3A_382, %dma_start3A_383] : memref<10000x128xf32, #tpu.memory_space<hbm>> -> memref<10000x128xf32, #tpu.memory_space<hbm>>
        %dma_start3A_385 = tpu.memref_slice %arg11[%rem3A_374] : memref<3x!tpu.dma_semaphore, #tpu.memory_space<semaphore_mem>> -> memref<1x!tpu.dma_semaphore, #tpu.memory_space<semaphore_mem>>
        %dma_start3A_386 = tpu.memref_squeeze %dma_start3A_385 : memref<1x!tpu.dma_semaphore, #tpu.memory_space<semaphore_mem>> -> memref<!tpu.dma_semaphore, #tpu.memory_space<semaphore_mem>>
        tpu.enqueue_indirect_dma source(%dma_start3A_384 : memref<10000x128xf32, #tpu.memory_space<hbm>>) target(%dma_start3A_378 : memref<80x128xf32, #tpu.memory_space<vmem>>) offsets(%dma_start3A_381 : memref<80xi32, #tpu.memory_space<vmem>>) semaphore(%dma_start3A_386 : memref<!tpu.dma_semaphore, #tpu.memory_space<semaphore_mem>>)
      } else {
      }
      %dma_wait3A_345 = arith.constant 0 : i32
      %dma_wait3A_346 = arith.constant 0 : i32
      %dma_wait3A_347 = tpu.memref_slice %arg9[%rem3A_336, %dma_wait3A_345, %dma_wait3A_346] : memref<3x80x128xf32, #tpu.memory_space<vmem>> -> memref<1x80x128xf32, #tpu.memory_space<vmem>>
      %dma_wait3A_348 = tpu.memref_squeeze %dma_wait3A_347 : memref<1x80x128xf32, #tpu.memory_space<vmem>> -> memref<80x128xf32, #tpu.memory_space<vmem>>
      %dma_wait3A_349 = arith.constant 0 : i32
      %dma_wait3A_350 = tpu.memref_slice %arg7[%add3A_335, %dma_wait3A_349] : memref<25x80xi32, #tpu.memory_space<vmem>> -> memref<1x80xi32, #tpu.memory_space<vmem>>
      %dma_wait3A_351 = tpu.memref_squeeze %dma_wait3A_350 : memref<1x80xi32, #tpu.memory_space<vmem>> -> memref<80xi32, #tpu.memory_space<vmem>>
      %dma_wait3A_352 = arith.constant 0 : i32
      %dma_wait3A_353 = arith.constant 0 : i32
      %dma_wait3A_354 = tpu.memref_slice %arg2[%dma_wait3A_352, %dma_wait3A_353] : memref<10000x128xf32, #tpu.memory_space<hbm>> -> memref<10000x128xf32, #tpu.memory_space<hbm>>
      %dma_wait3A_355 = tpu.memref_slice %arg11[%rem3A_336] : memref<3x!tpu.dma_semaphore, #tpu.memory_space<semaphore_mem>> -> memref<1x!tpu.dma_semaphore, #tpu.memory_space<semaphore_mem>>
      %dma_wait3A_356 = tpu.memref_squeeze %dma_wait3A_355 : memref<1x!tpu.dma_semaphore, #tpu.memory_space<semaphore_mem>> -> memref<!tpu.dma_semaphore, #tpu.memory_space<semaphore_mem>>
      tpu.wait_indirect_dma semaphore(%dma_wait3A_356 : memref<!tpu.dma_semaphore, #tpu.memory_space<semaphore_mem>>) src(%dma_wait3A_354 : memref<10000x128xf32, #tpu.memory_space<hbm>>) dst(%dma_wait3A_348 : memref<80x128xf32, #tpu.memory_space<vmem>>)
      %dma_start3A_357 = arith.constant 0 : i32
      %dma_start3A_358 = arith.constant 0 : i32
      %dma_start3A_359 = tpu.memref_slice %arg9[%rem3A_336, %dma_start3A_357, %dma_start3A_358] : memref<3x80x128xf32, #tpu.memory_space<vmem>> -> memref<1x80x128xf32, #tpu.memory_space<vmem>>
      %dma_start3A_360 = tpu.memref_squeeze %dma_start3A_359 : memref<1x80x128xf32, #tpu.memory_space<vmem>> -> memref<80x128xf32, #tpu.memory_space<vmem>>
      %dma_start3A_361 = arith.constant 0 : i32
      %dma_start3A_362 = tpu.memref_slice %arg8[%add3A_335, %dma_start3A_361] : memref<25x80xi32, #tpu.memory_space<vmem>> -> memref<1x80xi32, #tpu.memory_space<vmem>>
      %dma_start3A_363 = tpu.memref_squeeze %dma_start3A_362 : memref<1x80xi32, #tpu.memory_space<vmem>> -> memref<80xi32, #tpu.memory_space<vmem>>
      %dma_start3A_364 = arith.constant 0 : i32
      %dma_start3A_365 = arith.constant 0 : i32
      %dma_start3A_366 = tpu.memref_slice %arg10[%dma_start3A_364, %dma_start3A_365] : memref<10112x128xf32, #tpu.memory_space<vmem_shared>> -> memref<10112x128xf32, #tpu.memory_space<vmem_shared>>
      %dma_start3A_367 = tpu.memref_slice %arg12[%rem3A_336] : memref<3x!tpu.dma_semaphore, #tpu.memory_space<semaphore_mem>> -> memref<1x!tpu.dma_semaphore, #tpu.memory_space<semaphore_mem>>
      %dma_start3A_368 = tpu.memref_squeeze %dma_start3A_367 : memref<1x!tpu.dma_semaphore, #tpu.memory_space<semaphore_mem>> -> memref<!tpu.dma_semaphore, #tpu.memory_space<semaphore_mem>>
      tpu.enqueue_indirect_dma source(%dma_start3A_360 : memref<80x128xf32, #tpu.memory_space<vmem>>) target(%dma_start3A_366 : memref<10112x128xf32, #tpu.memory_space<vmem_shared>>) offsets(%dma_start3A_363 : memref<80xi32, #tpu.memory_space<vmem>>) semaphore(%dma_start3A_368 : memref<!tpu.dma_semaphore, #tpu.memory_space<semaphore_mem>>) {add = true}
    }
    %dma_wait3A_302 = arith.constant 2 : i32
    %dma_wait3A_303 = arith.constant 23 : i32
    %dma_wait3A_304 = arith.constant 2 : i32
    %dma_wait3A_305 = arith.constant 0 : i32
    %dma_wait3A_306 = arith.constant 0 : i32
    %dma_wait3A_307 = tpu.memref_slice %arg9[%dma_wait3A_302, %dma_wait3A_305, %dma_wait3A_306] : memref<3x80x128xf32, #tpu.memory_space<vmem>> -> memref<1x80x128xf32, #tpu.memory_space<vmem>>
    %dma_wait3A_308 = tpu.memref_squeeze %dma_wait3A_307 : memref<1x80x128xf32, #tpu.memory_space<vmem>> -> memref<80x128xf32, #tpu.memory_space<vmem>>
    %dma_wait3A_309 = arith.constant 0 : i32
    %dma_wait3A_310 = tpu.memref_slice %arg8[%dma_wait3A_303, %dma_wait3A_309] : memref<25x80xi32, #tpu.memory_space<vmem>> -> memref<1x80xi32, #tpu.memory_space<vmem>>
    %dma_wait3A_311 = tpu.memref_squeeze %dma_wait3A_310 : memref<1x80xi32, #tpu.memory_space<vmem>> -> memref<80xi32, #tpu.memory_space<vmem>>
    %dma_wait3A_312 = arith.constant 0 : i32
    %dma_wait3A_313 = arith.constant 0 : i32
    %dma_wait3A_314 = tpu.memref_slice %arg10[%dma_wait3A_312, %dma_wait3A_313] : memref<10112x128xf32, #tpu.memory_space<vmem_shared>> -> memref<10112x128xf32, #tpu.memory_space<vmem_shared>>
    %dma_wait3A_315 = tpu.memref_slice %arg12[%dma_wait3A_304] : memref<3x!tpu.dma_semaphore, #tpu.memory_space<semaphore_mem>> -> memref<1x!tpu.dma_semaphore, #tpu.memory_space<semaphore_mem>>
    %dma_wait3A_316 = tpu.memref_squeeze %dma_wait3A_315 : memref<1x!tpu.dma_semaphore, #tpu.memory_space<semaphore_mem>> -> memref<!tpu.dma_semaphore, #tpu.memory_space<semaphore_mem>>
    tpu.wait_indirect_dma semaphore(%dma_wait3A_316 : memref<!tpu.dma_semaphore, #tpu.memory_space<semaphore_mem>>) src(%dma_wait3A_308 : memref<80x128xf32, #tpu.memory_space<vmem>>) dst(%dma_wait3A_314 : memref<10112x128xf32, #tpu.memory_space<vmem_shared>>)
    %dma_wait3A_317 = arith.constant 0 : i32
    %dma_wait3A_318 = arith.constant 24 : i32
    %dma_wait3A_319 = arith.constant 0 : i32
    %dma_wait3A_320 = arith.constant 0 : i32
    %dma_wait3A_321 = arith.constant 0 : i32
    %dma_wait3A_322 = tpu.memref_slice %arg9[%dma_wait3A_317, %dma_wait3A_320, %dma_wait3A_321] : memref<3x80x128xf32, #tpu.memory_space<vmem>> -> memref<1x80x128xf32, #tpu.memory_space<vmem>>
    %dma_wait3A_323 = tpu.memref_squeeze %dma_wait3A_322 : memref<1x80x128xf32, #tpu.memory_space<vmem>> -> memref<80x128xf32, #tpu.memory_space<vmem>>
    %dma_wait3A_324 = arith.constant 0 : i32
    %dma_wait3A_325 = tpu.memref_slice %arg8[%dma_wait3A_318, %dma_wait3A_324] : memref<25x80xi32, #tpu.memory_space<vmem>> -> memref<1x80xi32, #tpu.memory_space<vmem>>
    %dma_wait3A_326 = tpu.memref_squeeze %dma_wait3A_325 : memref<1x80xi32, #tpu.memory_space<vmem>> -> memref<80xi32, #tpu.memory_space<vmem>>
    %dma_wait3A_327 = arith.constant 0 : i32
    %dma_wait3A_328 = arith.constant 0 : i32
    %dma_wait3A_329 = tpu.memref_slice %arg10[%dma_wait3A_327, %dma_wait3A_328] : memref<10112x128xf32, #tpu.memory_space<vmem_shared>> -> memref<10112x128xf32, #tpu.memory_space<vmem_shared>>
    %dma_wait3A_330 = tpu.memref_slice %arg12[%dma_wait3A_319] : memref<3x!tpu.dma_semaphore, #tpu.memory_space<semaphore_mem>> -> memref<1x!tpu.dma_semaphore, #tpu.memory_space<semaphore_mem>>
    %dma_wait3A_331 = tpu.memref_squeeze %dma_wait3A_330 : memref<1x!tpu.dma_semaphore, #tpu.memory_space<semaphore_mem>> -> memref<!tpu.dma_semaphore, #tpu.memory_space<semaphore_mem>>
    tpu.wait_indirect_dma semaphore(%dma_wait3A_331 : memref<!tpu.dma_semaphore, #tpu.memory_space<semaphore_mem>>) src(%dma_wait3A_323 : memref<80x128xf32, #tpu.memory_space<vmem>>) dst(%dma_wait3A_329 : memref<10112x128xf32, #tpu.memory_space<vmem_shared>>)
    %barrier3A_332 = arith.constant 0 : index
    tpu.barrier barrier_id(%barrier3A_332)
    "tpu.region"() ({
      %run_scoped3A_333 = tpu.sem_alloc : memref<!tpu.dma_semaphore, #tpu.memory_space<semaphore_mem>>
      %dma_start3A_334 = arith.constant 0 : i32
      %dma_start3A_335 = arith.constant 0 : i32
      %dma_start3A_336 = tpu.memref_slice %arg6[%arg0, %dma_start3A_334, %dma_start3A_335] : memref<2x10112x128xf32, #tpu.memory_space<hbm>> -> memref<1x10112x128xf32, #tpu.memory_space<hbm>>
      %dma_start3A_337 = tpu.memref_squeeze %dma_start3A_336 : memref<1x10112x128xf32, #tpu.memory_space<hbm>> -> memref<10112x128xf32, #tpu.memory_space<hbm>>
      %dma_start3A_338 = arith.constant 0 : i32
      %dma_start3A_339 = tpu.memref_slice %dma_start3A_337[%multiple_of3A, %dma_start3A_338] : memref<10112x128xf32, #tpu.memory_space<hbm>> -> memref<632x128xf32, #tpu.memory_space<hbm>>
      %dma_start3A_340 = arith.constant 0 : i32
      %dma_start3A_341 = tpu.memref_slice %arg10[%multiple_of3A, %dma_start3A_340] : memref<10112x128xf32, #tpu.memory_space<vmem_shared>> -> memref<632x128xf32, #tpu.memory_space<vmem_shared>>
      tpu.enqueue_dma source(%dma_start3A_341 : memref<632x128xf32, #tpu.memory_space<vmem_shared>>) target(%dma_start3A_339 : memref<632x128xf32, #tpu.memory_space<hbm>>) target_semaphore(%run_scoped3A_333 : memref<!tpu.dma_semaphore, #tpu.memory_space<semaphore_mem>>)
      %dma_wait3A_342 = arith.constant 0 : i32
      %dma_wait3A_343 = arith.constant 0 : i32
      %dma_wait3A_344 = tpu.memref_slice %arg6[%arg0, %dma_wait3A_342, %dma_wait3A_343] : memref<2x10112x128xf32, #tpu.memory_space<hbm>> -> memref<1x10112x128xf32, #tpu.memory_space<hbm>>
      %dma_wait3A_345 = tpu.memref_squeeze %dma_wait3A_344 : memref<1x10112x128xf32, #tpu.memory_space<hbm>> -> memref<10112x128xf32, #tpu.memory_space<hbm>>
      %dma_wait3A_346 = arith.constant 0 : i32
      %dma_wait3A_347 = tpu.memref_slice %dma_wait3A_345[%multiple_of3A, %dma_wait3A_346] : memref<10112x128xf32, #tpu.memory_space<hbm>> -> memref<632x128xf32, #tpu.memory_space<hbm>>
      %dma_wait3A_348 = arith.constant 0 : i32
      %dma_wait3A_349 = tpu.memref_slice %arg10[%multiple_of3A, %dma_wait3A_348] : memref<10112x128xf32, #tpu.memory_space<vmem_shared>> -> memref<632x128xf32, #tpu.memory_space<vmem_shared>>
      tpu.wait_dma2 semaphore(%run_scoped3A_333 : memref<!tpu.dma_semaphore, #tpu.memory_space<semaphore_mem>>) src(%dma_wait3A_349 : memref<632x128xf32, #tpu.memory_space<vmem_shared>>) dst(%dma_wait3A_347 : memref<632x128xf32, #tpu.memory_space<hbm>>)
      tpu.yield
    }) : () -> ()
    return
  }
}

#map = affine_map<(d0, d1) -> (0, 0, 0)>
module attributes {stable_mosaic.version = 14 : i64} {
  func.func @body(%arg0: i32, %arg1: i32, %arg2: memref<32x1x10000xi32, #tpu.memory_space<hbm>>, %arg3: memref<32x1x10000xf32, #tpu.memory_space<hbm>>, %arg4: memref<10000xi32, #tpu.memory_space<vmem>>, %arg5: memref<10000xf32, #tpu.memory_space<vmem>>) attributes {dimension_semantics = [#tpu.dimension_semantics<core_parallel>, #tpu.dimension_semantics<subcore_parallel>], iteration_bounds = array<i64: 2, 16>, scalar_prefetch = 0 : i64, scratch_operands = 2 : i64, tpu.core_type = #tpu.core_type<sc_vector_subcore>, window_params = [{transform_indices = #map}, {transform_indices = #map}]} {
    %mul3A = arith.constant 2 : i32
    %mul3A_0 = arith.muli %arg1, %mul3A : i32
    %add3A = arith.addi %mul3A_0, %arg0 : i32
    %run_scoped3A = arith.constant 0 : i32
    "tpu.region"() ({
      %run_scoped3A_42 = tpu.sem_alloc : memref<!tpu.dma_semaphore, #tpu.memory_space<semaphore_mem>>
      %dma_start3A = arith.constant 0 : i32
      %dma_start3A_43 = tpu.memref_slice %arg2[%add3A, %run_scoped3A, %dma_start3A] : memref<32x1x10000xi32, #tpu.memory_space<hbm>> -> memref<1x1x10000xi32, #tpu.memory_space<hbm>>
      %dma_start3A_44 = tpu.memref_squeeze %dma_start3A_43 : memref<1x1x10000xi32, #tpu.memory_space<hbm>> -> memref<10000xi32, #tpu.memory_space<hbm>>
      %dma_start3A_45 = arith.constant 0 : i32
      %dma_start3A_46 = tpu.memref_slice %arg2[%add3A, %run_scoped3A, %dma_start3A_45] : memref<32x1x10000xi32, #tpu.memory_space<hbm>> -> memref<1x1x10000xi32, #tpu.memory_space<hbm>>
      %dma_start3A_47 = tpu.memref_squeeze %dma_start3A_46 : memref<1x1x10000xi32, #tpu.memory_space<hbm>> -> memref<10000xi32, #tpu.memory_space<hbm>>
      tpu.enqueue_dma source(%dma_start3A_47 : memref<10000xi32, #tpu.memory_space<hbm>>) target(%arg4 : memref<10000xi32, #tpu.memory_space<vmem>>) target_semaphore(%run_scoped3A_42 : memref<!tpu.dma_semaphore, #tpu.memory_space<semaphore_mem>>)
      %dma_wait3A = arith.constant 0 : i32
      %dma_wait3A_48 = tpu.memref_slice %arg2[%add3A, %run_scoped3A, %dma_wait3A] : memref<32x1x10000xi32, #tpu.memory_space<hbm>> -> memref<1x1x10000xi32, #tpu.memory_space<hbm>>
      %dma_wait3A_49 = tpu.memref_squeeze %dma_wait3A_48 : memref<1x1x10000xi32, #tpu.memory_space<hbm>> -> memref<10000xi32, #tpu.memory_space<hbm>>
      %dma_wait3A_50 = arith.constant 0 : i32
      %dma_wait3A_51 = tpu.memref_slice %arg2[%add3A, %run_scoped3A, %dma_wait3A_50] : memref<32x1x10000xi32, #tpu.memory_space<hbm>> -> memref<1x1x10000xi32, #tpu.memory_space<hbm>>
      %dma_wait3A_52 = tpu.memref_squeeze %dma_wait3A_51 : memref<1x1x10000xi32, #tpu.memory_space<hbm>> -> memref<10000xi32, #tpu.memory_space<hbm>>
      tpu.wait_dma2 semaphore(%run_scoped3A_42 : memref<!tpu.dma_semaphore, #tpu.memory_space<semaphore_mem>>) src(%dma_wait3A_52 : memref<10000xi32, #tpu.memory_space<hbm>>) dst(%arg4 : memref<10000xi32, #tpu.memory_space<vmem>>)
      tpu.yield
    }) : () -> ()
    %broadcast_in_dim3A = arith.constant 0.000000e+00 : f32
    %broadcast_in_dim3A_1 = vector.broadcast %broadcast_in_dim3A : f32 to vector<16xf32>
    %broadcast_in_dim3A_2 = arith.constant 1.000000e+00 : f32
    %broadcast_in_dim3A_3 = vector.broadcast %broadcast_in_dim3A_2 : f32 to vector<16xf32>
    %sub3A = arith.constant 625 : i32
    %sub3A_4 = arith.constant 0 : i32
    %sub3A_5 = arith.subi %sub3A, %sub3A_4 : i32
    %sub3A_6 = arith.constant 1 : i32
    %sub3A_7 = arith.constant 1 : i32
    %sub3A_8 = arith.subi %sub3A_6, %sub3A_7 : i32
    %add3A_9 = arith.addi %sub3A_5, %sub3A_8 : i32
    %div3A = arith.constant 1 : i32
    %div3A_10 = arith.divsi %add3A_9, %div3A : i32
    %while3A = arith.constant 1 : i32
    %while3A_11 = arith.constant 0 : i32
    %while3A_12 = arith.constant 0 : i32
    %while3A_13 = arith.subi %div3A_10, %while3A_12 : i32
    %while3A_14 = arith.addi %while3A_12, %while3A_13 : i32
    %while3A_15 = arith.constant 1 : i32
    %while3A_16 = arith.divsi %while3A_13, %while3A_15 : i32
    %while3A_17 = arith.muli %while3A_16, %while3A_15 : i32
    %while3A_18 = arith.addi %while3A_12, %while3A_17 : i32
    %while3A_19 = arith.constant 1 : i32
    scf.for %while3A_42 = %while3A_12 to %while3A_18 step %while3A_19  : i32 {
      %mul3A_43 = arith.muli %while3A_42, %while3A : i32
      %add3A_44 = arith.addi %while3A_11, %mul3A_43 : i32
      %mul3A_45 = arith.constant 16 : i32
      %mul3A_46 = arith.muli %add3A_44, %mul3A_45 : i32
      %swap3A = arith.index_cast %mul3A_46 : i32 to index
      %swap3A_47 = tpu.vector_load %arg5[%swap3A] {strides = array<i32>} : memref<10000xf32, #tpu.memory_space<vmem>>, vector<16xf32>,
      tpu.vector_store %arg5[%swap3A], %broadcast_in_dim3A_1 {strides = array<i32>} : memref<10000xf32, #tpu.memory_space<vmem>>, vector<16xf32>,
    }
    %while3A_20 = arith.constant 1 : i32
    scf.for %while3A_42 = %while3A_18 to %while3A_14 step %while3A_20  : i32 {
      %mul3A_43 = arith.muli %while3A_42, %while3A : i32
      %add3A_44 = arith.addi %while3A_11, %mul3A_43 : i32
      %mul3A_45 = arith.constant 16 : i32
      %mul3A_46 = arith.muli %add3A_44, %mul3A_45 : i32
      %swap3A = arith.index_cast %mul3A_46 : i32 to index
      %swap3A_47 = tpu.vector_load %arg5[%swap3A] {strides = array<i32>} : memref<10000xf32, #tpu.memory_space<vmem>>, vector<16xf32>,
      tpu.vector_store %arg5[%swap3A], %broadcast_in_dim3A_1 {strides = array<i32>} : memref<10000xf32, #tpu.memory_space<vmem>>, vector<16xf32>,
    }
    %sub3A_21 = arith.constant 625 : i32
    %sub3A_22 = arith.constant 0 : i32
    %sub3A_23 = arith.subi %sub3A_21, %sub3A_22 : i32
    %sub3A_24 = arith.constant 1 : i32
    %sub3A_25 = arith.constant 1 : i32
    %sub3A_26 = arith.subi %sub3A_24, %sub3A_25 : i32
    %add3A_27 = arith.addi %sub3A_23, %sub3A_26 : i32
    %div3A_28 = arith.constant 1 : i32
    %div3A_29 = arith.divsi %add3A_27, %div3A_28 : i32
    %while3A_30 = arith.constant 1 : i32
    %while3A_31 = arith.constant 0 : i32
    %while3A_32 = arith.constant 0 : i32
    %while3A_33 = arith.subi %div3A_29, %while3A_32 : i32
    %while3A_34 = arith.addi %while3A_32, %while3A_33 : i32
    %while3A_35 = arith.constant 1 : i32
    %while3A_36 = arith.divsi %while3A_33, %while3A_35 : i32
    %while3A_37 = arith.muli %while3A_36, %while3A_35 : i32
    %while3A_38 = arith.addi %while3A_32, %while3A_37 : i32
    %while3A_39 = arith.constant 1 : i32
    scf.for %while3A_42 = %while3A_32 to %while3A_38 step %while3A_39  : i32 {
      %mul3A_43 = arith.muli %while3A_42, %while3A_30 : i32
      %add3A_44 = arith.addi %while3A_31, %mul3A_43 : i32
      %mul3A_45 = arith.constant 16 : i32
      %mul3A_46 = arith.muli %add3A_44, %mul3A_45 : i32
      %get3A = arith.index_cast %mul3A_46 : i32 to index
      %get3A_47 = tpu.vector_load %arg4[%get3A] {strides = array<i32>} : memref<10000xi32, #tpu.memory_space<vmem>>, vector<16xi32>,
      tpu.vector_store_idx %arg5[%get3A_47], %broadcast_in_dim3A_3 {add = true} : memref<10000xf32, #tpu.memory_space<vmem>>[vector<16xi32>], vector<16xf32>,
    }
    %while3A_40 = arith.constant 1 : i32
    scf.for %while3A_42 = %while3A_38 to %while3A_34 step %while3A_40  : i32 {
      %mul3A_43 = arith.muli %while3A_42, %while3A_30 : i32
      %add3A_44 = arith.addi %while3A_31, %mul3A_43 : i32
      %mul3A_45 = arith.constant 16 : i32
      %mul3A_46 = arith.muli %add3A_44, %mul3A_45 : i32
      %get3A = arith.index_cast %mul3A_46 : i32 to index
      %get3A_47 = tpu.vector_load %arg4[%get3A] {strides = array<i32>} : memref<10000xi32, #tpu.memory_space<vmem>>, vector<16xi32>,
      tpu.vector_store_idx %arg5[%get3A_47], %broadcast_in_dim3A_3 {add = true} : memref<10000xf32, #tpu.memory_space<vmem>>[vector<16xi32>], vector<16xf32>,
    }
    %run_scoped3A_41 = arith.constant 0 : i32
    "tpu.region"() ({
      %run_scoped3A_42 = tpu.sem_alloc : memref<!tpu.dma_semaphore, #tpu.memory_space<semaphore_mem>>
      %dma_start3A = arith.constant 0 : i32
      %dma_start3A_43 = tpu.memref_slice %arg3[%add3A, %run_scoped3A_41, %dma_start3A] : memref<32x1x10000xf32, #tpu.memory_space<hbm>> -> memref<1x1x10000xf32, #tpu.memory_space<hbm>>
      %dma_start3A_44 = tpu.memref_squeeze %dma_start3A_43 : memref<1x1x10000xf32, #tpu.memory_space<hbm>> -> memref<10000xf32, #tpu.memory_space<hbm>>
      %dma_start3A_45 = arith.constant 0 : i32
      %dma_start3A_46 = tpu.memref_slice %arg3[%add3A, %run_scoped3A_41, %dma_start3A_45] : memref<32x1x10000xf32, #tpu.memory_space<hbm>> -> memref<1x1x10000xf32, #tpu.memory_space<hbm>>
      %dma_start3A_47 = tpu.memref_squeeze %dma_start3A_46 : memref<1x1x10000xf32, #tpu.memory_space<hbm>> -> memref<10000xf32, #tpu.memory_space<hbm>>
      tpu.enqueue_dma source(%arg5 : memref<10000xf32, #tpu.memory_space<vmem>>) target(%dma_start3A_47 : memref<10000xf32, #tpu.memory_space<hbm>>) target_semaphore(%run_scoped3A_42 : memref<!tpu.dma_semaphore, #tpu.memory_space<semaphore_mem>>)
      %dma_wait3A = arith.constant 0 : i32
      %dma_wait3A_48 = tpu.memref_slice %arg3[%add3A, %run_scoped3A_41, %dma_wait3A] : memref<32x1x10000xf32, #tpu.memory_space<hbm>> -> memref<1x1x10000xf32, #tpu.memory_space<hbm>>
      %dma_wait3A_49 = tpu.memref_squeeze %dma_wait3A_48 : memref<1x1x10000xf32, #tpu.memory_space<hbm>> -> memref<10000xf32, #tpu.memory_space<hbm>>
      %dma_wait3A_50 = arith.constant 0 : i32
      %dma_wait3A_51 = tpu.memref_slice %arg3[%add3A, %run_scoped3A_41, %dma_wait3A_50] : memref<32x1x10000xf32, #tpu.memory_space<hbm>> -> memref<1x1x10000xf32, #tpu.memory_space<hbm>>
      %dma_wait3A_52 = tpu.memref_squeeze %dma_wait3A_51 : memref<1x1x10000xf32, #tpu.memory_space<hbm>> -> memref<10000xf32, #tpu.memory_space<hbm>>
      tpu.wait_dma2 semaphore(%run_scoped3A_42 : memref<!tpu.dma_semaphore, #tpu.memory_space<semaphore_mem>>) src(%arg5 : memref<10000xf32, #tpu.memory_space<vmem>>) dst(%dma_wait3A_52 : memref<10000xf32, #tpu.memory_space<hbm>>)
      tpu.yield
    }) : () -> ()
    return
  }
}

module attributes {stable_mosaic.version = 14 : i64} {
  func.func @body(%arg0: memref<2x10112x128xf32, #tpu.memory_space<vmem>>, %arg1: memref<32x1x10000xf32, #tpu.memory_space<vmem>>, %arg2: memref<10000x128xf32, #tpu.memory_space<vmem>>) attributes {dimension_semantics = [], scalar_prefetch = 0 : i64, scratch_operands = 0 : i64, tpu.core_type = #tpu.core_type<tc>} {
    %get3A = arith.constant 0 : index
    %get3A_0 = arith.constant 0 : index
    %get3A_1 = arith.constant 0 : index
    %get3A_2 = vector.load %arg0[%get3A, %get3A_0, %get3A_1] : memref<2x10112x128xf32, #tpu.memory_space<vmem>>, vector<1x10000x128xf32>
    %get3A_3 = vector.shape_cast %get3A_2 : vector<1x10000x128xf32> to vector<10000x128xf32>
    %get3A_4 = arith.constant 1 : index
    %get3A_5 = arith.constant 0 : index
    %get3A_6 = arith.constant 0 : index
    %get3A_7 = vector.load %arg0[%get3A_4, %get3A_5, %get3A_6] : memref<2x10112x128xf32, #tpu.memory_space<vmem>>, vector<1x10000x128xf32>
    %get3A_8 = vector.shape_cast %get3A_7 : vector<1x10000x128xf32> to vector<10000x128xf32>
    %add3A = arith.addf %get3A_3, %get3A_8 : vector<10000x128xf32>
    %get3A_9 = arith.constant 0 : index
    %get3A_10 = arith.constant 0 : index
    %get3A_11 = arith.constant 0 : index
    %get3A_12 = vector.load %arg1[%get3A_9, %get3A_10, %get3A_11] : memref<32x1x10000xf32, #tpu.memory_space<vmem>>, vector<32x1x10000xf32>
    %get3A_13 = vector.shape_cast %get3A_12 : vector<32x1x10000xf32> to vector<32x10000xf32>
    %reduce_sum3A = arith.constant dense<0.000000e+00> : vector<10000xf32>
    %reduce_sum3A_14 = vector.multi_reduction <add>, %get3A_13, %reduce_sum3A [0] : vector<32x10000xf32> to vector<10000xf32>
    %max3A = arith.constant 1.000000e+00 : f32
    %max3A_15 = vector.broadcast %max3A : f32 to vector<10000xf32>
    %max3A_16 = arith.maximumf %reduce_sum3A_14, %max3A_15 : vector<10000xf32>
    %broadcast_in_dim3A = vector.shape_cast %max3A_16 : vector<10000xf32> to vector<10000x1xf32>
    %div3A = vector.broadcast %broadcast_in_dim3A : vector<10000x1xf32> to vector<10000x128xf32>
    %div3A_17 = arith.divf %add3A, %div3A : vector<10000x128xf32>
    %swap3A = arith.constant 0 : index
    %swap3A_18 = arith.constant 0 : index
    %swap3A_19 = vector.load %arg2[%swap3A, %swap3A_18] : memref<10000x128xf32, #tpu.memory_space<vmem>>, vector<10000x128xf32>
    tpu.vector_store %arg2[%swap3A, %swap3A_18], %div3A_17 {strides = array<i32>} : memref<10000x128xf32, #tpu.memory_space<vmem>>, vector<10000x128xf32>,
    return
  }
}

</mosaic_0001>

<sc_bundles>
// kernel: kernel.5.cloned.1.call-start
scs
__scs_entry_jumppad:
0x0: {  	(pc) =	sbr.rel $0x88, $3  }
0x1: {  	(tag) =	ssettag $0x0;
	lr =	simm.s32 $0x1  }
0x2: {  	[smem:$0x3F9F] =	sst lr;
	_ =	strace $0xD0000000  }
0x3: {  	_ = 	snop  }
0x4: {  	_ = 	snop  }
0x5: {  	_ = 	snop  }
0x6: {  	_ = 	snop  }
0x7: {  	_ = 	snop  }
__scs_overlays_trampoline_lowered:
0x8: {  	[smem:$0x3FAE] =	sst s0  }
0x9: {  	[smem:$0x3FAF] =	sst s1  }
0xa: {  	[smem:$0x3FB0] =	sst s2  }
0xb: {  	[smem:$0x3FB1] =	sst s3  }
0xc: {  	[smem:$0x3FB2] =	sst s4  }
0xd: {  	[smem:$0x3FB3] =	sst s5  }
0xe: {  	[smem:$0x3FB4] =	sst s6  }
0xf: {  	[smem:$0x3FB5] =	sst s7  }
0x10: {  	[smem:$0x3FB6] =	sst s8  }
0x11: {  	[smem:$0x3FB7] =	sst s9;
	s0 =	simm.s32 @!p0 $0x0  }
0x12: {  	s1 =	sld [smem:$0x3F9D];
	s0 =	simm.s32 @p0 $0x1  }
0x13: {  	[smem:$0x3FB8] =	sst s0;
	s0 =	simm.s32 @!p1 $0x0  }
0x14: {  	s2 =	sld [smem:$0x3F9C];
	s0 =	simm.s32 @p1 $0x1  }
0x15: {  	[smem:$0x3FB9] =	sst s0;
	s0 =	simm.s32 @!p2 $0x0  }
0x16: {  	s3 =	sld [smem:$0x3FDB];
	s0 =	simm.s32 @p2 $0x1  }
0x17: {  	s4 =	simm.s32 $0x1BF5;
	[smem:$0x3FBB] =	sst s0  }
0x18: {  	s0 =	sld [smem:$0x3F9E];
	_ =	swait.ge [sflag:s4], $0x0  }
0x19: {  	s7 =	sld [smem:$0x3F9F]  }
0x1a: {  	s8 =	sadd.s32 $0xFFFFE003, lr  }
0x1b: {  	s9 =	sadd.s32 $0xFFFFFEF7, lr;
	s5 =	simm.s32 $0xFFFFFFFF;
	p2 =	slt.u32 s8, $0xFFFFF086  }
0x1c: {  	p1 =	slt.u32 s9, $0xF7A;
	s5 =	simm.s32 @!p2 $0x0  }
0x1d: {  	s5 =	simm.s32 @p1 $0x1;
	p0 =	seq.s32 s7, s2  }
0x1e: {  	s7 =	smul.u32 @!p0 $0xF7A, s2;
	p2 =	seq.s32 @!p0 s5, $0x0  }
0x1f: {  	s9 =	smul.u32 $0xF7A, s1;
	s8 =	simm.s32 @!p0 $0x1BF5;
	p2 =	por !p2, p0  }
0x20: {  	[sflag:s8] =	ssyncset.s32 @!p0 $0xFFFFF086;
	s6 =	sadd.s32 @!p0 s3, s7;
	s7 =	simm.s32 @!p0 $0x108  }
0x21: {  	s3 =	sadd.s32 s3, s9;
	s6 =	sadd.s32 @!p0 $0x88, s6;
	s7 =	simm.s32 @p2 $0x1082  }
0x22: {  	[simem:s7], [sflag:s8] =	dma.local @!p0 [hbm:s6], $0xF7A  }
0x23: {  	s9 =	sor.u32 $0xD0000000, s2;
	s6 =	simm.s32 $0x108;
	_ =	swait.ge @!p0 [sflag:s8], $0x0  }
0x24: {  	s3 =	sadd.s32 $0x88, s3;
	s6 =	simm.s32 @!p1 $0x1082;
	[sflag:s4] =	ssyncset.s32 $0xFFFFF086  }
0x25: {  	[simem:s6], [sflag:s4] =	dma.local [hbm:s3], $0xF7A  }
0x26: {  	[smem:$0x3F9F] =	sst s1;
	(tag) =	ssettag s2;
	_ =	strace s9  }
0x27: {  	s1 =	sld [smem:$0x3FAF]  }
0x28: {  	s2 =	sld [smem:$0x3FB0]  }
0x29: {  	s4 =	sld [smem:$0x3FB2]  }
0x2a: {  	p0 =	seq.s32 s5, $0x0;
	s5 =	sld [smem:$0x3FB3]  }
0x2b: {  	s6 =	sld [smem:$0x3FB4]  }
0x2c: {  	s7 =	sld [smem:$0x3FB5]  }
0x2d: {  	s3 =	simm.s32 $0x108;
	s8 =	sld [smem:$0x3FB6]  }
0x2e: {  	s3 =	simm.s32 @!p0 $0x1082;
	s9 =	sld [smem:$0x3FB7]  }
0x2f: {  	lr =	sadd.s32 s0, s3;
	s0 =	sld [smem:$0x3FAE]  }
0x30: {  	s3 =	sld [smem:$0x3FB1]  }
0x31: {  	[smem:$0x3FBA] =	sst s10  }
0x32: {  	s10 =	sld [smem:$0x3FB8];
	_ =	sdelay $0x3  }
0x33: {  	p0 =	seq.s32 s10, $0x1;
	s10 =	sld [smem:$0x3FBA];
	_ =	sdelay $0x3  }
0x34: {  	[smem:$0x3FBA] =	sst s10  }
0x35: {  	s10 =	sld [smem:$0x3FB9];
	_ =	sdelay $0x3  }
0x36: {  	p1 =	seq.s32 s10, $0x1;
	s10 =	sld [smem:$0x3FBA];
	_ =	sdelay $0x3  }
0x37: {  	[smem:$0x3FBA] =	sst s10  }
0x38: {  	s10 =	sld [smem:$0x3FBB]  }
0x39: {  	_ = 	snop;
	(pc) =	sbr.ind lr, $3  }
0x3a: {  	_ = 	snop  }
0x3b: {  	_ = 	snop  }
0x3c: {  	p2 =	seq.s32 s10, $0x1;
	s10 =	sld [smem:$0x3FBA]  }
0x3d: {  	_ =	shalt  }
0x3e: {  	_ =	shalt  }
0x3f: {  	_ =	shalt  }
0x40: {  	_ =	shalt  }
0x41: {  	_ =	shalt  }
0x42: {  	_ =	shalt  }
0x43: {  	_ =	shalt  }
0x44: {  	_ =	shalt  }
0x45: {  	_ =	shalt  }
0x46: {  	_ =	shalt  }
0x47: {  	_ =	shalt  }
0x48: {  	_ =	shalt  }
0x49: {  	_ =	shalt  }
0x4a: {  	_ =	shalt  }
0x4b: {  	_ =	shalt  }
0x4c: {  	_ =	shalt  }
0x4d: {  	_ =	shalt  }
0x4e: {  	_ =	shalt  }
0x4f: {  	_ =	shalt  }
0x50: {  	_ =	shalt  }
0x51: {  	_ =	shalt  }
0x52: {  	_ =	shalt  }
0x53: {  	_ =	shalt  }
0x54: {  	_ =	shalt  }
0x55: {  	_ =	shalt  }
0x56: {  	_ =	shalt  }
0x57: {  	_ =	shalt  }
0x58: {  	_ =	shalt  }
0x59: {  	_ =	shalt  }
0x5a: {  	_ =	shalt  }
0x5b: {  	_ =	shalt  }
0x5c: {  	_ =	shalt  }
0x5d: {  	_ =	shalt  }
0x5e: {  	_ =	shalt  }
0x5f: {  	_ =	shalt  }
0x60: {  	_ =	shalt  }
0x61: {  	_ =	shalt  }
0x62: {  	_ =	shalt  }
0x63: {  	_ =	shalt  }
0x64: {  	_ =	shalt  }
0x65: {  	_ =	shalt  }
0x66: {  	_ =	shalt  }
0x67: {  	_ =	shalt  }
0x68: {  	_ =	shalt  }
0x69: {  	_ =	shalt  }
0x6a: {  	_ =	shalt  }
0x6b: {  	_ =	shalt  }
0x6c: {  	_ =	shalt  }
0x6d: {  	_ =	shalt  }
0x6e: {  	_ =	shalt  }
0x6f: {  	_ =	shalt  }
0x70: {  	_ =	shalt  }
0x71: {  	_ =	shalt  }
0x72: {  	_ =	shalt  }
0x73: {  	_ =	shalt  }
0x74: {  	_ =	shalt  }
0x75: {  	_ =	shalt  }
0x76: {  	_ =	shalt  }
0x77: {  	_ =	shalt  }
0x78: {  	_ =	shalt  }
0x79: {  	_ =	shalt  }
0x7a: {  	_ =	shalt  }
0x7b: {  	_ =	shalt  }
0x7c: {  	_ =	shalt  }
0x7d: {  	_ =	shalt  }
0x7e: {  	_ =	shalt  }
0x7f: {  	_ =	shalt  }
0x80: {  	_ =	shalt  }
0x81: {  	_ =	shalt  }
0x82: {  	_ =	shalt  }
0x83: {  	_ =	shalt  }
0x84: {  	_ =	shalt  }
0x85: {  	_ =	shalt  }
0x86: {  	_ =	shalt  }
0x87: {  	_ =	shalt  }
.Lfunc_end0:
.L_simem_size_0:
called_computation_lowered:
.L_overlay_start_0:
0x88: {  	s2 =	sld [smem:$0x3FD9]  }
0x89: {  	s3 =	sld [smem:$0x3FFE];
	_ =	sdelay $0x1  }
0x8a: {  	s1 =	srdreg.scid  }
0x8b: {  	s0 =	sand.u32 $0x1, s1  }
0x8c: {  	s17 =	sshll.u32 s0, $0xA;
	s2 =	sadd.s32 s3, s2  }
0x8d: {  	s2 =	sadd.s32 s2, s17  }
0x8e: {  	[smem:$0x3FC6] =	sst s2  }
0x8f: {  	_ = 	snop  }
0x90: {  	s2 =	sld [smem:$0x3FC9]  }
0x91: {  	s18 =	sld [smem:$0x3FD0];
	(tm) =	ssettm $0x1  }
0x92: {  	s4 =	sld [smem:$0x3FFB];
	_ =	sdelay $0x3  }
0x93: {  	_ =	strace s4  }
0x94: {  	s4 =	sld [smem:$0x3FFC];
	_ =	sdelay $0x3  }
0x95: {  	_ =	strace s4  }
0x96: {  	s4 =	sld [smem:$0x3FFD];
	_ =	sdelay $0x3  }
0x97: {  	_ =	strace s4  }
0x98: {  	_ =	strace $0x8FFFFFFF  }
0x99: {  	s19 =	sld [smem:$0x3FDB];
	_ =	sdelay $0x1  }
0x9a: {  	s5 =	simm.s32 $_scs_section_size  }
0x9b: {  	s6 =	simm.s32 $_size__tile_overlayer_lowered;
	s7 =	simm.s32 $_tile_overlayer_lowered  }
0x9c: {  	s22 =	simm.s32 $0x1BFF;
	s21 =	sshll.u32 s7, $0x1;
	s4 =	sadd.s32 s5, s19  }
0x9d: {  	s8 =	simm.s32 $0x0;
	s20 =	sshll.u32 s6, $0x1;
	s6 =	sadd.s32 s21, s4  }
0x9e: {  	[timem:s8], [sflag:s22] =	dma.local [hbm:s6], s20  }
0x9f: {  	_ =	swait.ge [sflag:s22], s20  }
0xa0: {  	s5 =	ssub.s32 $0x0, s20;
	[sflag:s22] =	ssyncset.done $0x0  }
0xa1: {  	[sflag:s22] =	ssyncadd.s32 s5;
	_ =	sdelay $0x1  }
0xa2: {  	s23 =	simm.s32 $0x1B8B  }
0xa3: {  	_ =	swait.ge [sflag:s23], $0x1  }
0xa4: {  	[sflag:s23] =	ssyncset.done $0x0  }
0xa5: {  	s25 =	simm.s32 $0x1B8E;
	s24 =	sld [smem:$0x3FFE];
	[sflag:s23] =	ssyncadd.s32 $0xFFFFFFFF  }
0xa6: {  	s26 =	simm.s32 $execute0_lowered;
	[smem:$0x3FD2] =	sst s25  }
0xa7: {  	s6 =	sshll.u32 s26, $0x1;
	_ =	strace $0x80000046;
	[dreg:$0x1] =	wrdreg $0xFFFFFFFF  }
0xa8: {  	s28 =	simm.s32 $_size_execute0_lowered;
	s4 =	sadd.s32 s4, s6;
	[dreg:$0x0] =	wrdreg $0x0  }
0xa9: {  	s6 =	sshll.u32 s28, $0x1;
	[dreg:$0x2] =	wrdreg s4  }
0xaa: {  	[dreg:$0x3] =	wrdreg s6  }
0xab: {  	[dreg:$0x4] =	wrdreg $0xC0  }
0xac: {  	_ =	task [dreg:s8], $0x5FFFF  }
0xad: {  	[dreg:$0x1] =	wrdreg $0xFFFFFFFF  }
0xae: {  	[dreg:$0x0] =	wrdreg $0x60  }
0xaf: {  	[dreg:$0x2] =	wrdreg s2  }
0xb0: {  	[dreg:$0x3] =	wrdreg s18  }
0xb1: {  	[dreg:$0x4] =	wrdreg s24  }
0xb2: {  	[dreg:$0x5] =	wrdreg $0x98000  }
0xb3: {  	[dreg:$0x6] =	wrdreg $0x9  }
0xb4: {  	_ =	task.clear_ibuf [dreg:s8], $0x7FFFF;
	_ =	strace $0x90000046  }
0xb5: {  	s29 =	simm.s32 $0x9;
	_ =	strace $0x80000048  }
0xb6: {  	_ =	swait.ge [sflag:s29], $0x1  }
0xb7: {  	[sflag:s29] =	ssyncadd.s32 $0xFFFFFFFF  }
0xb8: {  	_ =	strace $0x90000048  }
0xb9: {  	_ =	sfence  }
0xba: {  	s30 =	sld [smem:$0x0];
	_ =	sdelay $0x2  }
0xbb: {  	s31 =	sshll.u32 s1, $0xD;
	s1 =	sshrl.u32 s1, $0x2  }
0xbc: {  	s3 =	sand.u32 $0x4000, s31;
	s1 =	sadd.s32 s1, s30  }
0xbd: {  	s0 =	sor.u32 s3, s0;
	s1 =	sshll.u32 s1, $0x11  }
0xbe: {  	s0 =	sor.u32 s1, s0  }
0xbf: {  	s0 =	sadd.s32 $0x8F2B, s0  }
0xc0: {  	[sflag:s0] =	ssyncadd.remote.s32 $0x1  }
0xc1: {  	_ =	sfence.sel $0xFFFF  }
0xc2: {  	[dreg:$0x0] =	wrdreg $0xFFFFFFFF;
	(pc) =	sbr.abs _section_cstart, $3  }
0xc3: {  	[dreg:$0x1] =	wrdreg $0xFFFFFFFF  }
0xc4: {  	_ =	task.clear_ibuf [dreg:s8], $0x2FFFF;
	_ =	strace $0x9FFFFFFF  }
0xc5: {  	(tm) =	ssettm $0x7FFFFFFF  }
tec
execute0_lowered:
.L_overlay_start_1:
0x0: {  	(tag) =	ssettag $0x1  }
0x1: {  	s1 =	rddreg [dreg:$0x0]  }
0x2: {  	s16 =	rddreg [dreg:$0x1]  }
0x3: {  	s5 =	rddreg [dreg:$0x2]  }
0x4: {  	s3 =	rddreg [dreg:$0x3]  }
0x5: {  	s4 =	simm.s32 $0x0;
	s0 =	stileid.u32;
	s6 =	srdreg.scid  }
0x6: {  	s21 =	simm.s32 $0x50;
	s22 =	simm.s32 $0x2000;
	s23 =	simm.s32 $0x6  }
0x7: {  	s26 =	simm.s32 $0x0;
	[smem:$0x7FF] =	sst s4;
	s24 =	smul.u32 $0x2780, s0  }
0x8: {  	s6 =	sand.u32 $0x1, s6;
	s17 =	sadd.s32 $0x400, s5;
	s9 =	smul.u32 $0x4F000, s0  }
0x9: {  	s10 =	sshll.u32 s0, $0x1;
	s31 =	sshll.u32 s0, $0x6;
	_ =	strace $0x80000047  }
0xa: {  	s7 =	smul.u32 $0x27800, s6;
	s29 =	ssub.s32 $0x2, s6;
	s6 =	sor.u32 s6, s10  }
0xb: {  	s8 =	sadd.s32 s24, s5;
	s30 =	sshrl.u32 s29, $0x1;
	s9 =	sshrl.u32 s9, $0x2  }
0xc: {  	s10 =	smul.u32 $0x5000, s6;
	s18 =	sadd.s32 s7, s5;
	s19 =	ssub.s32 s29, s30  }
0xd: {  	s5 =	sadd.s32 s9, s3;
	s6 =	sadd.s32 $0x14400, s8;
	s7 =	sor.u32 $0x1C07, s31  }
0xe: {  	s20 =	sshrl.u32 s10, $0x3;
	s25 =	sadd.s32 $0x3BC00, s18;
	s18 =	smax.u32 s19, $0x1  }
0xf: {  	s19 =	simm.s32 $0x7;
	s8 =	sadd.s32 s16, s20;
	s9 =	sadd.s32 s17, s20  }
0x10: {  	s11 =	sadd.s32 $0x200, s20;
	s13 =	sadd.s32 $0x400, s20;
	s15 =	sadd.s32 $0x600, s20  }
0x11: {  	s20 =	sadd.s32 $0x800, s20;
	s24 =	sadd.s32 s24, s25;
	s25 =	simm.s32 $0x4  }
0x12: {  	s10 =	sadd.s32 s16, s11;
	s11 =	sadd.s32 s17, s11;
	s12 =	sadd.s32 s16, s13  }
0x13: {  	s13 =	sadd.s32 s17, s13;
	s14 =	sadd.s32 s16, s15;
	s15 =	sadd.s32 s17, s15  }
0x14: {  	s16 =	sadd.s32 s16, s20;
	s17 =	sadd.s32 s17, s20;
	s20 =	simm.s32 $0x1000  }
.LBB2_1:
0x15: {  	s28 =	sshrl.u32 s5, $0x3  }
0x16: {  	[spmem:s28], [sflag:s7] =	dma.local [hbm:s6], $0x2780  }
0x17: {  	_ =	swait.ge [sflag:s19], $0x2780  }
0x18: {  	[sflag:s19] =	ssyncset.done $0x0  }
0x19: {  	[sflag:s19] =	ssyncadd.s32 $0xFFFFD880  }
0x1a: {  	[bflag:$0x0] =	sbarrier.arrive $0xFFFF  }
0x1b: {  	[tilespmem:s4], [sflag:$0x7] =	stream.linear.gather [hbm4b:s8+s4], $0xC80, $0x38;
	[tilespmem:$0x1D400] =	vst v63  }
0x1c: {  	_ =	swait.ge [sflag:s19], $0xC80  }
0x1d: {  	[sflag:s19] =	ssyncset.done $0x0  }
0x1e: {  	[sflag:s19] =	ssyncadd.s32 $0xFFFFF380  }
0x1f: {  	[tilespmem:s20], [sflag:$0x7] =	stream.linear.gather [hbm4b:s9+s4], $0xC80, $0x38;
	[tilespmem:$0x1D400] =	vst v63  }
0x20: {  	_ =	swait.ge [sflag:s19], $0xC80  }
0x21: {  	[sflag:s19] =	ssyncset.done $0x0  }
0x22: {  	s29 =	simm.s32 $0x0;
	[sflag:s19] =	ssyncadd.s32 $0xFFFFF380  }
0x23: {  	[tilespmem:s22], [sflag:$0x1] =	stream.indirect.gather [hbm4b:s1+s21], $0x80, s4, s21, $0xb8;
	[tilespmem:$0x1D400] =	vst v63  }
.LBB2_2:
0x24: {  	p0 =	slt.u32 s29, $0x2  }
0x25: {  	s30 =	sadd.s32 @!p0 $0xFFFFFFFE, s29  }
0x26: {  	s31 =	sand.u32 @!p0 $0xFF, s30  }
0x27: {  	s31 =	smul.u32 @!p0 $0xAB, s31;
	_ =	sdelay $0x1  }
0x28: {  	s31 =	sshrl.u32 @!p0 s31, $0x9  }
0x29: {  	s31 =	smul.u32 @!p0 $0x3, s31;
	_ =	sdelay $0x1  }
0x2a: {  	s30 =	ssub.s32 @!p0 s30, s31  }
0x2b: {  	s30 =	sor.u32 @!p0 $0x4, s30  }
0x2c: {  	s30 =	sand.u32 @!p0 $0xFF, s30  }
0x2d: {  	_ =	swait.ge @!p0 [sflag:s30], $0x2800  }
0x2e: {  	p1 =	seq.s32 @!p0 s29, $0x18;
	[sflag:s30] =	ssyncset.done @!p0 $0x0  }
0x2f: {  	p1 =	por p0, !p1;
	[sflag:s30] =	ssyncadd.s32 @!p0 $0xFFFFD800;
	s30 =	simm.s32 @!p0 $0x19  }
0x30: {  	s30 =	sadd.s32 @p1 $0x1, s29  }
0x31: {  	s31 =	smul.u32 @p1 $0xAB, s30;
	_ =	sdelay $0x1  }
0x32: {  	s31 =	sshrl.u32 @p1 s31, $0x9  }
0x33: {  	s31 =	sand.u32 @p1 $0x7F, s31  }
0x34: {  	s31 =	smul.u32 @p1 $0x3, s31;
	_ =	sdelay $0x1  }
0x35: {  	s31 =	ssub.s32 @p1 s30, s31  }
0x36: {  	s31 =	sand.u32 @p1 $0xFF, s31  }
0x37: {  	s0 =	smul.u32 @p1 $0xA000, s31;
	_ =	sdelay $0x1  }
0x38: {  	s2 =	sshll.u32 @p1 s30, $0x7;
	s0 =	sshrl.u32 @p1 s0, $0x2  }
0x39: {  	s2 =	sand.u32 @p1 $0x3FFFFF80, s2;
	s31 =	sadd.s32 @p1 $0x1, s31;
	s0 =	sadd.s32 @p1 $0x2000, s0  }
0x3a: {  	[tilespmem:s0], [sflag:s31] =	stream.indirect.gather @p1 [hbm4b:s1+s21], $0x80, s2, s21, $0xb8;
	[tilespmem:$0x1D400] =	vst v63  }
0x3b: {  	s2 =	smul.u32 $0xAB, s29;
	_ =	sdelay $0x1  }
0x3c: {  	s0 =	sshrl.u32 s2, $0x9  }
0x3d: {  	s0 =	sand.u32 $0x7F, s0  }
0x3e: {  	s0 =	smul.u32 $0x3, s0;
	_ =	sdelay $0x1  }
0x3f: {  	s0 =	ssub.s32 s29, s0  }
0x40: {  	p0 =	slt.u32 s30, $0x19;
	s0 =	sand.u32 $0xFF, s0  }
0x41: {  	s29 =	sshll.u32 s29, $0x7;
	s2 =	sadd.s32 $0x1, s0;
	s31 =	smul.u32 $0xA000, s0  }
.Ltmp0:
0x42: {  	s29 =	sand.u32 $0x3FFFFF80, s29;
	_ =	swait.ge [sflag:s2], $0x2800;
	(pc) =	sbr.rel @p0 .LBB2_2-.Ltmp0, $4  }
0x43: {  	s29 =	sadd.s32 $0x1000, s29;
	[sflag:s2] =	ssyncset.done $0x0;
	s31 =	sshrl.u32 s31, $0x2  }
0x44: {  	s0 =	sadd.s32 $0x4, s0;
	[sflag:s2] =	ssyncadd.s32 $0xFFFFD800;
	s2 =	sadd.s32 $0x2000, s31  }
0x45: {  	[spmem:s3] =	stream.indirect.scatter.add.f32 [tilespmem:s2], [sflag:s0], $0x80, s29, s21, $0xb8;
	[tilespmem:$0x1D400] =	vst v63  }
0x46: {  	s29 =	smov.u32 s30  }
0x47: {  	_ =	swait.ge [sflag:s23], $0x2800  }
0x48: {  	[sflag:s23] =	ssyncset.done $0x0  }
0x49: {  	[sflag:s23] =	ssyncadd.s32 $0xFFFFD800  }
0x4a: {  	_ =	swait.ge [sflag:s25], $0x2800  }
0x4b: {  	[sflag:s25] =	ssyncset.done $0x0  }
0x4c: {  	s29 =	simm.s32 $0x0;
	[sflag:s25] =	ssyncadd.s32 $0xFFFFD800  }
0x4d: {  	[tilespmem:s29], [sflag:$0x7] =	stream.linear.gather [hbm4b:s10+s29], $0xC80, $0x38;
	[tilespmem:$0x1D400] =	vst v63  }
0x4e: {  	_ =	swait.ge [sflag:s19], $0xC80  }
0x4f: {  	[sflag:s19] =	ssyncset.done $0x0  }
0x50: {  	[sflag:s19] =	ssyncadd.s32 $0xFFFFF380  }
0x51: {  	[tilespmem:s20], [sflag:$0x7] =	stream.linear.gather [hbm4b:s11+s29], $0xC80, $0x38;
	[tilespmem:$0x1D400] =	vst v63  }
0x52: {  	_ =	swait.ge [sflag:s19], $0xC80  }
0x53: {  	[sflag:s19] =	ssyncset.done $0x0  }
0x54: {  	[sflag:s19] =	ssyncadd.s32 $0xFFFFF380  }
0x55: {  	[tilespmem:s22], [sflag:$0x1] =	stream.indirect.gather [hbm4b:s1+s21], $0x80, s29, s21, $0xb8;
	[tilespmem:$0x1D400] =	vst v63  }
.LBB2_4:
0x56: {  	p0 =	slt.u32 s29, $0x2  }
0x57: {  	s0 =	sadd.s32 @!p0 $0xFFFFFFFE, s29  }
0x58: {  	s2 =	sand.u32 @!p0 $0xFF, s0  }
0x59: {  	s2 =	smul.u32 @!p0 $0xAB, s2;
	_ =	sdelay $0x1  }
0x5a: {  	s2 =	sshrl.u32 @!p0 s2, $0x9  }
0x5b: {  	s2 =	smul.u32 @!p0 $0x3, s2;
	_ =	sdelay $0x1  }
0x5c: {  	s0 =	ssub.s32 @!p0 s0, s2  }
0x5d: {  	s0 =	sor.u32 @!p0 $0x4, s0  }
0x5e: {  	p1 =	seq.s32 @!p0 s29, $0x18;
	s0 =	sand.u32 @!p0 $0xFF, s0  }
0x5f: {  	s30 =	simm.s32 @!p0 $0x19;
	p1 =	por p0, !p1;
	_ =	swait.ge @!p0 [sflag:s0], $0x2800  }
0x60: {  	s30 =	sadd.s32 @p1 $0x1, s29;
	[sflag:s0] =	ssyncset.done @!p0 $0x0  }
0x61: {  	[sflag:s0] =	ssyncadd.s32 @!p0 $0xFFFFD800;
	s0 =	smul.u32 @p1 $0xAB, s30;
	_ =	sdelay $0x1  }
0x62: {  	s0 =	sshrl.u32 @p1 s0, $0x9  }
0x63: {  	s0 =	sand.u32 @p1 $0x7F, s0  }
0x64: {  	s0 =	smul.u32 @p1 $0x3, s0;
	_ =	sdelay $0x1  }
0x65: {  	s0 =	ssub.s32 @p1 s30, s0  }
0x66: {  	s0 =	sand.u32 @p1 $0xFF, s0  }
0x67: {  	s2 =	smul.u32 @p1 $0xA000, s0;
	_ =	sdelay $0x1  }
0x68: {  	s31 =	sshll.u32 @p1 s30, $0x7;
	s2 =	sshrl.u32 @p1 s2, $0x2  }
0x69: {  	s31 =	sand.u32 @p1 $0x3FFFFF80, s31;
	s0 =	sadd.s32 @p1 $0x1, s0;
	s2 =	sadd.s32 @p1 $0x2000, s2  }
0x6a: {  	[tilespmem:s2], [sflag:s0] =	stream.indirect.gather @p1 [hbm4b:s1+s21], $0x80, s31, s21, $0xb8;
	[tilespmem:$0x1D400] =	vst v63  }
0x6b: {  	s2 =	smul.u32 $0xAB, s29;
	_ =	sdelay $0x1  }
0x6c: {  	s0 =	sshrl.u32 s2, $0x9  }
0x6d: {  	s0 =	sand.u32 $0x7F, s0  }
0x6e: {  	s0 =	smul.u32 $0x3, s0;
	_ =	sdelay $0x1  }
0x6f: {  	s0 =	ssub.s32 s29, s0  }
0x70: {  	p0 =	slt.u32 s30, $0x19;
	s0 =	sand.u32 $0xFF, s0  }
0x71: {  	s29 =	sshll.u32 s29, $0x7;
	s2 =	sadd.s32 $0x1, s0;
	s31 =	smul.u32 $0xA000, s0  }
.Ltmp1:
0x72: {  	s29 =	sand.u32 $0x3FFFFF80, s29;
	_ =	swait.ge [sflag:s2], $0x2800;
	(pc) =	sbr.rel @p0 .LBB2_4-.Ltmp1, $4  }
0x73: {  	s29 =	sadd.s32 $0x1000, s29;
	[sflag:s2] =	ssyncset.done $0x0;
	s31 =	sshrl.u32 s31, $0x2  }
0x74: {  	s0 =	sadd.s32 $0x4, s0;
	[sflag:s2] =	ssyncadd.s32 $0xFFFFD800;
	s2 =	sadd.s32 $0x2000, s31  }
0x75: {  	[spmem:s3] =	stream.indirect.scatter.add.f32 [tilespmem:s2], [sflag:s0], $0x80, s29, s21, $0xb8;
	[tilespmem:$0x1D400] =	vst v63  }
0x76: {  	s29 =	smov.u32 s30  }
0x77: {  	_ =	swait.ge [sflag:s23], $0x2800  }
0x78: {  	[sflag:s23] =	ssyncset.done $0x0  }
0x79: {  	[sflag:s23] =	ssyncadd.s32 $0xFFFFD800  }
0x7a: {  	_ =	swait.ge [sflag:s25], $0x2800  }
0x7b: {  	[sflag:s25] =	ssyncset.done $0x0  }
0x7c: {  	s29 =	simm.s32 $0x0;
	[sflag:s25] =	ssyncadd.s32 $0xFFFFD800  }
0x7d: {  	[tilespmem:s29], [sflag:$0x7] =	stream.linear.gather [hbm4b:s12+s29], $0xC80, $0x38;
	[tilespmem:$0x1D400] =	vst v63  }
0x7e: {  	_ =	swait.ge [sflag:s19], $0xC80  }
0x7f: {  	[sflag:s19] =	ssyncset.done $0x0  }
0x80: {  	[sflag:s19] =	ssyncadd.s32 $0xFFFFF380  }
0x81: {  	[tilespmem:s20], [sflag:$0x7] =	stream.linear.gather [hbm4b:s13+s29], $0xC80, $0x38;
	[tilespmem:$0x1D400] =	vst v63  }
0x82: {  	_ =	swait.ge [sflag:s19], $0xC80  }
0x83: {  	[sflag:s19] =	ssyncset.done $0x0  }
0x84: {  	[sflag:s19] =	ssyncadd.s32 $0xFFFFF380  }
0x85: {  	[tilespmem:s22], [sflag:$0x1] =	stream.indirect.gather [hbm4b:s1+s21], $0x80, s29, s21, $0xb8;
	[tilespmem:$0x1D400] =	vst v63  }
.LBB2_6:
0x86: {  	p0 =	slt.u32 s29, $0x2  }
0x87: {  	s0 =	sadd.s32 @!p0 $0xFFFFFFFE, s29  }
0x88: {  	s2 =	sand.u32 @!p0 $0xFF, s0  }
0x89: {  	s2 =	smul.u32 @!p0 $0xAB, s2;
	_ =	sdelay $0x1  }
0x8a: {  	s2 =	sshrl.u32 @!p0 s2, $0x9  }
0x8b: {  	s2 =	smul.u32 @!p0 $0x3, s2;
	_ =	sdelay $0x1  }
0x8c: {  	s0 =	ssub.s32 @!p0 s0, s2  }
0x8d: {  	s0 =	sor.u32 @!p0 $0x4, s0  }
0x8e: {  	p1 =	seq.s32 @!p0 s29, $0x18;
	s0 =	sand.u32 @!p0 $0xFF, s0  }
0x8f: {  	s30 =	simm.s32 @!p0 $0x19;
	p1 =	por p0, !p1;
	_ =	swait.ge @!p0 [sflag:s0], $0x2800  }
0x90: {  	s30 =	sadd.s32 @p1 $0x1, s29;
	[sflag:s0] =	ssyncset.done @!p0 $0x0  }
0x91: {  	[sflag:s0] =	ssyncadd.s32 @!p0 $0xFFFFD800;
	s0 =	smul.u32 @p1 $0xAB, s30;
	_ =	sdelay $0x1  }
0x92: {  	s0 =	sshrl.u32 @p1 s0, $0x9  }
0x93: {  	s0 =	sand.u32 @p1 $0x7F, s0  }
0x94: {  	s0 =	smul.u32 @p1 $0x3, s0;
	_ =	sdelay $0x1  }
0x95: {  	s0 =	ssub.s32 @p1 s30, s0  }
0x96: {  	s0 =	sand.u32 @p1 $0xFF, s0  }
0x97: {  	s2 =	smul.u32 @p1 $0xA000, s0;
	_ =	sdelay $0x1  }
0x98: {  	s31 =	sshll.u32 @p1 s30, $0x7;
	s2 =	sshrl.u32 @p1 s2, $0x2  }
0x99: {  	s31 =	sand.u32 @p1 $0x3FFFFF80, s31;
	s0 =	sadd.s32 @p1 $0x1, s0;
	s2 =	sadd.s32 @p1 $0x2000, s2  }
0x9a: {  	[tilespmem:s2], [sflag:s0] =	stream.indirect.gather @p1 [hbm4b:s1+s21], $0x80, s31, s21, $0xb8;
	[tilespmem:$0x1D400] =	vst v63  }
0x9b: {  	s2 =	smul.u32 $0xAB, s29;
	_ =	sdelay $0x1  }
0x9c: {  	s0 =	sshrl.u32 s2, $0x9  }
0x9d: {  	s0 =	sand.u32 $0x7F, s0  }
0x9e: {  	s0 =	smul.u32 $0x3, s0;
	_ =	sdelay $0x1  }
0x9f: {  	s0 =	ssub.s32 s29, s0  }
0xa0: {  	p0 =	slt.u32 s30, $0x19;
	s0 =	sand.u32 $0xFF, s0  }
0xa1: {  	s29 =	sshll.u32 s29, $0x7;
	s2 =	sadd.s32 $0x1, s0;
	s31 =	smul.u32 $0xA000, s0  }
.Ltmp2:
0xa2: {  	s29 =	sand.u32 $0x3FFFFF80, s29;
	_ =	swait.ge [sflag:s2], $0x2800;
	(pc) =	sbr.rel @p0 .LBB2_6-.Ltmp2, $4  }
0xa3: {  	s29 =	sadd.s32 $0x1000, s29;
	[sflag:s2] =	ssyncset.done $0x0;
	s31 =	sshrl.u32 s31, $0x2  }
0xa4: {  	s0 =	sadd.s32 $0x4, s0;
	[sflag:s2] =	ssyncadd.s32 $0xFFFFD800;
	s2 =	sadd.s32 $0x2000, s31  }
0xa5: {  	[spmem:s3] =	stream.indirect.scatter.add.f32 [tilespmem:s2], [sflag:s0], $0x80, s29, s21, $0xb8;
	[tilespmem:$0x1D400] =	vst v63  }
0xa6: {  	s29 =	smov.u32 s30  }
0xa7: {  	_ =	swait.ge [sflag:s23], $0x2800  }
0xa8: {  	[sflag:s23] =	ssyncset.done $0x0  }
0xa9: {  	[sflag:s23] =	ssyncadd.s32 $0xFFFFD800  }
0xaa: {  	_ =	swait.ge [sflag:s25], $0x2800  }
0xab: {  	[sflag:s25] =	ssyncset.done $0x0  }
0xac: {  	s29 =	simm.s32 $0x0;
	[sflag:s25] =	ssyncadd.s32 $0xFFFFD800  }
0xad: {  	[tilespmem:s29], [sflag:$0x7] =	stream.linear.gather [hbm4b:s14+s29], $0xC80, $0x38;
	[tilespmem:$0x1D400] =	vst v63  }
0xae: {  	_ =	swait.ge [sflag:s19], $0xC80  }
0xaf: {  	[sflag:s19] =	ssyncset.done $0x0  }
0xb0: {  	[sflag:s19] =	ssyncadd.s32 $0xFFFFF380  }
0xb1: {  	[tilespmem:s20], [sflag:$0x7] =	stream.linear.gather [hbm4b:s15+s29], $0xC80, $0x38;
	[tilespmem:$0x1D400] =	vst v63  }
0xb2: {  	_ =	swait.ge [sflag:s19], $0xC80  }
0xb3: {  	[sflag:s19] =	ssyncset.done $0x0  }
0xb4: {  	[sflag:s19] =	ssyncadd.s32 $0xFFFFF380  }
0xb5: {  	[tilespmem:s22], [sflag:$0x1] =	stream.indirect.gather [hbm4b:s1+s21], $0x80, s29, s21, $0xb8;
	[tilespmem:$0x1D400] =	vst v63  }
.LBB2_8:
0xb6: {  	p0 =	slt.u32 s29, $0x2  }
0xb7: {  	s0 =	sadd.s32 @!p0 $0xFFFFFFFE, s29  }
0xb8: {  	s2 =	sand.u32 @!p0 $0xFF, s0  }
0xb9: {  	s2 =	smul.u32 @!p0 $0xAB, s2;
	_ =	sdelay $0x1  }
0xba: {  	s2 =	sshrl.u32 @!p0 s2, $0x9  }
0xbb: {  	s2 =	smul.u32 @!p0 $0x3, s2;
	_ =	sdelay $0x1  }
0xbc: {  	s0 =	ssub.s32 @!p0 s0, s2  }
0xbd: {  	s0 =	sor.u32 @!p0 $0x4, s0  }
0xbe: {  	p1 =	seq.s32 @!p0 s29, $0x18;
	s0 =	sand.u32 @!p0 $0xFF, s0  }
0xbf: {  	s30 =	simm.s32 @!p0 $0x19;
	p1 =	por p0, !p1;
	_ =	swait.ge @!p0 [sflag:s0], $0x2800  }
0xc0: {  	s30 =	sadd.s32 @p1 $0x1, s29;
	[sflag:s0] =	ssyncset.done @!p0 $0x0  }
0xc1: {  	[sflag:s0] =	ssyncadd.s32 @!p0 $0xFFFFD800;
	s0 =	smul.u32 @p1 $0xAB, s30;
	_ =	sdelay $0x1  }
0xc2: {  	s0 =	sshrl.u32 @p1 s0, $0x9  }
0xc3: {  	s0 =	sand.u32 @p1 $0x7F, s0  }
0xc4: {  	s0 =	smul.u32 @p1 $0x3, s0;
	_ =	sdelay $0x1  }
0xc5: {  	s0 =	ssub.s32 @p1 s30, s0  }
0xc6: {  	s0 =	sand.u32 @p1 $0xFF, s0  }
0xc7: {  	s2 =	smul.u32 @p1 $0xA000, s0;
	_ =	sdelay $0x1  }
0xc8: {  	s31 =	sshll.u32 @p1 s30, $0x7;
	s2 =	sshrl.u32 @p1 s2, $0x2  }
0xc9: {  	s31 =	sand.u32 @p1 $0x3FFFFF80, s31;
	s0 =	sadd.s32 @p1 $0x1, s0;
	s2 =	sadd.s32 @p1 $0x2000, s2  }
0xca: {  	[tilespmem:s2], [sflag:s0] =	stream.indirect.gather @p1 [hbm4b:s1+s21], $0x80, s31, s21, $0xb8;
	[tilespmem:$0x1D400] =	vst v63  }
0xcb: {  	s2 =	smul.u32 $0xAB, s29;
	_ =	sdelay $0x1  }
0xcc: {  	s0 =	sshrl.u32 s2, $0x9  }
0xcd: {  	s0 =	sand.u32 $0x7F, s0  }
0xce: {  	s0 =	smul.u32 $0x3, s0;
	_ =	sdelay $0x1  }
0xcf: {  	s0 =	ssub.s32 s29, s0  }
0xd0: {  	p0 =	slt.u32 s30, $0x19;
	s0 =	sand.u32 $0xFF, s0  }
0xd1: {  	s29 =	sshll.u32 s29, $0x7;
	s2 =	sadd.s32 $0x1, s0;
	s31 =	smul.u32 $0xA000, s0  }
.Ltmp3:
0xd2: {  	s29 =	sand.u32 $0x3FFFFF80, s29;
	_ =	swait.ge [sflag:s2], $0x2800;
	(pc) =	sbr.rel @p0 .LBB2_8-.Ltmp3, $4  }
0xd3: {  	s29 =	sadd.s32 $0x1000, s29;
	[sflag:s2] =	ssyncset.done $0x0;
	s31 =	sshrl.u32 s31, $0x2  }
0xd4: {  	s0 =	sadd.s32 $0x4, s0;
	[sflag:s2] =	ssyncadd.s32 $0xFFFFD800;
	s2 =	sadd.s32 $0x2000, s31  }
0xd5: {  	[spmem:s3] =	stream.indirect.scatter.add.f32 [tilespmem:s2], [sflag:s0], $0x80, s29, s21, $0xb8;
	[tilespmem:$0x1D400] =	vst v63  }
0xd6: {  	s29 =	smov.u32 s30  }
0xd7: {  	_ =	swait.ge [sflag:s23], $0x2800  }
0xd8: {  	[sflag:s23] =	ssyncset.done $0x0  }
0xd9: {  	[sflag:s23] =	ssyncadd.s32 $0xFFFFD800  }
0xda: {  	_ =	swait.ge [sflag:s25], $0x2800  }
0xdb: {  	[sflag:s25] =	ssyncset.done $0x0  }
0xdc: {  	s29 =	simm.s32 $0x0;
	[sflag:s25] =	ssyncadd.s32 $0xFFFFD800  }
0xdd: {  	[tilespmem:s29], [sflag:$0x7] =	stream.linear.gather [hbm4b:s16+s29], $0xC80, $0x38;
	[tilespmem:$0x1D400] =	vst v63  }
0xde: {  	_ =	swait.ge [sflag:s19], $0xC80  }
0xdf: {  	[sflag:s19] =	ssyncset.done $0x0  }
0xe0: {  	[sflag:s19] =	ssyncadd.s32 $0xFFFFF380  }
0xe1: {  	[tilespmem:s20], [sflag:$0x7] =	stream.linear.gather [hbm4b:s17+s29], $0xC80, $0x38;
	[tilespmem:$0x1D400] =	vst v63  }
0xe2: {  	_ =	swait.ge [sflag:s19], $0xC80  }
0xe3: {  	[sflag:s19] =	ssyncset.done $0x0  }
0xe4: {  	[sflag:s19] =	ssyncadd.s32 $0xFFFFF380  }
0xe5: {  	[tilespmem:s22], [sflag:$0x1] =	stream.indirect.gather [hbm4b:s1+s21], $0x80, s29, s21, $0xb8;
	[tilespmem:$0x1D400] =	vst v63  }
.LBB2_10:
0xe6: {  	p0 =	slt.u32 s29, $0x2  }
0xe7: {  	s0 =	sadd.s32 @!p0 $0xFFFFFFFE, s29  }
0xe8: {  	s2 =	sand.u32 @!p0 $0xFF, s0  }
0xe9: {  	s2 =	smul.u32 @!p0 $0xAB, s2;
	_ =	sdelay $0x1  }
0xea: {  	s2 =	sshrl.u32 @!p0 s2, $0x9  }
0xeb: {  	s2 =	smul.u32 @!p0 $0x3, s2;
	_ =	sdelay $0x1  }
0xec: {  	s0 =	ssub.s32 @!p0 s0, s2  }
0xed: {  	s0 =	sor.u32 @!p0 $0x4, s0  }
0xee: {  	p1 =	seq.s32 @!p0 s29, $0x18;
	s0 =	sand.u32 @!p0 $0xFF, s0  }
0xef: {  	s30 =	simm.s32 @!p0 $0x19;
	p1 =	por p0, !p1;
	_ =	swait.ge @!p0 [sflag:s0], $0x2800  }
0xf0: {  	s30 =	sadd.s32 @p1 $0x1, s29;
	[sflag:s0] =	ssyncset.done @!p0 $0x0  }
0xf1: {  	[sflag:s0] =	ssyncadd.s32 @!p0 $0xFFFFD800;
	s0 =	smul.u32 @p1 $0xAB, s30;
	_ =	sdelay $0x1  }
0xf2: {  	s0 =	sshrl.u32 @p1 s0, $0x9  }
0xf3: {  	s0 =	sand.u32 @p1 $0x7F, s0  }
0xf4: {  	s0 =	smul.u32 @p1 $0x3, s0;
	_ =	sdelay $0x1  }
0xf5: {  	s0 =	ssub.s32 @p1 s30, s0  }
0xf6: {  	s0 =	sand.u32 @p1 $0xFF, s0  }
0xf7: {  	s2 =	smul.u32 @p1 $0xA000, s0;
	_ =	sdelay $0x1  }
0xf8: {  	s31 =	sshll.u32 @p1 s30, $0x7;
	s2 =	sshrl.u32 @p1 s2, $0x2  }
0xf9: {  	s31 =	sand.u32 @p1 $0x3FFFFF80, s31;
	s0 =	sadd.s32 @p1 $0x1, s0;
	s2 =	sadd.s32 @p1 $0x2000, s2  }
0xfa: {  	[tilespmem:s2], [sflag:s0] =	stream.indirect.gather @p1 [hbm4b:s1+s21], $0x80, s31, s21, $0xb8;
	[tilespmem:$0x1D400] =	vst v63  }
0xfb: {  	s2 =	smul.u32 $0xAB, s29;
	_ =	sdelay $0x1  }
0xfc: {  	s0 =	sshrl.u32 s2, $0x9  }
0xfd: {  	s0 =	sand.u32 $0x7F, s0  }
0xfe: {  	s0 =	smul.u32 $0x3, s0;
	_ =	sdelay $0x1  }
0xff: {  	s0 =	ssub.s32 s29, s0  }
0x100: {  	p0 =	slt.u32 s30, $0x19;
	s0 =	sand.u32 $0xFF, s0  }
0x101: {  	s29 =	sshll.u32 s29, $0x7;
	s2 =	sadd.s32 $0x1, s0;
	s31 =	smul.u32 $0xA000, s0  }
.Ltmp4:
0x102: {  	s29 =	sand.u32 $0x3FFFFF80, s29;
	_ =	swait.ge [sflag:s2], $0x2800;
	(pc) =	sbr.rel @p0 .LBB2_10-.Ltmp4, $4  }
0x103: {  	s29 =	sadd.s32 $0x1000, s29;
	[sflag:s2] =	ssyncset.done $0x0;
	s31 =	sshrl.u32 s31, $0x2  }
0x104: {  	s0 =	sadd.s32 $0x4, s0;
	[sflag:s2] =	ssyncadd.s32 $0xFFFFD800;
	s2 =	sadd.s32 $0x2000, s31  }
0x105: {  	[spmem:s3] =	stream.indirect.scatter.add.f32 [tilespmem:s2], [sflag:s0], $0x80, s29, s21, $0xb8;
	[tilespmem:$0x1D400] =	vst v63  }
0x106: {  	s29 =	smov.u32 s30  }
0x107: {  	_ =	swait.ge [sflag:s23], $0x2800  }
0x108: {  	[sflag:s23] =	ssyncset.done $0x0  }
0x109: {  	[sflag:s23] =	ssyncadd.s32 $0xFFFFD800  }
0x10a: {  	_ =	swait.ge [sflag:s25], $0x2800  }
0x10b: {  	s26 =	sadd.s32 $0x1, s26;
	[sflag:s25] =	ssyncset.done $0x0  }
0x10c: {  	p0 =	sne.s32 s26, s18;
	[sflag:s25] =	ssyncadd.s32 $0xFFFFD800  }
.Ltmp5:
0x10d: {  	[bflag:$0x0] =	sbarrier.arrive $0xFFFF;
	(pc) =	sbr.rel @p0 .LBB2_1-.Ltmp5, $4  }
0x10e: {  	[hbm:s24], [sflag:s7] =	dma.local [spmem:s28], $0x2780  }
0x10f: {  	_ =	swait.ge [sflag:s19], $0x2780  }
0x110: {  	[sflag:s19] =	ssyncset.done $0x0  }
0x111: {  	[sflag:s19] =	ssyncadd.s32 $0xFFFFD880  }
0x112: {  	_ =	sfence.sel $0x180000  }
0x113: {  	[bflag:$0x0] =	sbarrier.arrive $0xFFFF  }
0x114: {  	_ =	strace $0x90000047  }
0x115: {  	s0 =	stileid.u32;
	[bflag:$0x2] =	sbarrier.arrive $0xFFFF  }
0x116: {  	p0 =	sne.s32 s0, $0x0;
	s0 =	rddreg [dreg:$0x4]  }
0x117: {  	s0 =	sadd.s32 @!p0 $0x100000, s0  }
0x118: {  	[sflag:s0] =	ssyncadd.tile.s32 @!p0 $0x1;
	_ =	shalt  }
.Lfunc_end2:
_tile_overlayer_lowered:
.L_overlay_start_2:
0x119: {  	(tag) =	ssettag $0x2  }
0x11a: {  	s0 =	rddreg [dreg:$0x0];
	s2 =	stileid.u32  }
0x11b: {  	s1 =	rddreg [dreg:$0x1];
	p0 =	sne.s32 s2, $0x0  }
0x11c: {  	s3 =	rddreg [dreg:$0x2];
	[bflag:$0x3] =	sbarrier.arrive $0xFFFF;
	s2 =	simm.s32 @!p0 $0x1C07  }
0x11d: {  	[timem:s3], [sflag:s2] =	dma.local @!p0 [hbm:s0], s1  }
0x11e: {  	s0 =	simm.s32 @!p0 $0x7  }
0x11f: {  	_ =	swait.ge @!p0 [sflag:s0], s1  }
0x120: {  	s1 =	ssub.s32 @!p0 $0x0, s1;
	[sflag:s0] =	ssyncset.done @!p0 $0x0  }
0x121: {  	[sflag:s0] =	ssyncadd.s32 @!p0 s1  }
0x122: {  	[bflag:$0x3] =	sbarrier.arrive $0xFFFF  }
0x123: {  	_ =	shalt  }

// kernel: kernel.8.cloned.1.call-start
scs
__scs_entry_jumppad:
0x0: {  	(pc) =	sbr.rel $0x88, $3  }
0x1: {  	(tag) =	ssettag $0x0;
	lr =	simm.s32 $0x1  }
0x2: {  	[smem:$0x3F9F] =	sst lr;
	_ =	strace $0xD0000000  }
0x3: {  	_ = 	snop  }
0x4: {  	_ = 	snop  }
0x5: {  	_ = 	snop  }
0x6: {  	_ = 	snop  }
0x7: {  	_ = 	snop  }
__scs_overlays_trampoline_lowered:
0x8: {  	[smem:$0x3FAE] =	sst s0  }
0x9: {  	[smem:$0x3FAF] =	sst s1  }
0xa: {  	[smem:$0x3FB0] =	sst s2  }
0xb: {  	[smem:$0x3FB1] =	sst s3  }
0xc: {  	[smem:$0x3FB2] =	sst s4  }
0xd: {  	[smem:$0x3FB3] =	sst s5  }
0xe: {  	[smem:$0x3FB4] =	sst s6  }
0xf: {  	[smem:$0x3FB5] =	sst s7  }
0x10: {  	[smem:$0x3FB6] =	sst s8  }
0x11: {  	[smem:$0x3FB7] =	sst s9;
	s0 =	simm.s32 @!p0 $0x0  }
0x12: {  	s1 =	sld [smem:$0x3F9D];
	s0 =	simm.s32 @p0 $0x1  }
0x13: {  	[smem:$0x3FB8] =	sst s0;
	s0 =	simm.s32 @!p1 $0x0  }
0x14: {  	s2 =	sld [smem:$0x3F9C];
	s0 =	simm.s32 @p1 $0x1  }
0x15: {  	[smem:$0x3FB9] =	sst s0;
	s0 =	simm.s32 @!p2 $0x0  }
0x16: {  	s3 =	sld [smem:$0x3FDB];
	s0 =	simm.s32 @p2 $0x1  }
0x17: {  	s4 =	simm.s32 $0x1BF5;
	[smem:$0x3FBB] =	sst s0  }
0x18: {  	s0 =	sld [smem:$0x3F9E];
	_ =	swait.ge [sflag:s4], $0x0  }
0x19: {  	s7 =	sld [smem:$0x3F9F]  }
0x1a: {  	s8 =	sadd.s32 $0xFFFFE003, lr  }
0x1b: {  	s9 =	sadd.s32 $0xFFFFFEF7, lr;
	s5 =	simm.s32 $0xFFFFFFFF;
	p2 =	slt.u32 s8, $0xFFFFF086  }
0x1c: {  	p1 =	slt.u32 s9, $0xF7A;
	s5 =	simm.s32 @!p2 $0x0  }
0x1d: {  	s5 =	simm.s32 @p1 $0x1;
	p0 =	seq.s32 s7, s2  }
0x1e: {  	s7 =	smul.u32 @!p0 $0xF7A, s2;
	p2 =	seq.s32 @!p0 s5, $0x0  }
0x1f: {  	s9 =	smul.u32 $0xF7A, s1;
	s8 =	simm.s32 @!p0 $0x1BF5;
	p2 =	por !p2, p0  }
0x20: {  	[sflag:s8] =	ssyncset.s32 @!p0 $0xFFFFF086;
	s6 =	sadd.s32 @!p0 s3, s7;
	s7 =	simm.s32 @!p0 $0x108  }
0x21: {  	s3 =	sadd.s32 s3, s9;
	s6 =	sadd.s32 @!p0 $0x88, s6;
	s7 =	simm.s32 @p2 $0x1082  }
0x22: {  	[simem:s7], [sflag:s8] =	dma.local @!p0 [hbm:s6], $0xF7A  }
0x23: {  	s9 =	sor.u32 $0xD0000000, s2;
	s6 =	simm.s32 $0x108;
	_ =	swait.ge @!p0 [sflag:s8], $0x0  }
0x24: {  	s3 =	sadd.s32 $0x88, s3;
	s6 =	simm.s32 @!p1 $0x1082;
	[sflag:s4] =	ssyncset.s32 $0xFFFFF086  }
0x25: {  	[simem:s6], [sflag:s4] =	dma.local [hbm:s3], $0xF7A  }
0x26: {  	[smem:$0x3F9F] =	sst s1;
	(tag) =	ssettag s2;
	_ =	strace s9  }
0x27: {  	s1 =	sld [smem:$0x3FAF]  }
0x28: {  	s2 =	sld [smem:$0x3FB0]  }
0x29: {  	s4 =	sld [smem:$0x3FB2]  }
0x2a: {  	p0 =	seq.s32 s5, $0x0;
	s5 =	sld [smem:$0x3FB3]  }
0x2b: {  	s6 =	sld [smem:$0x3FB4]  }
0x2c: {  	s7 =	sld [smem:$0x3FB5]  }
0x2d: {  	s3 =	simm.s32 $0x108;
	s8 =	sld [smem:$0x3FB6]  }
0x2e: {  	s3 =	simm.s32 @!p0 $0x1082;
	s9 =	sld [smem:$0x3FB7]  }
0x2f: {  	lr =	sadd.s32 s0, s3;
	s0 =	sld [smem:$0x3FAE]  }
0x30: {  	s3 =	sld [smem:$0x3FB1]  }
0x31: {  	[smem:$0x3FBA] =	sst s10  }
0x32: {  	s10 =	sld [smem:$0x3FB8];
	_ =	sdelay $0x3  }
0x33: {  	p0 =	seq.s32 s10, $0x1;
	s10 =	sld [smem:$0x3FBA];
	_ =	sdelay $0x3  }
0x34: {  	[smem:$0x3FBA] =	sst s10  }
0x35: {  	s10 =	sld [smem:$0x3FB9];
	_ =	sdelay $0x3  }
0x36: {  	p1 =	seq.s32 s10, $0x1;
	s10 =	sld [smem:$0x3FBA];
	_ =	sdelay $0x3  }
0x37: {  	[smem:$0x3FBA] =	sst s10  }
0x38: {  	s10 =	sld [smem:$0x3FBB]  }
0x39: {  	_ = 	snop;
	(pc) =	sbr.ind lr, $3  }
0x3a: {  	_ = 	snop  }
0x3b: {  	_ = 	snop  }
0x3c: {  	p2 =	seq.s32 s10, $0x1;
	s10 =	sld [smem:$0x3FBA]  }
0x3d: {  	_ =	shalt  }
0x3e: {  	_ =	shalt  }
0x3f: {  	_ =	shalt  }
0x40: {  	_ =	shalt  }
0x41: {  	_ =	shalt  }
0x42: {  	_ =	shalt  }
0x43: {  	_ =	shalt  }
0x44: {  	_ =	shalt  }
0x45: {  	_ =	shalt  }
0x46: {  	_ =	shalt  }
0x47: {  	_ =	shalt  }
0x48: {  	_ =	shalt  }
0x49: {  	_ =	shalt  }
0x4a: {  	_ =	shalt  }
0x4b: {  	_ =	shalt  }
0x4c: {  	_ =	shalt  }
0x4d: {  	_ =	shalt  }
0x4e: {  	_ =	shalt  }
0x4f: {  	_ =	shalt  }
0x50: {  	_ =	shalt  }
0x51: {  	_ =	shalt  }
0x52: {  	_ =	shalt  }
0x53: {  	_ =	shalt  }
0x54: {  	_ =	shalt  }
0x55: {  	_ =	shalt  }
0x56: {  	_ =	shalt  }
0x57: {  	_ =	shalt  }
0x58: {  	_ =	shalt  }
0x59: {  	_ =	shalt  }
0x5a: {  	_ =	shalt  }
0x5b: {  	_ =	shalt  }
0x5c: {  	_ =	shalt  }
0x5d: {  	_ =	shalt  }
0x5e: {  	_ =	shalt  }
0x5f: {  	_ =	shalt  }
0x60: {  	_ =	shalt  }
0x61: {  	_ =	shalt  }
0x62: {  	_ =	shalt  }
0x63: {  	_ =	shalt  }
0x64: {  	_ =	shalt  }
0x65: {  	_ =	shalt  }
0x66: {  	_ =	shalt  }
0x67: {  	_ =	shalt  }
0x68: {  	_ =	shalt  }
0x69: {  	_ =	shalt  }
0x6a: {  	_ =	shalt  }
0x6b: {  	_ =	shalt  }
0x6c: {  	_ =	shalt  }
0x6d: {  	_ =	shalt  }
0x6e: {  	_ =	shalt  }
0x6f: {  	_ =	shalt  }
0x70: {  	_ =	shalt  }
0x71: {  	_ =	shalt  }
0x72: {  	_ =	shalt  }
0x73: {  	_ =	shalt  }
0x74: {  	_ =	shalt  }
0x75: {  	_ =	shalt  }
0x76: {  	_ =	shalt  }
0x77: {  	_ =	shalt  }
0x78: {  	_ =	shalt  }
0x79: {  	_ =	shalt  }
0x7a: {  	_ =	shalt  }
0x7b: {  	_ =	shalt  }
0x7c: {  	_ =	shalt  }
0x7d: {  	_ =	shalt  }
0x7e: {  	_ =	shalt  }
0x7f: {  	_ =	shalt  }
0x80: {  	_ =	shalt  }
0x81: {  	_ =	shalt  }
0x82: {  	_ =	shalt  }
0x83: {  	_ =	shalt  }
0x84: {  	_ =	shalt  }
0x85: {  	_ =	shalt  }
0x86: {  	_ =	shalt  }
0x87: {  	_ =	shalt  }
.Lfunc_end0:
.L_simem_size_0:
called_computation.1_lowered:
.L_overlay_start_0:
0x88: {  	s2 =	sld [smem:$0x3FD9]  }
0x89: {  	s3 =	sld [smem:$0x3FFE];
	_ =	sdelay $0x1  }
0x8a: {  	s1 =	srdreg.scid  }
0x8b: {  	s0 =	sand.u32 $0x1, s1  }
0x8c: {  	s17 =	sshll.u32 s0, $0xA;
	s2 =	sadd.s32 s3, s2  }
0x8d: {  	s2 =	sadd.s32 s2, s17  }
0x8e: {  	[smem:$0x3FC6] =	sst s2  }
0x8f: {  	_ = 	snop  }
0x90: {  	(tm) =	ssettm $0x1  }
0x91: {  	s18 =	sld [smem:$0x3FFB];
	_ =	sdelay $0x3  }
0x92: {  	_ =	strace s18  }
0x93: {  	s2 =	sld [smem:$0x3FFC];
	_ =	sdelay $0x3  }
0x94: {  	_ =	strace s2  }
0x95: {  	s2 =	sld [smem:$0x3FFD];
	_ =	sdelay $0x3  }
0x96: {  	_ =	strace s2  }
0x97: {  	_ =	strace $0x8FFFFFFF  }
0x98: {  	s19 =	sld [smem:$0x3FDB];
	_ =	sdelay $0x1  }
0x99: {  	s20 =	simm.s32 $_scs_section_size  }
0x9a: {  	s4 =	simm.s32 $_size__tile_overlayer_lowered;
	s5 =	simm.s32 $_tile_overlayer_lowered  }
0x9b: {  	s6 =	simm.s32 $0x1BFF;
	s21 =	sshll.u32 s5, $0x1;
	s3 =	sadd.s32 s20, s19  }
0x9c: {  	s22 =	simm.s32 $0x0;
	s4 =	sshll.u32 s4, $0x1;
	s5 =	sadd.s32 s21, s3  }
0x9d: {  	[timem:s22], [sflag:s6] =	dma.local [hbm:s5], s4  }
0x9e: {  	_ =	swait.ge [sflag:s6], s4  }
0x9f: {  	s4 =	ssub.s32 $0x0, s4;
	[sflag:s6] =	ssyncset.done $0x0  }
0xa0: {  	[sflag:s6] =	ssyncadd.s32 s4;
	_ =	sdelay $0x1  }
0xa1: {  	s23 =	simm.s32 $0x1B8B  }
0xa2: {  	_ =	swait.ge [sflag:s23], $0x1  }
0xa3: {  	[sflag:s23] =	ssyncset.done $0x0  }
0xa4: {  	[sflag:s23] =	ssyncadd.s32 $0xFFFFFFFF  }
0xa5: {  	s4 =	sld [smem:$0x0]  }
0xa6: {  	s5 =	sand.u32 $0xFFFFFFFE, s1  }
0xa7: {  	p0 =	sne.s32 s1, s5  }
0xa8: {  	s5 =	sshll.u32 @p0 s5, $0xE  }
0xa9: {  	s5 =	sadd.s32 @p0 $0x11B8D, s5;
	s6 =	sshll.u32 @p0 s4, $0x11  }
0xaa: {  	s5 =	sor.u32 @p0 s6, s5  }
0xab: {  	[sflag:s5] =	ssyncadd.remote.s32 @p0 $0x1;
	_ =	sdelay $0x1  }
0xac: {  	s5 =	simm.s32 @p0 $0x1B8D  }
0xad: {  	_ =	swait.eq @p0 [sflag:s5], $0x1  }
0xae: {  	[sflag:s5] =	ssyncadd.s32 @p0 $0xFFFFFFFF  }
0xaf: {  	s6 =	sshll.u32 @!p0 s1, $0xE  }
0xb0: {  	s6 =	sor.u32 @!p0 $0x4000, s6;
	s5 =	simm.s32 @!p0 $0x1B8D  }
0xb1: {  	s4 =	sshll.u32 @!p0 s4, $0x11;
	s6 =	sadd.s32 @!p0 $0x11B8D, s6;
	_ =	swait.eq @!p0 [sflag:s5], $0x1  }
0xb2: {  	s4 =	sor.u32 @!p0 s4, s6;
	[sflag:s5] =	ssyncadd.s32 @!p0 $0xFFFFFFFF  }
0xb3: {  	s25 =	simm.s32 $0x1B8E;
	s24 =	sld [smem:$0x3FFE];
	[sflag:s4] =	ssyncadd.remote.s32 @!p0 $0x1  }
0xb4: {  	s26 =	simm.s32 $execute0_lowered;
	[smem:$0x3FD2] =	sst s25  }
0xb5: {  	s5 =	sshll.u32 s26, $0x1;
	_ =	strace $0x80000049;
	[dreg:$0x1] =	wrdreg $0xFFFFFFFF  }
0xb6: {  	s28 =	simm.s32 $_size_execute0_lowered;
	s3 =	sadd.s32 s3, s5;
	[dreg:$0x0] =	wrdreg $0x0  }
0xb7: {  	s5 =	sshll.u32 s28, $0x1;
	[dreg:$0x2] =	wrdreg s3  }
0xb8: {  	[dreg:$0x3] =	wrdreg s5  }
0xb9: {  	[dreg:$0x4] =	wrdreg $0xC0  }
0xba: {  	_ =	task [dreg:s22], $0x5FFFF  }
0xbb: {  	[dreg:$0x1] =	wrdreg $0xFFFFFFFF  }
0xbc: {  	[dreg:$0x0] =	wrdreg $0x60  }
0xbd: {  	[dreg:$0x2] =	wrdreg s24  }
0xbe: {  	[dreg:$0x3] =	wrdreg $0xA  }
0xbf: {  	_ =	task.clear_ibuf [dreg:s22], $0x4FFFF;
	_ =	strace $0x90000049  }
0xc0: {  	s29 =	simm.s32 $0xA;
	_ =	strace $0x8000004B  }
0xc1: {  	_ =	swait.ge [sflag:s29], $0x1  }
0xc2: {  	[sflag:s29] =	ssyncadd.s32 $0xFFFFFFFF  }
0xc3: {  	_ =	strace $0x9000004B  }
0xc4: {  	_ =	sfence  }
0xc5: {  	s30 =	sld [smem:$0x0];
	_ =	sdelay $0x2  }
0xc6: {  	s31 =	sshll.u32 s1, $0xD;
	s1 =	sshrl.u32 s1, $0x2  }
0xc7: {  	s4 =	sand.u32 $0x4000, s31;
	s1 =	sadd.s32 s1, s30  }
0xc8: {  	s0 =	sor.u32 s4, s0;
	s1 =	sshll.u32 s1, $0x11  }
0xc9: {  	s0 =	sor.u32 s1, s0  }
0xca: {  	s0 =	sadd.s32 $0x8F2B, s0  }
0xcb: {  	[sflag:s0] =	ssyncadd.remote.s32 $0x1  }
0xcc: {  	_ =	sfence.sel $0xFFFF  }
0xcd: {  	[dreg:$0x0] =	wrdreg $0xFFFFFFFF;
	(pc) =	sbr.abs _section_cstart, $3  }
0xce: {  	[dreg:$0x1] =	wrdreg $0xFFFFFFFF  }
0xcf: {  	_ =	task.clear_ibuf [dreg:s22], $0x2FFFF;
	_ =	strace $0x9FFFFFFF  }
0xd0: {  	(tm) =	ssettm $0x7FFFFFFF  }
0xd1: {  	_ =	shalt  }
tec
execute0_lowered:
.L_overlay_start_1:
0x0: {  	(tag) =	ssettag $0x1  }
0x1: {  	s1 =	srdreg.scid;
	s0 =	stileid.u32  }
0x2: {  	s4 =	sand.u32 $0x1, s1;
	s2 =	sshll.u32 s0, $0x1  }
0x3: {  	s3 =	rddreg [dreg:$0x0];
	s5 =	sor.u32 s4, s2  }
0x4: {  	s7 =	simm.s32 $0x2780;
	s8 =	simm.s32 $0x0;
	s5 =	smul.u32 $0x4F0, s5  }
0x5: {  	s1 =	rddreg [dreg:$0x1];
	s2 =	simm.s32 $0x0;
	s4 =	ssub.s32 $0x2, s4  }
0x6: {  	[smem:$0x7FF] =	sst s2;
	s6 =	sshrl.u32 s4, $0x1;
	s5 =	sadd.s32 s5, s3  }
0x7: {  	_ =	strace $0x8000004A;
	s6 =	ssub.s32 s4, s6;
	s3 =	sadd.s32 $0x8AC00, s5  }
0x8: {  	v0 =	vimm.f32 $0.0e+00;
	v1 =	vimm.f32 $1.000000000e+00;
	s4 =	sadd.s32 $0x94A00, s5;
	s5 =	smax.u32 s6, $0x1;
	s6 =	simm.s32 $0x1  }
.LBB2_1:
0x9: {  	[tilespmem:s2], [sflag:$0x1] =	stream.linear.gather [hbm4b:s3+s2], $0x2780, $0x38;
	[tilespmem:$0x4F00] =	vst v63  }
0xa: {  	_ =	swait.ge [sflag:s6], $0x2780  }
0xb: {  	[sflag:s6] =	ssyncset.done $0x0  }
0xc: {  	s9 =	simm.s32 $0x0;
	[sflag:s6] =	ssyncadd.s32 $0xFFFFD880  }
.LBB2_2:
0xd: {  	p0 =	sne.s32 s9, $0x9C00  }
.Ltmp0:
0xe: {  	_ = 	snop;
	(pc) =	sbr.rel @p0 .LBB2_2-.Ltmp0, $3  }
0xf: {  	_ =	sdelay $0x1  }
0x10: {  	s10 =	sshra.s32 s9, $0x2  }
0x11: {  	s9 =	sadd.s32 $0x40, s9;
	[tilespmem:s10+$0x2780] =	vst v0  }
0x12: {  	s10 =	simm.s32 $0x0;
	s9 =	simm.s32 $0x40  }
.LBB2_4:
0x13: {  	p0 =	sne.s32 s9, $0x9C00;
	v2 =	vld [tilespmem:s10+$0x0];
	_ =	sdelay $0x3  }
.Ltmp1:
0x14: {  	(pc) =	sbr.rel @p0 .LBB2_4-.Ltmp1, $2  }
0x15: {  	_ =	sdelay $0x2  }
0x16: {  	s10 =	sshra.s32 s9, $0x2;
	s9 =	sadd.s32 $0x40, s9;
	[tilespmem:v2+s7+$0x0] =	vst.idx.add.f32.msk $0xffff, v1  }
0x17: {  	v2 =	vld [tilespmem:s10+$0x0];
	_ =	sdelay $0x5  }
0x18: {  	s8 =	sadd.s32 $0x1, s8  }
0x19: {  	p0 =	sne.s32 s8, s5  }
.Ltmp2:
0x1a: {  	[tilespmem:v2+s7+$0x0] =	vst.idx.add.f32.msk $0xffff, v1;
	(pc) =	sbr.rel @p0 .LBB2_1-.Ltmp2, $4  }
0x1b: {  	[hbm4b:s4+s2] =	stream.linear.scatter [tilespmem:s7], [sflag:$0x1], $0x2780, $0x38;
	[tilespmem:$0x4F00] =	vst v63  }
0x1c: {  	_ =	swait.ge [sflag:s6], $0x2780  }
0x1d: {  	[sflag:s6] =	ssyncset.done $0x0  }
0x1e: {  	[sflag:s6] =	ssyncadd.s32 $0xFFFFD880  }
0x1f: {  	_ =	sfence.sel $0x180000  }
0x20: {  	[bflag:$0x0] =	sbarrier.arrive $0xFFFF  }
0x21: {  	p0 =	sne.s32 s0, $0x0;
	_ =	strace $0x9000004A  }
0x22: {  	s0 =	sadd.s32 @!p0 $0x100000, s1;
	[bflag:$0x2] =	sbarrier.arrive $0xFFFF  }
0x23: {  	[sflag:s0] =	ssyncadd.tile.s32 @!p0 $0x1;
	_ =	shalt  }
.Lfunc_end2:
_tile_overlayer_lowered:
.L_overlay_start_2:
0x24: {  	(tag) =	ssettag $0x2  }
0x25: {  	s0 =	rddreg [dreg:$0x0];
	s2 =	stileid.u32  }
0x26: {  	s1 =	rddreg [dreg:$0x1];
	p0 =	sne.s32 s2, $0x0  }
0x27: {  	s3 =	rddreg [dreg:$0x2];
	[bflag:$0x3] =	sbarrier.arrive $0xFFFF;
	s2 =	simm.s32 @!p0 $0x1C01  }
0x28: {  	[timem:s3], [sflag:s2] =	dma.local @!p0 [hbm:s0], s1  }
0x29: {  	s0 =	simm.s32 @!p0 $0x1  }
0x2a: {  	_ =	swait.ge @!p0 [sflag:s0], s1  }
0x2b: {  	s1 =	ssub.s32 @!p0 $0x0, s1;
	[sflag:s0] =	ssyncset.done @!p0 $0x0  }
0x2c: {  	[sflag:s0] =	ssyncadd.s32 @!p0 s1  }
0x2d: {  	[bflag:$0x3] =	sbarrier.arrive $0xFFFF  }
0x2e: {  	_ =	shalt  }

</sc_bundles>
